<compile_context>
chip_gen: v7x
topology: tpu7x:2x2x1
jax: 0.10.2.dev20260603
libtpu: 0.0.44.dev20260713+nightly
codegen_flags: <defaults>
</compile_context>

<pallas_src>
import functools
import math

import jax
import jax.numpy as jnp
from jax import lax
from jax.experimental import pallas as pl
from jax.experimental.pallas import tpu as pltpu
from jax.experimental.pallas import tpu_sc as plsc

N = 10000
E = 320000
D = 128
H = 128
C = 40

NC = 2
NS = 16
NW = NC * NS
CHUNK = 128
NCHUNK = 80
HALF = NCHUNK // 2
EPT = NCHUNK * CHUNK
EP = NW * EPT
NP = 10112
RPT = NP // NS
TRASH = N


def _sc_mesh():
    return plsc.VectorSubcoreMesh(core_axis_name="c", subcore_axis_name="s")


def _sc_deg(idxp, zvec):

    @functools.partial(
        pl.kernel,
        out_type=jax.ShapeDtypeStruct((NC * NP,), jnp.float32),
        mesh=_sc_mesh(),
        scratch_types=[
            pltpu.VMEM((NCHUNK, 2, CHUNK), jnp.int32),
            pltpu.VMEM((CHUNK,), jnp.float32),
            pltpu.VMEM((RPT,), jnp.float32),
            pltpu.VMEM_SHARED((NP,), jnp.float32),
        ],
    )
    def k(idx_hbm, z_hbm, out_hbm, idxb, ones_v, zb, acc):
        cid = lax.axis_index("c")
        sid = lax.axis_index("s")
        wid = sid * NC + cid
        rbase = sid * RPT
        pltpu.sync_copy(idx_hbm.at[pl.ds(wid * NCHUNK, NCHUNK)], idxb)
        pltpu.sync_copy(z_hbm.at[pl.ds(rbase, RPT)], zb)
        pltpu.sync_copy(zb, acc.at[pl.ds(rbase, RPT)])
        for j in range(CHUNK // 16):
            ones_v[pl.ds(j * 16, 16)] = jnp.ones((16,), jnp.float32)
        plsc.subcore_barrier()

        def body(i, carry):
            pltpu.sync_copy(ones_v, acc.at[idxb.at[i, 1]], add=True)
            return carry

        lax.fori_loop(0, NCHUNK, body, 0)
        plsc.subcore_barrier()
        pltpu.sync_copy(acc.at[pl.ds(rbase, RPT)], zb)
        pltpu.sync_copy(zb, out_hbm.at[pl.ds(cid * NP + rbase, RPT)])

    return k(idxp, zvec)


def _sc_agg(hs, idxp, zmat):

    @functools.partial(
        pl.kernel,
        out_type=jax.ShapeDtypeStruct((NC * NP, H), jnp.float32),
        mesh=_sc_mesh(),
        scratch_types=[
            pltpu.VMEM((HALF, 2, CHUNK), jnp.int32),
            pltpu.VMEM((CHUNK, H), jnp.float32),
            pltpu.VMEM((CHUNK, H), jnp.float32),
            pltpu.VMEM_SHARED((NP, H), jnp.float32),
            pltpu.SemaphoreType.DMA,
            pltpu.SemaphoreType.DMA,
        ],
    )
    def k(hs_hbm, idx_hbm, z_hbm, out_hbm, idxb, rows0, rows1, acc,
          sem0, sem1):
        cid = lax.axis_index("c")
        sid = lax.axis_index("s")
        wid = sid * NC + cid
        rbase = sid * RPT
        rows = (rows0, rows1)
        sems = (sem0, sem1)

        def gstart(j, b):
            pltpu.async_copy(hs_hbm.at[idxb.at[j, 0]], rows[b], sems[b])

        def gwait(j, b):
            pltpu.make_async_copy(hs_hbm.at[idxb.at[j, 0]], rows[b],
                                  sems[b]).wait()

        def scat(j, b):
            pltpu.sync_copy(rows[b], acc.at[idxb.at[j, 1]], add=True)

        pltpu.sync_copy(idx_hbm.at[pl.ds(wid * NCHUNK, HALF)], idxb)
        pltpu.sync_copy(z_hbm.at[pl.ds(rbase, RPT)],
                        acc.at[pl.ds(rbase, RPT)])
        plsc.subcore_barrier()

        for phase in range(2):
            if phase == 1:
                pltpu.sync_copy(
                    idx_hbm.at[pl.ds(wid * NCHUNK + HALF, HALF)], idxb)
            gstart(0, 0)

            def body(kk, carry):
                j = 2 * kk
                gwait(j, 0)
                gstart(j + 1, 1)
                scat(j, 0)
                gwait(j + 1, 1)
                gstart(j + 2, 0)
                scat(j + 1, 1)
                return carry

            lax.fori_loop(0, HALF // 2 - 1, body, 0)
            j = HALF - 2
            gwait(j, 0)
            gstart(j + 1, 1)
            scat(j, 0)
            gwait(j + 1, 1)
            scat(j + 1, 1)
        plsc.subcore_barrier()
        pltpu.sync_copy(acc.at[pl.ds(rbase, RPT)],
                        out_hbm.at[pl.ds(cid * NP + rbase, RPT)])

    return k(hs, idxp, zmat)


_INV_LOG_C = 1.0 / math.log(float(C))


def _gate(h, wy, by, t1, t2):
    u = jnp.dot(h, wy, preferred_element_type=jnp.float32) + by
    m = jnp.max(u, axis=1, keepdims=True)
    e = jnp.exp(u - m)
    p = e / jnp.sum(e, axis=1, keepdims=True)
    ent = -jnp.sum(p * jnp.log(p + 1e-12), axis=1, keepdims=True)
    eta = ent * _INV_LOG_C
    return 0.5 * (jax.nn.sigmoid(t1 - eta) + jax.nn.sigmoid(t2 - eta))


def _pre_body(x_ref, w_ref, b_ref, d0_ref, d1_ref, hs_ref, nrm_ref):
    nrm = lax.rsqrt(jnp.maximum(d0_ref[...] + d1_ref[...], 1.0))
    t = jnp.dot(x_ref[...], w_ref[...], preferred_element_type=jnp.float32)
    hs_ref[...] = (t + b_ref[...]) * nrm
    nrm_ref[...] = nrm


def _mid1_body(p0_ref, p1_ref, w_ref, b_ref, wy_ref, by_ref, nrm_ref, tau_ref,
               h_ref, hs_ref, z_ref):
    nrm = nrm_ref[...]
    h = nrm * (p0_ref[...] + p1_ref[...])
    z = _gate(h, wy_ref[...], by_ref[...], tau_ref[0], tau_ref[1])
    t = jnp.dot(h, w_ref[...], preferred_element_type=jnp.float32)
    h_ref[...] = h
    hs_ref[...] = (t + b_ref[...]) * nrm
    z_ref[...] = z


def _mid2_body(p0_ref, p1_ref, hp_ref, zp_ref, w_ref, b_ref, wy_ref, by_ref,
               nrm_ref, tau_ref, h_ref, hs_ref, z_ref):
    nrm = nrm_ref[...]
    zp = zp_ref[...]
    agg = nrm * (p0_ref[...] + p1_ref[...])
    h = zp * agg + (1.0 - zp) * hp_ref[...]
    z = zp * _gate(h, wy_ref[...], by_ref[...], tau_ref[0], tau_ref[1])
    t = jnp.dot(h, w_ref[...], preferred_element_type=jnp.float32)
    h_ref[...] = h
    hs_ref[...] = (t + b_ref[...]) * nrm
    z_ref[...] = z


def _fin_body(p0_ref, p1_ref, hp_ref, zp_ref, wy_ref, by_ref, nrm_ref,
              out_ref):
    nrm = nrm_ref[...]
    zp = zp_ref[...]
    agg = nrm * (p0_ref[...] + p1_ref[...])
    h = zp * agg + (1.0 - zp) * hp_ref[...]
    out_ref[...] = (jnp.dot(h, wy_ref[...], preferred_element_type=jnp.float32)
                    + by_ref[...])


_R = 1000


def _row_spec():
    return pl.BlockSpec((_R, H), lambda i: (i, 0))


def _col_spec():
    return pl.BlockSpec((_R, 1), lambda i: (i, 0))


def _w_spec():
    return pl.BlockSpec((H, H), lambda i: (0, 0))


def _b_spec():
    return pl.BlockSpec((1, H), lambda i: (0, 0))


def _smem_spec():
    return pl.BlockSpec(memory_space=pltpu.SMEM)


def _rowout():
    return jax.ShapeDtypeStruct((N, H), jnp.float32)


def _colout():
    return jax.ShapeDtypeStruct((N, 1), jnp.float32)


def kernel(features, edge_index, W0, b0, W1, b1, W2, b2, Wy, by,
           init_weight_y, tau_1, tau_2):
    src = edge_index[0]
    dst = edge_index[1]
    pad_i = jnp.arange(EP - E, dtype=jnp.int32)
    srcp = jnp.concatenate([src, pad_i % N])
    dstp = jnp.concatenate([dst, TRASH + pad_i % (NP - N)])
    idxp = jnp.stack([srcp.reshape(-1, CHUNK), dstp.reshape(-1, CHUNK)],
                     axis=1)
    zvec = jnp.zeros((NP,), jnp.float32)
    zmat = jnp.zeros((NP, H), jnp.float32)
    taus = jnp.concatenate([tau_1, tau_2])
    b0r = b0.reshape(1, H)
    b1r = b1.reshape(1, H)
    b2r = b2.reshape(1, H)
    wy_m = jnp.pad(Wy, ((0, 0), (0, H - C)))
    by_m = jnp.pad(by, (0, H - C), constant_values=-1e30).reshape(1, H)
    by_z = jnp.pad(by, (0, H - C)).reshape(1, H)

    grid = (N // _R,)

    degparts = _sc_deg(idxp, zvec)
    d0 = degparts[:N].reshape(N, 1)
    d1 = degparts[NP:NP + N].reshape(N, 1)

    hs0, nrm = pl.pallas_call(
        _pre_body,
        grid=grid,
        in_specs=[_row_spec(), _w_spec(), _b_spec(), _col_spec(), _col_spec()],
        out_specs=[_row_spec(), _col_spec()],
        out_shape=[_rowout(), _colout()],
    )(features, W0, b0r, d0, d1)

    parts = _sc_agg(hs0, idxp, zmat)
    p0, p1 = parts[:N], parts[NP:NP + N]

    h1, hs1, z1 = pl.pallas_call(
        _mid1_body,
        grid=grid,
        in_specs=[_row_spec(), _row_spec(), _w_spec(), _b_spec(), _w_spec(),
                  _b_spec(), _col_spec(), _smem_spec()],
        out_specs=[_row_spec(), _row_spec(), _col_spec()],
        out_shape=[_rowout(), _rowout(), _colout()],
    )(p0, p1, W1, b1r, wy_m, by_m, nrm, taus)

    parts = _sc_agg(hs1, idxp, zmat)
    p0, p1 = parts[:N], parts[NP:NP + N]

    h2, hs2, z2 = pl.pallas_call(
        _mid2_body,
        grid=grid,
        in_specs=[_row_spec(), _row_spec(), _row_spec(), _col_spec(),
                  _w_spec(), _b_spec(), _w_spec(), _b_spec(), _col_spec(),
                  _smem_spec()],
        out_specs=[_row_spec(), _row_spec(), _col_spec()],
        out_shape=[_rowout(), _rowout(), _colout()],
    )(p0, p1, h1, z1, W2, b2r, wy_m, by_m, nrm, taus)

    parts = _sc_agg(hs2, idxp, zmat)
    p0, p1 = parts[:N], parts[NP:NP + N]

    outp = pl.pallas_call(
        _fin_body,
        grid=grid,
        in_specs=[_row_spec(), _row_spec(), _row_spec(), _col_spec(),
                  _w_spec(), _b_spec(), _col_spec()],
        out_specs=_row_spec(),
        out_shape=_rowout(),
    )(p0, p1, h2, z2, wy_m, by_z, nrm)

    output = outp[:, :C]
    all_z = jnp.concatenate([z1, z2], axis=1)
    return (output, all_z)

# --- scband reference (transcript-rebuilt; emitter-appended) ---
"""Pipeline reference for scband-adaptive-gnn-86964497809758 (READ-ONLY COPY).

The authoritative reference and input builder live on the scoring server;
editing this copy changes nothing except your own understanding.
"""

import jax, jax.numpy as jnp
import numpy as np

N = 10000
E = 320000
D = 128
H = 128
C = 40


def setup_inputs(seed: int = 0) -> dict:
    key = jax.random.key(seed)
    ks = jax.random.split(key, 12)
    features = jax.random.normal(ks[0], (N, D), jnp.float32)
    src = jax.random.randint(ks[1], (E,), 0, N)
    dst = jax.random.randint(ks[2], (E,), 0, N)
    edge_index = jnp.stack([src, dst]).astype(jnp.int32)
    W0 = jax.random.normal(ks[3], (D, H), jnp.float32) * (1.0 / np.sqrt(D))
    b0 = jnp.zeros((H,), jnp.float32)
    W1 = jax.random.normal(ks[4], (H, H), jnp.float32) * (1.0 / np.sqrt(H))
    b1 = jnp.zeros((H,), jnp.float32)
    W2 = jax.random.normal(ks[5], (H, H), jnp.float32) * (1.0 / np.sqrt(H))
    b2 = jnp.zeros((H,), jnp.float32)
    Wy = jax.random.normal(ks[6], (H, C), jnp.float32) * (1.0 / np.sqrt(H))
    by = jnp.zeros((C,), jnp.float32)
    init_weight_y = jax.random.normal(ks[7], (D, C), jnp.float32) * (1.0 / np.sqrt(D))
    tau_1 = jnp.full((1,), 0.5, jnp.float32)
    tau_2 = jnp.full((1,), 0.5, jnp.float32)
    return {"features": features, "edge_index": edge_index, "W0": W0, "b0": b0,
            "W1": W1, "b1": b1, "W2": W2, "b2": b2, "Wy": Wy, "by": by,
            "init_weight_y": init_weight_y, "tau_1": tau_1, "tau_2": tau_2}


def _norm(edge_index):
    src = edge_index[0]
    dst = edge_index[1]
    deg = jnp.zeros((N,), jnp.float32).at[dst].add(1.0)
    norm = jax.lax.rsqrt(jnp.clip(deg, 1.0, None))
    return src, dst, norm


def _agg(h, src, dst, norm):
    # symmetric-normalized message passing: gather on src, scatter-add on dst
    msg = h[src] * (norm[src] * norm[dst])[:, None]
    return jnp.zeros((N, h.shape[1]), h.dtype).at[dst].add(msg)


def _gated(h, agg_h, logits, old_z, tau_1, tau_2):
    ent = -jnp.sum(logits * jnp.log(logits + 1e-12), axis=1)
    eta = ent / jnp.log(float(C))
    g1 = jax.nn.sigmoid(tau_1[0] - eta)
    g2 = jax.nn.sigmoid(tau_2[0] - eta)
    z = old_z * 0.5 * (g1 + g2)
    h_new = z[:, None] * agg_h + (1.0 - z)[:, None] * h
    return h_new, z


def reference(features, edge_index, W0, b0, W1, b1, W2, b2, Wy, by, init_weight_y, tau_1, tau_2):
    src, dst, norm = _norm(edge_index)
    h = features
    # layer 0: logits computed from frozen init_weight_y but unused (as in original)
    _ = jax.nn.softmax(h @ init_weight_y, axis=1)
    h = _agg(h @ W0 + b0, src, dst, norm)
    old_z = jnp.ones((N,), jnp.float32)
    list_z = []
    for (W, b) in ((W1, b1), (W2, b2)):
        logits = jax.nn.softmax(h @ Wy + by, axis=1)
        agg_h = _agg(h @ W + b, src, dst, norm)
        h, old_z = _gated(h, agg_h, logits, old_z, tau_1, tau_2)
        list_z.append(old_z)
    output = h @ Wy + by
    all_z = jnp.stack(list_z, axis=1)
    return (output, all_z)

if __name__ == "__main__":
    import jax
    _d = setup_inputs()
    print(jax.jit(kernel)(*tuple(_d.values())))

</pallas_src>

<mosaic_0001>
#map = affine_map<(d0, d1) -> (0, 0)>
#map1 = affine_map<(d0, d1) -> (0, 0, 0)>
module attributes {stable_mosaic.version = 14 : i64} {
  func.func @k(%arg0: i32, %arg1: i32, %arg2: memref<10000x128xf32, #tpu.memory_space<hbm>>, %arg3: memref<2560x2x128xi32, #tpu.memory_space<hbm>>, %arg4: memref<10112x128xf32, #tpu.memory_space<hbm>>, %arg5: memref<20224x128xf32, #tpu.memory_space<hbm>>, %arg6: memref<40x2x128xi32, #tpu.memory_space<vmem>>, %arg7: memref<128x128xf32, #tpu.memory_space<vmem>>, %arg8: memref<128x128xf32, #tpu.memory_space<vmem>>, %arg9: memref<10112x128xf32, #tpu.memory_space<vmem_shared>>, %arg10: memref<!tpu.dma_semaphore, #tpu.memory_space<semaphore_mem>>, %arg11: memref<!tpu.dma_semaphore, #tpu.memory_space<semaphore_mem>>) attributes {dimension_semantics = [#tpu.dimension_semantics<core_parallel>, #tpu.dimension_semantics<subcore_parallel>], iteration_bounds = array<i64: 2, 16>, scalar_prefetch = 0 : i64, scratch_operands = 6 : i64, tpu.core_type = #tpu.core_type<sc_vector_subcore>, window_params = [{transform_indices = #map}, {transform_indices = #map1}, {transform_indices = #map}, {transform_indices = #map}]} {
    %mul3A = arith.constant 2 : i32
    %mul3A_0 = arith.muli %arg1, %mul3A : i32
    %add3A = arith.addi %mul3A_0, %arg0 : i32
    %mul3A_1 = arith.constant 632 : i32
    %mul3A_2 = arith.muli %arg1, %mul3A_1 : i32
    %mul3A_3 = arith.constant 80 : i32
    %mul3A_4 = arith.muli %add3A, %mul3A_3 : i32
    "tpu.region"() ({
      %run_scoped3A_93 = tpu.sem_alloc : memref<!tpu.dma_semaphore, #tpu.memory_space<semaphore_mem>>
      %dma_start3A_94 = arith.constant 0 : i32
      %dma_start3A_95 = arith.constant 0 : i32
      %dma_start3A_96 = tpu.memref_slice %arg3[%mul3A_4, %dma_start3A_94, %dma_start3A_95] : memref<2560x2x128xi32, #tpu.memory_space<hbm>> -> memref<40x2x128xi32, #tpu.memory_space<hbm>>
      %dma_start3A_97 = arith.constant 0 : i32
      %dma_start3A_98 = arith.constant 0 : i32
      %dma_start3A_99 = tpu.memref_slice %arg3[%mul3A_4, %dma_start3A_97, %dma_start3A_98] : memref<2560x2x128xi32, #tpu.memory_space<hbm>> -> memref<40x2x128xi32, #tpu.memory_space<hbm>>
      tpu.enqueue_dma source(%dma_start3A_99 : memref<40x2x128xi32, #tpu.memory_space<hbm>>) target(%arg6 : memref<40x2x128xi32, #tpu.memory_space<vmem>>) target_semaphore(%run_scoped3A_93 : memref<!tpu.dma_semaphore, #tpu.memory_space<semaphore_mem>>)
      %dma_wait3A_100 = arith.constant 0 : i32
      %dma_wait3A_101 = arith.constant 0 : i32
      %dma_wait3A_102 = tpu.memref_slice %arg3[%mul3A_4, %dma_wait3A_100, %dma_wait3A_101] : memref<2560x2x128xi32, #tpu.memory_space<hbm>> -> memref<40x2x128xi32, #tpu.memory_space<hbm>>
      %dma_wait3A_103 = arith.constant 0 : i32
      %dma_wait3A_104 = arith.constant 0 : i32
      %dma_wait3A_105 = tpu.memref_slice %arg3[%mul3A_4, %dma_wait3A_103, %dma_wait3A_104] : memref<2560x2x128xi32, #tpu.memory_space<hbm>> -> memref<40x2x128xi32, #tpu.memory_space<hbm>>
      tpu.wait_dma2 semaphore(%run_scoped3A_93 : memref<!tpu.dma_semaphore, #tpu.memory_space<semaphore_mem>>) src(%dma_wait3A_105 : memref<40x2x128xi32, #tpu.memory_space<hbm>>) dst(%arg6 : memref<40x2x128xi32, #tpu.memory_space<vmem>>)
      tpu.yield
    }) : () -> ()
    "tpu.region"() ({
      %run_scoped3A_93 = tpu.sem_alloc : memref<!tpu.dma_semaphore, #tpu.memory_space<semaphore_mem>>
      %dma_start3A_94 = arith.constant 0 : i32
      %dma_start3A_95 = tpu.memref_slice %arg9[%mul3A_2, %dma_start3A_94] : memref<10112x128xf32, #tpu.memory_space<vmem_shared>> -> memref<632x128xf32, #tpu.memory_space<vmem_shared>>
      %dma_start3A_96 = arith.constant 0 : i32
      %dma_start3A_97 = tpu.memref_slice %arg4[%mul3A_2, %dma_start3A_96] : memref<10112x128xf32, #tpu.memory_space<hbm>> -> memref<632x128xf32, #tpu.memory_space<hbm>>
      tpu.enqueue_dma source(%dma_start3A_97 : memref<632x128xf32, #tpu.memory_space<hbm>>) target(%dma_start3A_95 : memref<632x128xf32, #tpu.memory_space<vmem_shared>>) target_semaphore(%run_scoped3A_93 : memref<!tpu.dma_semaphore, #tpu.memory_space<semaphore_mem>>)
      %dma_wait3A_98 = arith.constant 0 : i32
      %dma_wait3A_99 = tpu.memref_slice %arg9[%mul3A_2, %dma_wait3A_98] : memref<10112x128xf32, #tpu.memory_space<vmem_shared>> -> memref<632x128xf32, #tpu.memory_space<vmem_shared>>
      %dma_wait3A_100 = arith.constant 0 : i32
      %dma_wait3A_101 = tpu.memref_slice %arg4[%mul3A_2, %dma_wait3A_100] : memref<10112x128xf32, #tpu.memory_space<hbm>> -> memref<632x128xf32, #tpu.memory_space<hbm>>
      tpu.wait_dma2 semaphore(%run_scoped3A_93 : memref<!tpu.dma_semaphore, #tpu.memory_space<semaphore_mem>>) src(%dma_wait3A_101 : memref<632x128xf32, #tpu.memory_space<hbm>>) dst(%dma_wait3A_99 : memref<632x128xf32, #tpu.memory_space<vmem_shared>>)
      tpu.yield
    }) : () -> ()
    %barrier3A = arith.constant 0 : index
    tpu.barrier barrier_id(%barrier3A)
    %dma_start3A = arith.constant 0 : i32
    %dma_start3A_5 = arith.constant 0 : i32
    %dma_start3A_6 = arith.constant 0 : i32
    %dma_start3A_7 = tpu.memref_slice %arg6[%dma_start3A, %dma_start3A_5, %dma_start3A_6] : memref<40x2x128xi32, #tpu.memory_space<vmem>> -> memref<1x1x128xi32, #tpu.memory_space<vmem>>
    %dma_start3A_8 = tpu.memref_squeeze %dma_start3A_7 : memref<1x1x128xi32, #tpu.memory_space<vmem>> -> memref<128xi32, #tpu.memory_space<vmem>>
    %dma_start3A_9 = arith.constant 0 : i32
    %dma_start3A_10 = arith.constant 0 : i32
    %dma_start3A_11 = tpu.memref_slice %arg2[%dma_start3A_9, %dma_start3A_10] : memref<10000x128xf32, #tpu.memory_space<hbm>> -> memref<10000x128xf32, #tpu.memory_space<hbm>>
    tpu.enqueue_indirect_dma source(%dma_start3A_11 : memref<10000x128xf32, #tpu.memory_space<hbm>>) target(%arg7 : memref<128x128xf32, #tpu.memory_space<vmem>>) offsets(%dma_start3A_8 : memref<128xi32, #tpu.memory_space<vmem>>) semaphore(%arg10 : memref<!tpu.dma_semaphore, #tpu.memory_space<semaphore_mem>>)
    %scan3A = arith.constant 0 : i32
    %scan3A_12 = arith.constant 0 : i32
    %scan3A_13 = arith.constant 19 : i32
    %scan3A_14 = arith.addi %scan3A_12, %scan3A_13 : i32
    %scan3A_15 = arith.constant 1 : i32
    scf.for %scan3A_93 = %scan3A_12 to %scan3A_14 step %scan3A_15  : i32 {
      %mul3A_94 = arith.constant 2 : i32
      %mul3A_95 = arith.muli %mul3A_94, %scan3A_93 : i32
      %dma_wait3A_96 = arith.constant 0 : i32
      %dma_wait3A_97 = arith.constant 0 : i32
      %dma_wait3A_98 = tpu.memref_slice %arg6[%mul3A_95, %dma_wait3A_96, %dma_wait3A_97] : memref<40x2x128xi32, #tpu.memory_space<vmem>> -> memref<1x1x128xi32, #tpu.memory_space<vmem>>
      %dma_wait3A_99 = tpu.memref_squeeze %dma_wait3A_98 : memref<1x1x128xi32, #tpu.memory_space<vmem>> -> memref<128xi32, #tpu.memory_space<vmem>>
      %dma_wait3A_100 = arith.constant 0 : i32
      %dma_wait3A_101 = arith.constant 0 : i32
      %dma_wait3A_102 = tpu.memref_slice %arg2[%dma_wait3A_100, %dma_wait3A_101] : memref<10000x128xf32, #tpu.memory_space<hbm>> -> memref<10000x128xf32, #tpu.memory_space<hbm>>
      tpu.wait_indirect_dma semaphore(%arg10 : memref<!tpu.dma_semaphore, #tpu.memory_space<semaphore_mem>>) src(%dma_wait3A_102 : memref<10000x128xf32, #tpu.memory_space<hbm>>) dst(%arg7 : memref<128x128xf32, #tpu.memory_space<vmem>>)
      %add3A_103 = arith.constant 1 : i32
      %add3A_104 = arith.addi %mul3A_95, %add3A_103 : i32
      %dma_start3A_105 = arith.constant 0 : i32
      %dma_start3A_106 = arith.constant 0 : i32
      %dma_start3A_107 = tpu.memref_slice %arg6[%add3A_104, %dma_start3A_105, %dma_start3A_106] : memref<40x2x128xi32, #tpu.memory_space<vmem>> -> memref<1x1x128xi32, #tpu.memory_space<vmem>>
      %dma_start3A_108 = tpu.memref_squeeze %dma_start3A_107 : memref<1x1x128xi32, #tpu.memory_space<vmem>> -> memref<128xi32, #tpu.memory_space<vmem>>
      %dma_start3A_109 = arith.constant 0 : i32
      %dma_start3A_110 = arith.constant 0 : i32
      %dma_start3A_111 = tpu.memref_slice %arg2[%dma_start3A_109, %dma_start3A_110] : memref<10000x128xf32, #tpu.memory_space<hbm>> -> memref<10000x128xf32, #tpu.memory_space<hbm>>
      tpu.enqueue_indirect_dma source(%dma_start3A_111 : memref<10000x128xf32, #tpu.memory_space<hbm>>) target(%arg8 : memref<128x128xf32, #tpu.memory_space<vmem>>) offsets(%dma_start3A_108 : memref<128xi32, #tpu.memory_space<vmem>>) semaphore(%arg11 : memref<!tpu.dma_semaphore, #tpu.memory_space<semaphore_mem>>)
      %run_scoped3A_112 = arith.constant 1 : i32
      "tpu.region"() ({
        %run_scoped3A_134 = tpu.sem_alloc : memref<!tpu.dma_semaphore, #tpu.memory_space<semaphore_mem>>
        %dma_start3A_135 = arith.constant 0 : i32
        %dma_start3A_136 = tpu.memref_slice %arg6[%mul3A_95, %run_scoped3A_112, %dma_start3A_135] : memref<40x2x128xi32, #tpu.memory_space<vmem>> -> memref<1x1x128xi32, #tpu.memory_space<vmem>>
        %dma_start3A_137 = tpu.memref_squeeze %dma_start3A_136 : memref<1x1x128xi32, #tpu.memory_space<vmem>> -> memref<128xi32, #tpu.memory_space<vmem>>
        %dma_start3A_138 = arith.constant 0 : i32
        %dma_start3A_139 = arith.constant 0 : i32
        %dma_start3A_140 = tpu.memref_slice %arg9[%dma_start3A_138, %dma_start3A_139] : memref<10112x128xf32, #tpu.memory_space<vmem_shared>> -> memref<10112x128xf32, #tpu.memory_space<vmem_shared>>
        tpu.enqueue_indirect_dma source(%arg7 : memref<128x128xf32, #tpu.memory_space<vmem>>) target(%dma_start3A_140 : memref<10112x128xf32, #tpu.memory_space<vmem_shared>>) offsets(%dma_start3A_137 : memref<128xi32, #tpu.memory_space<vmem>>) semaphore(%run_scoped3A_134 : memref<!tpu.dma_semaphore, #tpu.memory_space<semaphore_mem>>) {add = true}
        %dma_wait3A_141 = arith.constant 0 : i32
        %dma_wait3A_142 = tpu.memref_slice %arg6[%mul3A_95, %run_scoped3A_112, %dma_wait3A_141] : memref<40x2x128xi32, #tpu.memory_space<vmem>> -> memref<1x1x128xi32, #tpu.memory_space<vmem>>
        %dma_wait3A_143 = tpu.memref_squeeze %dma_wait3A_142 : memref<1x1x128xi32, #tpu.memory_space<vmem>> -> memref<128xi32, #tpu.memory_space<vmem>>
        %dma_wait3A_144 = arith.constant 0 : i32
        %dma_wait3A_145 = arith.constant 0 : i32
        %dma_wait3A_146 = tpu.memref_slice %arg9[%dma_wait3A_144, %dma_wait3A_145] : memref<10112x128xf32, #tpu.memory_space<vmem_shared>> -> memref<10112x128xf32, #tpu.memory_space<vmem_shared>>
        tpu.wait_indirect_dma semaphore(%run_scoped3A_134 : memref<!tpu.dma_semaphore, #tpu.memory_space<semaphore_mem>>) src(%arg7 : memref<128x128xf32, #tpu.memory_space<vmem>>) dst(%dma_wait3A_146 : memref<10112x128xf32, #tpu.memory_space<vmem_shared>>)
        tpu.yield
      }) : () -> ()
      %add3A_113 = arith.constant 1 : i32
      %add3A_114 = arith.addi %mul3A_95, %add3A_113 : i32
      %dma_wait3A_115 = arith.constant 0 : i32
      %dma_wait3A_116 = arith.constant 0 : i32
      %dma_wait3A_117 = tpu.memref_slice %arg6[%add3A_114, %dma_wait3A_115, %dma_wait3A_116] : memref<40x2x128xi32, #tpu.memory_space<vmem>> -> memref<1x1x128xi32, #tpu.memory_space<vmem>>
      %dma_wait3A_118 = tpu.memref_squeeze %dma_wait3A_117 : memref<1x1x128xi32, #tpu.memory_space<vmem>> -> memref<128xi32, #tpu.memory_space<vmem>>
      %dma_wait3A_119 = arith.constant 0 : i32
      %dma_wait3A_120 = arith.constant 0 : i32
      %dma_wait3A_121 = tpu.memref_slice %arg2[%dma_wait3A_119, %dma_wait3A_120] : memref<10000x128xf32, #tpu.memory_space<hbm>> -> memref<10000x128xf32, #tpu.memory_space<hbm>>
      tpu.wait_indirect_dma semaphore(%arg11 : memref<!tpu.dma_semaphore, #tpu.memory_space<semaphore_mem>>) src(%dma_wait3A_121 : memref<10000x128xf32, #tpu.memory_space<hbm>>) dst(%arg8 : memref<128x128xf32, #tpu.memory_space<vmem>>)
      %add3A_122 = arith.constant 2 : i32
      %add3A_123 = arith.addi %mul3A_95, %add3A_122 : i32
      %dma_start3A_124 = arith.constant 0 : i32
      %dma_start3A_125 = arith.constant 0 : i32
      %dma_start3A_126 = tpu.memref_slice %arg6[%add3A_123, %dma_start3A_124, %dma_start3A_125] : memref<40x2x128xi32, #tpu.memory_space<vmem>> -> memref<1x1x128xi32, #tpu.memory_space<vmem>>
      %dma_start3A_127 = tpu.memref_squeeze %dma_start3A_126 : memref<1x1x128xi32, #tpu.memory_space<vmem>> -> memref<128xi32, #tpu.memory_space<vmem>>
      %dma_start3A_128 = arith.constant 0 : i32
      %dma_start3A_129 = arith.constant 0 : i32
      %dma_start3A_130 = tpu.memref_slice %arg2[%dma_start3A_128, %dma_start3A_129] : memref<10000x128xf32, #tpu.memory_space<hbm>> -> memref<10000x128xf32, #tpu.memory_space<hbm>>
      tpu.enqueue_indirect_dma source(%dma_start3A_130 : memref<10000x128xf32, #tpu.memory_space<hbm>>) target(%arg7 : memref<128x128xf32, #tpu.memory_space<vmem>>) offsets(%dma_start3A_127 : memref<128xi32, #tpu.memory_space<vmem>>) semaphore(%arg10 : memref<!tpu.dma_semaphore, #tpu.memory_space<semaphore_mem>>)
      %add3A_131 = arith.constant 1 : i32
      %add3A_132 = arith.addi %mul3A_95, %add3A_131 : i32
      %run_scoped3A_133 = arith.constant 1 : i32
      "tpu.region"() ({
        %run_scoped3A_134 = tpu.sem_alloc : memref<!tpu.dma_semaphore, #tpu.memory_space<semaphore_mem>>
        %dma_start3A_135 = arith.constant 0 : i32
        %dma_start3A_136 = tpu.memref_slice %arg6[%add3A_132, %run_scoped3A_133, %dma_start3A_135] : memref<40x2x128xi32, #tpu.memory_space<vmem>> -> memref<1x1x128xi32, #tpu.memory_space<vmem>>
        %dma_start3A_137 = tpu.memref_squeeze %dma_start3A_136 : memref<1x1x128xi32, #tpu.memory_space<vmem>> -> memref<128xi32, #tpu.memory_space<vmem>>
        %dma_start3A_138 = arith.constant 0 : i32
        %dma_start3A_139 = arith.constant 0 : i32
        %dma_start3A_140 = tpu.memref_slice %arg9[%dma_start3A_138, %dma_start3A_139] : memref<10112x128xf32, #tpu.memory_space<vmem_shared>> -> memref<10112x128xf32, #tpu.memory_space<vmem_shared>>
        tpu.enqueue_indirect_dma source(%arg8 : memref<128x128xf32, #tpu.memory_space<vmem>>) target(%dma_start3A_140 : memref<10112x128xf32, #tpu.memory_space<vmem_shared>>) offsets(%dma_start3A_137 : memref<128xi32, #tpu.memory_space<vmem>>) semaphore(%run_scoped3A_134 : memref<!tpu.dma_semaphore, #tpu.memory_space<semaphore_mem>>) {add = true}
        %dma_wait3A_141 = arith.constant 0 : i32
        %dma_wait3A_142 = tpu.memref_slice %arg6[%add3A_132, %run_scoped3A_133, %dma_wait3A_141] : memref<40x2x128xi32, #tpu.memory_space<vmem>> -> memref<1x1x128xi32, #tpu.memory_space<vmem>>
        %dma_wait3A_143 = tpu.memref_squeeze %dma_wait3A_142 : memref<1x1x128xi32, #tpu.memory_space<vmem>> -> memref<128xi32, #tpu.memory_space<vmem>>
        %dma_wait3A_144 = arith.constant 0 : i32
        %dma_wait3A_145 = arith.constant 0 : i32
        %dma_wait3A_146 = tpu.memref_slice %arg9[%dma_wait3A_144, %dma_wait3A_145] : memref<10112x128xf32, #tpu.memory_space<vmem_shared>> -> memref<10112x128xf32, #tpu.memory_space<vmem_shared>>
        tpu.wait_indirect_dma semaphore(%run_scoped3A_134 : memref<!tpu.dma_semaphore, #tpu.memory_space<semaphore_mem>>) src(%arg8 : memref<128x128xf32, #tpu.memory_space<vmem>>) dst(%dma_wait3A_146 : memref<10112x128xf32, #tpu.memory_space<vmem_shared>>)
        tpu.yield
      }) : () -> ()
    }
    %scan3A_16 = arith.constant 19 : i32
    %dma_wait3A = arith.constant 38 : i32
    %dma_wait3A_17 = arith.constant 0 : i32
    %dma_wait3A_18 = arith.constant 0 : i32
    %dma_wait3A_19 = tpu.memref_slice %arg6[%dma_wait3A, %dma_wait3A_17, %dma_wait3A_18] : memref<40x2x128xi32, #tpu.memory_space<vmem>> -> memref<1x1x128xi32, #tpu.memory_space<vmem>>
    %dma_wait3A_20 = tpu.memref_squeeze %dma_wait3A_19 : memref<1x1x128xi32, #tpu.memory_space<vmem>> -> memref<128xi32, #tpu.memory_space<vmem>>
    %dma_wait3A_21 = arith.constant 0 : i32
    %dma_wait3A_22 = arith.constant 0 : i32
    %dma_wait3A_23 = tpu.memref_slice %arg2[%dma_wait3A_21, %dma_wait3A_22] : memref<10000x128xf32, #tpu.memory_space<hbm>> -> memref<10000x128xf32, #tpu.memory_space<hbm>>
    tpu.wait_indirect_dma semaphore(%arg10 : memref<!tpu.dma_semaphore, #tpu.memory_space<semaphore_mem>>) src(%dma_wait3A_23 : memref<10000x128xf32, #tpu.memory_space<hbm>>) dst(%arg7 : memref<128x128xf32, #tpu.memory_space<vmem>>)
    %dma_start3A_24 = arith.constant 39 : i32
    %dma_start3A_25 = arith.constant 0 : i32
    %dma_start3A_26 = arith.constant 0 : i32
    %dma_start3A_27 = tpu.memref_slice %arg6[%dma_start3A_24, %dma_start3A_25, %dma_start3A_26] : memref<40x2x128xi32, #tpu.memory_space<vmem>> -> memref<1x1x128xi32, #tpu.memory_space<vmem>>
    %dma_start3A_28 = tpu.memref_squeeze %dma_start3A_27 : memref<1x1x128xi32, #tpu.memory_space<vmem>> -> memref<128xi32, #tpu.memory_space<vmem>>
    %dma_start3A_29 = arith.constant 0 : i32
    %dma_start3A_30 = arith.constant 0 : i32
    %dma_start3A_31 = tpu.memref_slice %arg2[%dma_start3A_29, %dma_start3A_30] : memref<10000x128xf32, #tpu.memory_space<hbm>> -> memref<10000x128xf32, #tpu.memory_space<hbm>>
    tpu.enqueue_indirect_dma source(%dma_start3A_31 : memref<10000x128xf32, #tpu.memory_space<hbm>>) target(%arg8 : memref<128x128xf32, #tpu.memory_space<vmem>>) offsets(%dma_start3A_28 : memref<128xi32, #tpu.memory_space<vmem>>) semaphore(%arg11 : memref<!tpu.dma_semaphore, #tpu.memory_space<semaphore_mem>>)
    %run_scoped3A = arith.constant 38 : i32
    %run_scoped3A_32 = arith.constant 1 : i32
    "tpu.region"() ({
      %run_scoped3A_93 = tpu.sem_alloc : memref<!tpu.dma_semaphore, #tpu.memory_space<semaphore_mem>>
      %dma_start3A_94 = arith.constant 0 : i32
      %dma_start3A_95 = tpu.memref_slice %arg6[%run_scoped3A, %run_scoped3A_32, %dma_start3A_94] : memref<40x2x128xi32, #tpu.memory_space<vmem>> -> memref<1x1x128xi32, #tpu.memory_space<vmem>>
      %dma_start3A_96 = tpu.memref_squeeze %dma_start3A_95 : memref<1x1x128xi32, #tpu.memory_space<vmem>> -> memref<128xi32, #tpu.memory_space<vmem>>
      %dma_start3A_97 = arith.constant 0 : i32
      %dma_start3A_98 = arith.constant 0 : i32
      %dma_start3A_99 = tpu.memref_slice %arg9[%dma_start3A_97, %dma_start3A_98] : memref<10112x128xf32, #tpu.memory_space<vmem_shared>> -> memref<10112x128xf32, #tpu.memory_space<vmem_shared>>
      tpu.enqueue_indirect_dma source(%arg7 : memref<128x128xf32, #tpu.memory_space<vmem>>) target(%dma_start3A_99 : memref<10112x128xf32, #tpu.memory_space<vmem_shared>>) offsets(%dma_start3A_96 : memref<128xi32, #tpu.memory_space<vmem>>) semaphore(%run_scoped3A_93 : memref<!tpu.dma_semaphore, #tpu.memory_space<semaphore_mem>>) {add = true}
      %dma_wait3A_100 = arith.constant 0 : i32
      %dma_wait3A_101 = tpu.memref_slice %arg6[%run_scoped3A, %run_scoped3A_32, %dma_wait3A_100] : memref<40x2x128xi32, #tpu.memory_space<vmem>> -> memref<1x1x128xi32, #tpu.memory_space<vmem>>
      %dma_wait3A_102 = tpu.memref_squeeze %dma_wait3A_101 : memref<1x1x128xi32, #tpu.memory_space<vmem>> -> memref<128xi32, #tpu.memory_space<vmem>>
      %dma_wait3A_103 = arith.constant 0 : i32
      %dma_wait3A_104 = arith.constant 0 : i32
      %dma_wait3A_105 = tpu.memref_slice %arg9[%dma_wait3A_103, %dma_wait3A_104] : memref<10112x128xf32, #tpu.memory_space<vmem_shared>> -> memref<10112x128xf32, #tpu.memory_space<vmem_shared>>
      tpu.wait_indirect_dma semaphore(%run_scoped3A_93 : memref<!tpu.dma_semaphore, #tpu.memory_space<semaphore_mem>>) src(%arg7 : memref<128x128xf32, #tpu.memory_space<vmem>>) dst(%dma_wait3A_105 : memref<10112x128xf32, #tpu.memory_space<vmem_shared>>)
      tpu.yield
    }) : () -> ()
    %dma_wait3A_33 = arith.constant 39 : i32
    %dma_wait3A_34 = arith.constant 0 : i32
    %dma_wait3A_35 = arith.constant 0 : i32
    %dma_wait3A_36 = tpu.memref_slice %arg6[%dma_wait3A_33, %dma_wait3A_34, %dma_wait3A_35] : memref<40x2x128xi32, #tpu.memory_space<vmem>> -> memref<1x1x128xi32, #tpu.memory_space<vmem>>
    %dma_wait3A_37 = tpu.memref_squeeze %dma_wait3A_36 : memref<1x1x128xi32, #tpu.memory_space<vmem>> -> memref<128xi32, #tpu.memory_space<vmem>>
    %dma_wait3A_38 = arith.constant 0 : i32
    %dma_wait3A_39 = arith.constant 0 : i32
    %dma_wait3A_40 = tpu.memref_slice %arg2[%dma_wait3A_38, %dma_wait3A_39] : memref<10000x128xf32, #tpu.memory_space<hbm>> -> memref<10000x128xf32, #tpu.memory_space<hbm>>
    tpu.wait_indirect_dma semaphore(%arg11 : memref<!tpu.dma_semaphore, #tpu.memory_space<semaphore_mem>>) src(%dma_wait3A_40 : memref<10000x128xf32, #tpu.memory_space<hbm>>) dst(%arg8 : memref<128x128xf32, #tpu.memory_space<vmem>>)
    %run_scoped3A_41 = arith.constant 39 : i32
    %run_scoped3A_42 = arith.constant 1 : i32
    "tpu.region"() ({
      %run_scoped3A_93 = tpu.sem_alloc : memref<!tpu.dma_semaphore, #tpu.memory_space<semaphore_mem>>
      %dma_start3A_94 = arith.constant 0 : i32
      %dma_start3A_95 = tpu.memref_slice %arg6[%run_scoped3A_41, %run_scoped3A_42, %dma_start3A_94] : memref<40x2x128xi32, #tpu.memory_space<vmem>> -> memref<1x1x128xi32, #tpu.memory_space<vmem>>
      %dma_start3A_96 = tpu.memref_squeeze %dma_start3A_95 : memref<1x1x128xi32, #tpu.memory_space<vmem>> -> memref<128xi32, #tpu.memory_space<vmem>>
      %dma_start3A_97 = arith.constant 0 : i32
      %dma_start3A_98 = arith.constant 0 : i32
      %dma_start3A_99 = tpu.memref_slice %arg9[%dma_start3A_97, %dma_start3A_98] : memref<10112x128xf32, #tpu.memory_space<vmem_shared>> -> memref<10112x128xf32, #tpu.memory_space<vmem_shared>>
      tpu.enqueue_indirect_dma source(%arg8 : memref<128x128xf32, #tpu.memory_space<vmem>>) target(%dma_start3A_99 : memref<10112x128xf32, #tpu.memory_space<vmem_shared>>) offsets(%dma_start3A_96 : memref<128xi32, #tpu.memory_space<vmem>>) semaphore(%run_scoped3A_93 : memref<!tpu.dma_semaphore, #tpu.memory_space<semaphore_mem>>) {add = true}
      %dma_wait3A_100 = arith.constant 0 : i32
      %dma_wait3A_101 = tpu.memref_slice %arg6[%run_scoped3A_41, %run_scoped3A_42, %dma_wait3A_100] : memref<40x2x128xi32, #tpu.memory_space<vmem>> -> memref<1x1x128xi32, #tpu.memory_space<vmem>>
      %dma_wait3A_102 = tpu.memref_squeeze %dma_wait3A_101 : memref<1x1x128xi32, #tpu.memory_space<vmem>> -> memref<128xi32, #tpu.memory_space<vmem>>
      %dma_wait3A_103 = arith.constant 0 : i32
      %dma_wait3A_104 = arith.constant 0 : i32
      %dma_wait3A_105 = tpu.memref_slice %arg9[%dma_wait3A_103, %dma_wait3A_104] : memref<10112x128xf32, #tpu.memory_space<vmem_shared>> -> memref<10112x128xf32, #tpu.memory_space<vmem_shared>>
      tpu.wait_indirect_dma semaphore(%run_scoped3A_93 : memref<!tpu.dma_semaphore, #tpu.memory_space<semaphore_mem>>) src(%arg8 : memref<128x128xf32, #tpu.memory_space<vmem>>) dst(%dma_wait3A_105 : memref<10112x128xf32, #tpu.memory_space<vmem_shared>>)
      tpu.yield
    }) : () -> ()
    %mul3A_43 = arith.constant 80 : i32
    %mul3A_44 = arith.muli %add3A, %mul3A_43 : i32
    %add3A_45 = arith.constant 40 : i32
    %add3A_46 = arith.addi %mul3A_44, %add3A_45 : i32
    "tpu.region"() ({
      %run_scoped3A_93 = tpu.sem_alloc : memref<!tpu.dma_semaphore, #tpu.memory_space<semaphore_mem>>
      %dma_start3A_94 = arith.constant 0 : i32
      %dma_start3A_95 = arith.constant 0 : i32
      %dma_start3A_96 = tpu.memref_slice %arg3[%add3A_46, %dma_start3A_94, %dma_start3A_95] : memref<2560x2x128xi32, #tpu.memory_space<hbm>> -> memref<40x2x128xi32, #tpu.memory_space<hbm>>
      %dma_start3A_97 = arith.constant 0 : i32
      %dma_start3A_98 = arith.constant 0 : i32
      %dma_start3A_99 = tpu.memref_slice %arg3[%add3A_46, %dma_start3A_97, %dma_start3A_98] : memref<2560x2x128xi32, #tpu.memory_space<hbm>> -> memref<40x2x128xi32, #tpu.memory_space<hbm>>
      tpu.enqueue_dma source(%dma_start3A_99 : memref<40x2x128xi32, #tpu.memory_space<hbm>>) target(%arg6 : memref<40x2x128xi32, #tpu.memory_space<vmem>>) target_semaphore(%run_scoped3A_93 : memref<!tpu.dma_semaphore, #tpu.memory_space<semaphore_mem>>)
      %dma_wait3A_100 = arith.constant 0 : i32
      %dma_wait3A_101 = arith.constant 0 : i32
      %dma_wait3A_102 = tpu.memref_slice %arg3[%add3A_46, %dma_wait3A_100, %dma_wait3A_101] : memref<2560x2x128xi32, #tpu.memory_space<hbm>> -> memref<40x2x128xi32, #tpu.memory_space<hbm>>
      %dma_wait3A_103 = arith.constant 0 : i32
      %dma_wait3A_104 = arith.constant 0 : i32
      %dma_wait3A_105 = tpu.memref_slice %arg3[%add3A_46, %dma_wait3A_103, %dma_wait3A_104] : memref<2560x2x128xi32, #tpu.memory_space<hbm>> -> memref<40x2x128xi32, #tpu.memory_space<hbm>>
      tpu.wait_dma2 semaphore(%run_scoped3A_93 : memref<!tpu.dma_semaphore, #tpu.memory_space<semaphore_mem>>) src(%dma_wait3A_105 : memref<40x2x128xi32, #tpu.memory_space<hbm>>) dst(%arg6 : memref<40x2x128xi32, #tpu.memory_space<vmem>>)
      tpu.yield
    }) : () -> ()
    %dma_start3A_47 = arith.constant 0 : i32
    %dma_start3A_48 = arith.constant 0 : i32
    %dma_start3A_49 = arith.constant 0 : i32
    %dma_start3A_50 = tpu.memref_slice %arg6[%dma_start3A_47, %dma_start3A_48, %dma_start3A_49] : memref<40x2x128xi32, #tpu.memory_space<vmem>> -> memref<1x1x128xi32, #tpu.memory_space<vmem>>
    %dma_start3A_51 = tpu.memref_squeeze %dma_start3A_50 : memref<1x1x128xi32, #tpu.memory_space<vmem>> -> memref<128xi32, #tpu.memory_space<vmem>>
    %dma_start3A_52 = arith.constant 0 : i32
    %dma_start3A_53 = arith.constant 0 : i32
    %dma_start3A_54 = tpu.memref_slice %arg2[%dma_start3A_52, %dma_start3A_53] : memref<10000x128xf32, #tpu.memory_space<hbm>> -> memref<10000x128xf32, #tpu.memory_space<hbm>>
    tpu.enqueue_indirect_dma source(%dma_start3A_54 : memref<10000x128xf32, #tpu.memory_space<hbm>>) target(%arg7 : memref<128x128xf32, #tpu.memory_space<vmem>>) offsets(%dma_start3A_51 : memref<128xi32, #tpu.memory_space<vmem>>) semaphore(%arg10 : memref<!tpu.dma_semaphore, #tpu.memory_space<semaphore_mem>>)
    %scan3A_55 = arith.constant 0 : i32
    %scan3A_56 = arith.constant 0 : i32
    %scan3A_57 = arith.constant 19 : i32
    %scan3A_58 = arith.addi %scan3A_56, %scan3A_57 : i32
    %scan3A_59 = arith.constant 1 : i32
    scf.for %scan3A_93 = %scan3A_56 to %scan3A_58 step %scan3A_59  : i32 {
      %mul3A_94 = arith.constant 2 : i32
      %mul3A_95 = arith.muli %mul3A_94, %scan3A_93 : i32
      %dma_wait3A_96 = arith.constant 0 : i32
      %dma_wait3A_97 = arith.constant 0 : i32
      %dma_wait3A_98 = tpu.memref_slice %arg6[%mul3A_95, %dma_wait3A_96, %dma_wait3A_97] : memref<40x2x128xi32, #tpu.memory_space<vmem>> -> memref<1x1x128xi32, #tpu.memory_space<vmem>>
      %dma_wait3A_99 = tpu.memref_squeeze %dma_wait3A_98 : memref<1x1x128xi32, #tpu.memory_space<vmem>> -> memref<128xi32, #tpu.memory_space<vmem>>
      %dma_wait3A_100 = arith.constant 0 : i32
      %dma_wait3A_101 = arith.constant 0 : i32
      %dma_wait3A_102 = tpu.memref_slice %arg2[%dma_wait3A_100, %dma_wait3A_101] : memref<10000x128xf32, #tpu.memory_space<hbm>> -> memref<10000x128xf32, #tpu.memory_space<hbm>>
      tpu.wait_indirect_dma semaphore(%arg10 : memref<!tpu.dma_semaphore, #tpu.memory_space<semaphore_mem>>) src(%dma_wait3A_102 : memref<10000x128xf32, #tpu.memory_space<hbm>>) dst(%arg7 : memref<128x128xf32, #tpu.memory_space<vmem>>)
      %add3A_103 = arith.constant 1 : i32
      %add3A_104 = arith.addi %mul3A_95, %add3A_103 : i32
      %dma_start3A_105 = arith.constant 0 : i32
      %dma_start3A_106 = arith.constant 0 : i32
      %dma_start3A_107 = tpu.memref_slice %arg6[%add3A_104, %dma_start3A_105, %dma_start3A_106] : memref<40x2x128xi32, #tpu.memory_space<vmem>> -> memref<1x1x128xi32, #tpu.memory_space<vmem>>
      %dma_start3A_108 = tpu.memref_squeeze %dma_start3A_107 : memref<1x1x128xi32, #tpu.memory_space<vmem>> -> memref<128xi32, #tpu.memory_space<vmem>>
      %dma_start3A_109 = arith.constant 0 : i32
      %dma_start3A_110 = arith.constant 0 : i32
      %dma_start3A_111 = tpu.memref_slice %arg2[%dma_start3A_109, %dma_start3A_110] : memref<10000x128xf32, #tpu.memory_space<hbm>> -> memref<10000x128xf32, #tpu.memory_space<hbm>>
      tpu.enqueue_indirect_dma source(%dma_start3A_111 : memref<10000x128xf32, #tpu.memory_space<hbm>>) target(%arg8 : memref<128x128xf32, #tpu.memory_space<vmem>>) offsets(%dma_start3A_108 : memref<128xi32, #tpu.memory_space<vmem>>) semaphore(%arg11 : memref<!tpu.dma_semaphore, #tpu.memory_space<semaphore_mem>>)
      %run_scoped3A_112 = arith.constant 1 : i32
      "tpu.region"() ({
        %run_scoped3A_134 = tpu.sem_alloc : memref<!tpu.dma_semaphore, #tpu.memory_space<semaphore_mem>>
        %dma_start3A_135 = arith.constant 0 : i32
        %dma_start3A_136 = tpu.memref_slice %arg6[%mul3A_95, %run_scoped3A_112, %dma_start3A_135] : memref<40x2x128xi32, #tpu.memory_space<vmem>> -> memref<1x1x128xi32, #tpu.memory_space<vmem>>
        %dma_start3A_137 = tpu.memref_squeeze %dma_start3A_136 : memref<1x1x128xi32, #tpu.memory_space<vmem>> -> memref<128xi32, #tpu.memory_space<vmem>>
        %dma_start3A_138 = arith.constant 0 : i32
        %dma_start3A_139 = arith.constant 0 : i32
        %dma_start3A_140 = tpu.memref_slice %arg9[%dma_start3A_138, %dma_start3A_139] : memref<10112x128xf32, #tpu.memory_space<vmem_shared>> -> memref<10112x128xf32, #tpu.memory_space<vmem_shared>>
        tpu.enqueue_indirect_dma source(%arg7 : memref<128x128xf32, #tpu.memory_space<vmem>>) target(%dma_start3A_140 : memref<10112x128xf32, #tpu.memory_space<vmem_shared>>) offsets(%dma_start3A_137 : memref<128xi32, #tpu.memory_space<vmem>>) semaphore(%run_scoped3A_134 : memref<!tpu.dma_semaphore, #tpu.memory_space<semaphore_mem>>) {add = true}
        %dma_wait3A_141 = arith.constant 0 : i32
        %dma_wait3A_142 = tpu.memref_slice %arg6[%mul3A_95, %run_scoped3A_112, %dma_wait3A_141] : memref<40x2x128xi32, #tpu.memory_space<vmem>> -> memref<1x1x128xi32, #tpu.memory_space<vmem>>
        %dma_wait3A_143 = tpu.memref_squeeze %dma_wait3A_142 : memref<1x1x128xi32, #tpu.memory_space<vmem>> -> memref<128xi32, #tpu.memory_space<vmem>>
        %dma_wait3A_144 = arith.constant 0 : i32
        %dma_wait3A_145 = arith.constant 0 : i32
        %dma_wait3A_146 = tpu.memref_slice %arg9[%dma_wait3A_144, %dma_wait3A_145] : memref<10112x128xf32, #tpu.memory_space<vmem_shared>> -> memref<10112x128xf32, #tpu.memory_space<vmem_shared>>
        tpu.wait_indirect_dma semaphore(%run_scoped3A_134 : memref<!tpu.dma_semaphore, #tpu.memory_space<semaphore_mem>>) src(%arg7 : memref<128x128xf32, #tpu.memory_space<vmem>>) dst(%dma_wait3A_146 : memref<10112x128xf32, #tpu.memory_space<vmem_shared>>)
        tpu.yield
      }) : () -> ()
      %add3A_113 = arith.constant 1 : i32
      %add3A_114 = arith.addi %mul3A_95, %add3A_113 : i32
      %dma_wait3A_115 = arith.constant 0 : i32
      %dma_wait3A_116 = arith.constant 0 : i32
      %dma_wait3A_117 = tpu.memref_slice %arg6[%add3A_114, %dma_wait3A_115, %dma_wait3A_116] : memref<40x2x128xi32, #tpu.memory_space<vmem>> -> memref<1x1x128xi32, #tpu.memory_space<vmem>>
      %dma_wait3A_118 = tpu.memref_squeeze %dma_wait3A_117 : memref<1x1x128xi32, #tpu.memory_space<vmem>> -> memref<128xi32, #tpu.memory_space<vmem>>
      %dma_wait3A_119 = arith.constant 0 : i32
      %dma_wait3A_120 = arith.constant 0 : i32
      %dma_wait3A_121 = tpu.memref_slice %arg2[%dma_wait3A_119, %dma_wait3A_120] : memref<10000x128xf32, #tpu.memory_space<hbm>> -> memref<10000x128xf32, #tpu.memory_space<hbm>>
      tpu.wait_indirect_dma semaphore(%arg11 : memref<!tpu.dma_semaphore, #tpu.memory_space<semaphore_mem>>) src(%dma_wait3A_121 : memref<10000x128xf32, #tpu.memory_space<hbm>>) dst(%arg8 : memref<128x128xf32, #tpu.memory_space<vmem>>)
      %add3A_122 = arith.constant 2 : i32
      %add3A_123 = arith.addi %mul3A_95, %add3A_122 : i32
      %dma_start3A_124 = arith.constant 0 : i32
      %dma_start3A_125 = arith.constant 0 : i32
      %dma_start3A_126 = tpu.memref_slice %arg6[%add3A_123, %dma_start3A_124, %dma_start3A_125] : memref<40x2x128xi32, #tpu.memory_space<vmem>> -> memref<1x1x128xi32, #tpu.memory_space<vmem>>
      %dma_start3A_127 = tpu.memref_squeeze %dma_start3A_126 : memref<1x1x128xi32, #tpu.memory_space<vmem>> -> memref<128xi32, #tpu.memory_space<vmem>>
      %dma_start3A_128 = arith.constant 0 : i32
      %dma_start3A_129 = arith.constant 0 : i32
      %dma_start3A_130 = tpu.memref_slice %arg2[%dma_start3A_128, %dma_start3A_129] : memref<10000x128xf32, #tpu.memory_space<hbm>> -> memref<10000x128xf32, #tpu.memory_space<hbm>>
      tpu.enqueue_indirect_dma source(%dma_start3A_130 : memref<10000x128xf32, #tpu.memory_space<hbm>>) target(%arg7 : memref<128x128xf32, #tpu.memory_space<vmem>>) offsets(%dma_start3A_127 : memref<128xi32, #tpu.memory_space<vmem>>) semaphore(%arg10 : memref<!tpu.dma_semaphore, #tpu.memory_space<semaphore_mem>>)
      %add3A_131 = arith.constant 1 : i32
      %add3A_132 = arith.addi %mul3A_95, %add3A_131 : i32
      %run_scoped3A_133 = arith.constant 1 : i32
      "tpu.region"() ({
        %run_scoped3A_134 = tpu.sem_alloc : memref<!tpu.dma_semaphore, #tpu.memory_space<semaphore_mem>>
        %dma_start3A_135 = arith.constant 0 : i32
        %dma_start3A_136 = tpu.memref_slice %arg6[%add3A_132, %run_scoped3A_133, %dma_start3A_135] : memref<40x2x128xi32, #tpu.memory_space<vmem>> -> memref<1x1x128xi32, #tpu.memory_space<vmem>>
        %dma_start3A_137 = tpu.memref_squeeze %dma_start3A_136 : memref<1x1x128xi32, #tpu.memory_space<vmem>> -> memref<128xi32, #tpu.memory_space<vmem>>
        %dma_start3A_138 = arith.constant 0 : i32
        %dma_start3A_139 = arith.constant 0 : i32
        %dma_start3A_140 = tpu.memref_slice %arg9[%dma_start3A_138, %dma_start3A_139] : memref<10112x128xf32, #tpu.memory_space<vmem_shared>> -> memref<10112x128xf32, #tpu.memory_space<vmem_shared>>
        tpu.enqueue_indirect_dma source(%arg8 : memref<128x128xf32, #tpu.memory_space<vmem>>) target(%dma_start3A_140 : memref<10112x128xf32, #tpu.memory_space<vmem_shared>>) offsets(%dma_start3A_137 : memref<128xi32, #tpu.memory_space<vmem>>) semaphore(%run_scoped3A_134 : memref<!tpu.dma_semaphore, #tpu.memory_space<semaphore_mem>>) {add = true}
        %dma_wait3A_141 = arith.constant 0 : i32
        %dma_wait3A_142 = tpu.memref_slice %arg6[%add3A_132, %run_scoped3A_133, %dma_wait3A_141] : memref<40x2x128xi32, #tpu.memory_space<vmem>> -> memref<1x1x128xi32, #tpu.memory_space<vmem>>
        %dma_wait3A_143 = tpu.memref_squeeze %dma_wait3A_142 : memref<1x1x128xi32, #tpu.memory_space<vmem>> -> memref<128xi32, #tpu.memory_space<vmem>>
        %dma_wait3A_144 = arith.constant 0 : i32
        %dma_wait3A_145 = arith.constant 0 : i32
        %dma_wait3A_146 = tpu.memref_slice %arg9[%dma_wait3A_144, %dma_wait3A_145] : memref<10112x128xf32, #tpu.memory_space<vmem_shared>> -> memref<10112x128xf32, #tpu.memory_space<vmem_shared>>
        tpu.wait_indirect_dma semaphore(%run_scoped3A_134 : memref<!tpu.dma_semaphore, #tpu.memory_space<semaphore_mem>>) src(%arg8 : memref<128x128xf32, #tpu.memory_space<vmem>>) dst(%dma_wait3A_146 : memref<10112x128xf32, #tpu.memory_space<vmem_shared>>)
        tpu.yield
      }) : () -> ()
    }
    %scan3A_60 = arith.constant 19 : i32
    %dma_wait3A_61 = arith.constant 38 : i32
    %dma_wait3A_62 = arith.constant 0 : i32
    %dma_wait3A_63 = arith.constant 0 : i32
    %dma_wait3A_64 = tpu.memref_slice %arg6[%dma_wait3A_61, %dma_wait3A_62, %dma_wait3A_63] : memref<40x2x128xi32, #tpu.memory_space<vmem>> -> memref<1x1x128xi32, #tpu.memory_space<vmem>>
    %dma_wait3A_65 = tpu.memref_squeeze %dma_wait3A_64 : memref<1x1x128xi32, #tpu.memory_space<vmem>> -> memref<128xi32, #tpu.memory_space<vmem>>
    %dma_wait3A_66 = arith.constant 0 : i32
    %dma_wait3A_67 = arith.constant 0 : i32
    %dma_wait3A_68 = tpu.memref_slice %arg2[%dma_wait3A_66, %dma_wait3A_67] : memref<10000x128xf32, #tpu.memory_space<hbm>> -> memref<10000x128xf32, #tpu.memory_space<hbm>>
    tpu.wait_indirect_dma semaphore(%arg10 : memref<!tpu.dma_semaphore, #tpu.memory_space<semaphore_mem>>) src(%dma_wait3A_68 : memref<10000x128xf32, #tpu.memory_space<hbm>>) dst(%arg7 : memref<128x128xf32, #tpu.memory_space<vmem>>)
    %dma_start3A_69 = arith.constant 39 : i32
    %dma_start3A_70 = arith.constant 0 : i32
    %dma_start3A_71 = arith.constant 0 : i32
    %dma_start3A_72 = tpu.memref_slice %arg6[%dma_start3A_69, %dma_start3A_70, %dma_start3A_71] : memref<40x2x128xi32, #tpu.memory_space<vmem>> -> memref<1x1x128xi32, #tpu.memory_space<vmem>>
    %dma_start3A_73 = tpu.memref_squeeze %dma_start3A_72 : memref<1x1x128xi32, #tpu.memory_space<vmem>> -> memref<128xi32, #tpu.memory_space<vmem>>
    %dma_start3A_74 = arith.constant 0 : i32
    %dma_start3A_75 = arith.constant 0 : i32
    %dma_start3A_76 = tpu.memref_slice %arg2[%dma_start3A_74, %dma_start3A_75] : memref<10000x128xf32, #tpu.memory_space<hbm>> -> memref<10000x128xf32, #tpu.memory_space<hbm>>
    tpu.enqueue_indirect_dma source(%dma_start3A_76 : memref<10000x128xf32, #tpu.memory_space<hbm>>) target(%arg8 : memref<128x128xf32, #tpu.memory_space<vmem>>) offsets(%dma_start3A_73 : memref<128xi32, #tpu.memory_space<vmem>>) semaphore(%arg11 : memref<!tpu.dma_semaphore, #tpu.memory_space<semaphore_mem>>)
    %run_scoped3A_77 = arith.constant 38 : i32
    %run_scoped3A_78 = arith.constant 1 : i32
    "tpu.region"() ({
      %run_scoped3A_93 = tpu.sem_alloc : memref<!tpu.dma_semaphore, #tpu.memory_space<semaphore_mem>>
      %dma_start3A_94 = arith.constant 0 : i32
      %dma_start3A_95 = tpu.memref_slice %arg6[%run_scoped3A_77, %run_scoped3A_78, %dma_start3A_94] : memref<40x2x128xi32, #tpu.memory_space<vmem>> -> memref<1x1x128xi32, #tpu.memory_space<vmem>>
      %dma_start3A_96 = tpu.memref_squeeze %dma_start3A_95 : memref<1x1x128xi32, #tpu.memory_space<vmem>> -> memref<128xi32, #tpu.memory_space<vmem>>
      %dma_start3A_97 = arith.constant 0 : i32
      %dma_start3A_98 = arith.constant 0 : i32
      %dma_start3A_99 = tpu.memref_slice %arg9[%dma_start3A_97, %dma_start3A_98] : memref<10112x128xf32, #tpu.memory_space<vmem_shared>> -> memref<10112x128xf32, #tpu.memory_space<vmem_shared>>
      tpu.enqueue_indirect_dma source(%arg7 : memref<128x128xf32, #tpu.memory_space<vmem>>) target(%dma_start3A_99 : memref<10112x128xf32, #tpu.memory_space<vmem_shared>>) offsets(%dma_start3A_96 : memref<128xi32, #tpu.memory_space<vmem>>) semaphore(%run_scoped3A_93 : memref<!tpu.dma_semaphore, #tpu.memory_space<semaphore_mem>>) {add = true}
      %dma_wait3A_100 = arith.constant 0 : i32
      %dma_wait3A_101 = tpu.memref_slice %arg6[%run_scoped3A_77, %run_scoped3A_78, %dma_wait3A_100] : memref<40x2x128xi32, #tpu.memory_space<vmem>> -> memref<1x1x128xi32, #tpu.memory_space<vmem>>
      %dma_wait3A_102 = tpu.memref_squeeze %dma_wait3A_101 : memref<1x1x128xi32, #tpu.memory_space<vmem>> -> memref<128xi32, #tpu.memory_space<vmem>>
      %dma_wait3A_103 = arith.constant 0 : i32
      %dma_wait3A_104 = arith.constant 0 : i32
      %dma_wait3A_105 = tpu.memref_slice %arg9[%dma_wait3A_103, %dma_wait3A_104] : memref<10112x128xf32, #tpu.memory_space<vmem_shared>> -> memref<10112x128xf32, #tpu.memory_space<vmem_shared>>
      tpu.wait_indirect_dma semaphore(%run_scoped3A_93 : memref<!tpu.dma_semaphore, #tpu.memory_space<semaphore_mem>>) src(%arg7 : memref<128x128xf32, #tpu.memory_space<vmem>>) dst(%dma_wait3A_105 : memref<10112x128xf32, #tpu.memory_space<vmem_shared>>)
      tpu.yield
    }) : () -> ()
    %dma_wait3A_79 = arith.constant 39 : i32
    %dma_wait3A_80 = arith.constant 0 : i32
    %dma_wait3A_81 = arith.constant 0 : i32
    %dma_wait3A_82 = tpu.memref_slice %arg6[%dma_wait3A_79, %dma_wait3A_80, %dma_wait3A_81] : memref<40x2x128xi32, #tpu.memory_space<vmem>> -> memref<1x1x128xi32, #tpu.memory_space<vmem>>
    %dma_wait3A_83 = tpu.memref_squeeze %dma_wait3A_82 : memref<1x1x128xi32, #tpu.memory_space<vmem>> -> memref<128xi32, #tpu.memory_space<vmem>>
    %dma_wait3A_84 = arith.constant 0 : i32
    %dma_wait3A_85 = arith.constant 0 : i32
    %dma_wait3A_86 = tpu.memref_slice %arg2[%dma_wait3A_84, %dma_wait3A_85] : memref<10000x128xf32, #tpu.memory_space<hbm>> -> memref<10000x128xf32, #tpu.memory_space<hbm>>
    tpu.wait_indirect_dma semaphore(%arg11 : memref<!tpu.dma_semaphore, #tpu.memory_space<semaphore_mem>>) src(%dma_wait3A_86 : memref<10000x128xf32, #tpu.memory_space<hbm>>) dst(%arg8 : memref<128x128xf32, #tpu.memory_space<vmem>>)
    %run_scoped3A_87 = arith.constant 39 : i32
    %run_scoped3A_88 = arith.constant 1 : i32
    "tpu.region"() ({
      %run_scoped3A_93 = tpu.sem_alloc : memref<!tpu.dma_semaphore, #tpu.memory_space<semaphore_mem>>
      %dma_start3A_94 = arith.constant 0 : i32
      %dma_start3A_95 = tpu.memref_slice %arg6[%run_scoped3A_87, %run_scoped3A_88, %dma_start3A_94] : memref<40x2x128xi32, #tpu.memory_space<vmem>> -> memref<1x1x128xi32, #tpu.memory_space<vmem>>
      %dma_start3A_96 = tpu.memref_squeeze %dma_start3A_95 : memref<1x1x128xi32, #tpu.memory_space<vmem>> -> memref<128xi32, #tpu.memory_space<vmem>>
      %dma_start3A_97 = arith.constant 0 : i32
      %dma_start3A_98 = arith.constant 0 : i32
      %dma_start3A_99 = tpu.memref_slice %arg9[%dma_start3A_97, %dma_start3A_98] : memref<10112x128xf32, #tpu.memory_space<vmem_shared>> -> memref<10112x128xf32, #tpu.memory_space<vmem_shared>>
      tpu.enqueue_indirect_dma source(%arg8 : memref<128x128xf32, #tpu.memory_space<vmem>>) target(%dma_start3A_99 : memref<10112x128xf32, #tpu.memory_space<vmem_shared>>) offsets(%dma_start3A_96 : memref<128xi32, #tpu.memory_space<vmem>>) semaphore(%run_scoped3A_93 : memref<!tpu.dma_semaphore, #tpu.memory_space<semaphore_mem>>) {add = true}
      %dma_wait3A_100 = arith.constant 0 : i32
      %dma_wait3A_101 = tpu.memref_slice %arg6[%run_scoped3A_87, %run_scoped3A_88, %dma_wait3A_100] : memref<40x2x128xi32, #tpu.memory_space<vmem>> -> memref<1x1x128xi32, #tpu.memory_space<vmem>>
      %dma_wait3A_102 = tpu.memref_squeeze %dma_wait3A_101 : memref<1x1x128xi32, #tpu.memory_space<vmem>> -> memref<128xi32, #tpu.memory_space<vmem>>
      %dma_wait3A_103 = arith.constant 0 : i32
      %dma_wait3A_104 = arith.constant 0 : i32
      %dma_wait3A_105 = tpu.memref_slice %arg9[%dma_wait3A_103, %dma_wait3A_104] : memref<10112x128xf32, #tpu.memory_space<vmem_shared>> -> memref<10112x128xf32, #tpu.memory_space<vmem_shared>>
      tpu.wait_indirect_dma semaphore(%run_scoped3A_93 : memref<!tpu.dma_semaphore, #tpu.memory_space<semaphore_mem>>) src(%arg8 : memref<128x128xf32, #tpu.memory_space<vmem>>) dst(%dma_wait3A_105 : memref<10112x128xf32, #tpu.memory_space<vmem_shared>>)
      tpu.yield
    }) : () -> ()
    %barrier3A_89 = arith.constant 0 : index
    tpu.barrier barrier_id(%barrier3A_89)
    %mul3A_90 = arith.constant 10112 : i32
    %mul3A_91 = arith.muli %arg0, %mul3A_90 : i32
    %add3A_92 = arith.addi %mul3A_91, %mul3A_2 : i32
    "tpu.region"() ({
      %run_scoped3A_93 = tpu.sem_alloc : memref<!tpu.dma_semaphore, #tpu.memory_space<semaphore_mem>>
      %dma_start3A_94 = arith.constant 0 : i32
      %dma_start3A_95 = tpu.memref_slice %arg5[%add3A_92, %dma_start3A_94] : memref<20224x128xf32, #tpu.memory_space<hbm>> -> memref<632x128xf32, #tpu.memory_space<hbm>>
      %dma_start3A_96 = arith.constant 0 : i32
      %dma_start3A_97 = tpu.memref_slice %arg9[%mul3A_2, %dma_start3A_96] : memref<10112x128xf32, #tpu.memory_space<vmem_shared>> -> memref<632x128xf32, #tpu.memory_space<vmem_shared>>
      tpu.enqueue_dma source(%dma_start3A_97 : memref<632x128xf32, #tpu.memory_space<vmem_shared>>) target(%dma_start3A_95 : memref<632x128xf32, #tpu.memory_space<hbm>>) target_semaphore(%run_scoped3A_93 : memref<!tpu.dma_semaphore, #tpu.memory_space<semaphore_mem>>)
      %dma_wait3A_98 = arith.constant 0 : i32
      %dma_wait3A_99 = tpu.memref_slice %arg5[%add3A_92, %dma_wait3A_98] : memref<20224x128xf32, #tpu.memory_space<hbm>> -> memref<632x128xf32, #tpu.memory_space<hbm>>
      %dma_wait3A_100 = arith.constant 0 : i32
      %dma_wait3A_101 = tpu.memref_slice %arg9[%mul3A_2, %dma_wait3A_100] : memref<10112x128xf32, #tpu.memory_space<vmem_shared>> -> memref<632x128xf32, #tpu.memory_space<vmem_shared>>
      tpu.wait_dma2 semaphore(%run_scoped3A_93 : memref<!tpu.dma_semaphore, #tpu.memory_space<semaphore_mem>>) src(%dma_wait3A_101 : memref<632x128xf32, #tpu.memory_space<vmem_shared>>) dst(%dma_wait3A_99 : memref<632x128xf32, #tpu.memory_space<hbm>>)
      tpu.yield
    }) : () -> ()
    return
  }
}

#map = affine_map<(d0, d1) -> (0, 0)>
#map1 = affine_map<(d0, d1) -> (0, 0, 0)>
module attributes {stable_mosaic.version = 14 : i64} {
  func.func @k(%arg0: i32, %arg1: i32, %arg2: memref<10000x128xf32, #tpu.memory_space<hbm>>, %arg3: memref<2560x2x128xi32, #tpu.memory_space<hbm>>, %arg4: memref<10112x128xf32, #tpu.memory_space<hbm>>, %arg5: memref<20224x128xf32, #tpu.memory_space<hbm>>, %arg6: memref<40x2x128xi32, #tpu.memory_space<vmem>>, %arg7: memref<128x128xf32, #tpu.memory_space<vmem>>, %arg8: memref<128x128xf32, #tpu.memory_space<vmem>>, %arg9: memref<10112x128xf32, #tpu.memory_space<vmem_shared>>, %arg10: memref<!tpu.dma_semaphore, #tpu.memory_space<semaphore_mem>>, %arg11: memref<!tpu.dma_semaphore, #tpu.memory_space<semaphore_mem>>) attributes {dimension_semantics = [#tpu.dimension_semantics<core_parallel>, #tpu.dimension_semantics<subcore_parallel>], iteration_bounds = array<i64: 2, 16>, scalar_prefetch = 0 : i64, scratch_operands = 6 : i64, tpu.core_type = #tpu.core_type<sc_vector_subcore>, window_params = [{transform_indices = #map}, {transform_indices = #map1}, {transform_indices = #map}, {transform_indices = #map}]} {
    %mul3A = arith.constant 2 : i32
    %mul3A_0 = arith.muli %arg1, %mul3A : i32
    %add3A = arith.addi %mul3A_0, %arg0 : i32
    %mul3A_1 = arith.constant 632 : i32
    %mul3A_2 = arith.muli %arg1, %mul3A_1 : i32
    %mul3A_3 = arith.constant 80 : i32
    %mul3A_4 = arith.muli %add3A, %mul3A_3 : i32
    "tpu.region"() ({
      %run_scoped3A_93 = tpu.sem_alloc : memref<!tpu.dma_semaphore, #tpu.memory_space<semaphore_mem>>
      %dma_start3A_94 = arith.constant 0 : i32
      %dma_start3A_95 = arith.constant 0 : i32
      %dma_start3A_96 = tpu.memref_slice %arg3[%mul3A_4, %dma_start3A_94, %dma_start3A_95] : memref<2560x2x128xi32, #tpu.memory_space<hbm>> -> memref<40x2x128xi32, #tpu.memory_space<hbm>>
      %dma_start3A_97 = arith.constant 0 : i32
      %dma_start3A_98 = arith.constant 0 : i32
      %dma_start3A_99 = tpu.memref_slice %arg3[%mul3A_4, %dma_start3A_97, %dma_start3A_98] : memref<2560x2x128xi32, #tpu.memory_space<hbm>> -> memref<40x2x128xi32, #tpu.memory_space<hbm>>
      tpu.enqueue_dma source(%dma_start3A_99 : memref<40x2x128xi32, #tpu.memory_space<hbm>>) target(%arg6 : memref<40x2x128xi32, #tpu.memory_space<vmem>>) target_semaphore(%run_scoped3A_93 : memref<!tpu.dma_semaphore, #tpu.memory_space<semaphore_mem>>)
      %dma_wait3A_100 = arith.constant 0 : i32
      %dma_wait3A_101 = arith.constant 0 : i32
      %dma_wait3A_102 = tpu.memref_slice %arg3[%mul3A_4, %dma_wait3A_100, %dma_wait3A_101] : memref<2560x2x128xi32, #tpu.memory_space<hbm>> -> memref<40x2x128xi32, #tpu.memory_space<hbm>>
      %dma_wait3A_103 = arith.constant 0 : i32
      %dma_wait3A_104 = arith.constant 0 : i32
      %dma_wait3A_105 = tpu.memref_slice %arg3[%mul3A_4, %dma_wait3A_103, %dma_wait3A_104] : memref<2560x2x128xi32, #tpu.memory_space<hbm>> -> memref<40x2x128xi32, #tpu.memory_space<hbm>>
      tpu.wait_dma2 semaphore(%run_scoped3A_93 : memref<!tpu.dma_semaphore, #tpu.memory_space<semaphore_mem>>) src(%dma_wait3A_105 : memref<40x2x128xi32, #tpu.memory_space<hbm>>) dst(%arg6 : memref<40x2x128xi32, #tpu.memory_space<vmem>>)
      tpu.yield
    }) : () -> ()
    "tpu.region"() ({
      %run_scoped3A_93 = tpu.sem_alloc : memref<!tpu.dma_semaphore, #tpu.memory_space<semaphore_mem>>
      %dma_start3A_94 = arith.constant 0 : i32
      %dma_start3A_95 = tpu.memref_slice %arg9[%mul3A_2, %dma_start3A_94] : memref<10112x128xf32, #tpu.memory_space<vmem_shared>> -> memref<632x128xf32, #tpu.memory_space<vmem_shared>>
      %dma_start3A_96 = arith.constant 0 : i32
      %dma_start3A_97 = tpu.memref_slice %arg4[%mul3A_2, %dma_start3A_96] : memref<10112x128xf32, #tpu.memory_space<hbm>> -> memref<632x128xf32, #tpu.memory_space<hbm>>
      tpu.enqueue_dma source(%dma_start3A_97 : memref<632x128xf32, #tpu.memory_space<hbm>>) target(%dma_start3A_95 : memref<632x128xf32, #tpu.memory_space<vmem_shared>>) target_semaphore(%run_scoped3A_93 : memref<!tpu.dma_semaphore, #tpu.memory_space<semaphore_mem>>)
      %dma_wait3A_98 = arith.constant 0 : i32
      %dma_wait3A_99 = tpu.memref_slice %arg9[%mul3A_2, %dma_wait3A_98] : memref<10112x128xf32, #tpu.memory_space<vmem_shared>> -> memref<632x128xf32, #tpu.memory_space<vmem_shared>>
      %dma_wait3A_100 = arith.constant 0 : i32
      %dma_wait3A_101 = tpu.memref_slice %arg4[%mul3A_2, %dma_wait3A_100] : memref<10112x128xf32, #tpu.memory_space<hbm>> -> memref<632x128xf32, #tpu.memory_space<hbm>>
      tpu.wait_dma2 semaphore(%run_scoped3A_93 : memref<!tpu.dma_semaphore, #tpu.memory_space<semaphore_mem>>) src(%dma_wait3A_101 : memref<632x128xf32, #tpu.memory_space<hbm>>) dst(%dma_wait3A_99 : memref<632x128xf32, #tpu.memory_space<vmem_shared>>)
      tpu.yield
    }) : () -> ()
    %barrier3A = arith.constant 0 : index
    tpu.barrier barrier_id(%barrier3A)
    %dma_start3A = arith.constant 0 : i32
    %dma_start3A_5 = arith.constant 0 : i32
    %dma_start3A_6 = arith.constant 0 : i32
    %dma_start3A_7 = tpu.memref_slice %arg6[%dma_start3A, %dma_start3A_5, %dma_start3A_6] : memref<40x2x128xi32, #tpu.memory_space<vmem>> -> memref<1x1x128xi32, #tpu.memory_space<vmem>>
    %dma_start3A_8 = tpu.memref_squeeze %dma_start3A_7 : memref<1x1x128xi32, #tpu.memory_space<vmem>> -> memref<128xi32, #tpu.memory_space<vmem>>
    %dma_start3A_9 = arith.constant 0 : i32
    %dma_start3A_10 = arith.constant 0 : i32
    %dma_start3A_11 = tpu.memref_slice %arg2[%dma_start3A_9, %dma_start3A_10] : memref<10000x128xf32, #tpu.memory_space<hbm>> -> memref<10000x128xf32, #tpu.memory_space<hbm>>
    tpu.enqueue_indirect_dma source(%dma_start3A_11 : memref<10000x128xf32, #tpu.memory_space<hbm>>) target(%arg7 : memref<128x128xf32, #tpu.memory_space<vmem>>) offsets(%dma_start3A_8 : memref<128xi32, #tpu.memory_space<vmem>>) semaphore(%arg10 : memref<!tpu.dma_semaphore, #tpu.memory_space<semaphore_mem>>)
    %scan3A = arith.constant 0 : i32
    %scan3A_12 = arith.constant 0 : i32
    %scan3A_13 = arith.constant 19 : i32
    %scan3A_14 = arith.addi %scan3A_12, %scan3A_13 : i32
    %scan3A_15 = arith.constant 1 : i32
    scf.for %scan3A_93 = %scan3A_12 to %scan3A_14 step %scan3A_15  : i32 {
      %mul3A_94 = arith.constant 2 : i32
      %mul3A_95 = arith.muli %mul3A_94, %scan3A_93 : i32
      %dma_wait3A_96 = arith.constant 0 : i32
      %dma_wait3A_97 = arith.constant 0 : i32
      %dma_wait3A_98 = tpu.memref_slice %arg6[%mul3A_95, %dma_wait3A_96, %dma_wait3A_97] : memref<40x2x128xi32, #tpu.memory_space<vmem>> -> memref<1x1x128xi32, #tpu.memory_space<vmem>>
      %dma_wait3A_99 = tpu.memref_squeeze %dma_wait3A_98 : memref<1x1x128xi32, #tpu.memory_space<vmem>> -> memref<128xi32, #tpu.memory_space<vmem>>
      %dma_wait3A_100 = arith.constant 0 : i32
      %dma_wait3A_101 = arith.constant 0 : i32
      %dma_wait3A_102 = tpu.memref_slice %arg2[%dma_wait3A_100, %dma_wait3A_101] : memref<10000x128xf32, #tpu.memory_space<hbm>> -> memref<10000x128xf32, #tpu.memory_space<hbm>>
      tpu.wait_indirect_dma semaphore(%arg10 : memref<!tpu.dma_semaphore, #tpu.memory_space<semaphore_mem>>) src(%dma_wait3A_102 : memref<10000x128xf32, #tpu.memory_space<hbm>>) dst(%arg7 : memref<128x128xf32, #tpu.memory_space<vmem>>)
      %add3A_103 = arith.constant 1 : i32
      %add3A_104 = arith.addi %mul3A_95, %add3A_103 : i32
      %dma_start3A_105 = arith.constant 0 : i32
      %dma_start3A_106 = arith.constant 0 : i32
      %dma_start3A_107 = tpu.memref_slice %arg6[%add3A_104, %dma_start3A_105, %dma_start3A_106] : memref<40x2x128xi32, #tpu.memory_space<vmem>> -> memref<1x1x128xi32, #tpu.memory_space<vmem>>
      %dma_start3A_108 = tpu.memref_squeeze %dma_start3A_107 : memref<1x1x128xi32, #tpu.memory_space<vmem>> -> memref<128xi32, #tpu.memory_space<vmem>>
      %dma_start3A_109 = arith.constant 0 : i32
      %dma_start3A_110 = arith.constant 0 : i32
      %dma_start3A_111 = tpu.memref_slice %arg2[%dma_start3A_109, %dma_start3A_110] : memref<10000x128xf32, #tpu.memory_space<hbm>> -> memref<10000x128xf32, #tpu.memory_space<hbm>>
      tpu.enqueue_indirect_dma source(%dma_start3A_111 : memref<10000x128xf32, #tpu.memory_space<hbm>>) target(%arg8 : memref<128x128xf32, #tpu.memory_space<vmem>>) offsets(%dma_start3A_108 : memref<128xi32, #tpu.memory_space<vmem>>) semaphore(%arg11 : memref<!tpu.dma_semaphore, #tpu.memory_space<semaphore_mem>>)
      %run_scoped3A_112 = arith.constant 1 : i32
      "tpu.region"() ({
        %run_scoped3A_134 = tpu.sem_alloc : memref<!tpu.dma_semaphore, #tpu.memory_space<semaphore_mem>>
        %dma_start3A_135 = arith.constant 0 : i32
        %dma_start3A_136 = tpu.memref_slice %arg6[%mul3A_95, %run_scoped3A_112, %dma_start3A_135] : memref<40x2x128xi32, #tpu.memory_space<vmem>> -> memref<1x1x128xi32, #tpu.memory_space<vmem>>
        %dma_start3A_137 = tpu.memref_squeeze %dma_start3A_136 : memref<1x1x128xi32, #tpu.memory_space<vmem>> -> memref<128xi32, #tpu.memory_space<vmem>>
        %dma_start3A_138 = arith.constant 0 : i32
        %dma_start3A_139 = arith.constant 0 : i32
        %dma_start3A_140 = tpu.memref_slice %arg9[%dma_start3A_138, %dma_start3A_139] : memref<10112x128xf32, #tpu.memory_space<vmem_shared>> -> memref<10112x128xf32, #tpu.memory_space<vmem_shared>>
        tpu.enqueue_indirect_dma source(%arg7 : memref<128x128xf32, #tpu.memory_space<vmem>>) target(%dma_start3A_140 : memref<10112x128xf32, #tpu.memory_space<vmem_shared>>) offsets(%dma_start3A_137 : memref<128xi32, #tpu.memory_space<vmem>>) semaphore(%run_scoped3A_134 : memref<!tpu.dma_semaphore, #tpu.memory_space<semaphore_mem>>) {add = true}
        %dma_wait3A_141 = arith.constant 0 : i32
        %dma_wait3A_142 = tpu.memref_slice %arg6[%mul3A_95, %run_scoped3A_112, %dma_wait3A_141] : memref<40x2x128xi32, #tpu.memory_space<vmem>> -> memref<1x1x128xi32, #tpu.memory_space<vmem>>
        %dma_wait3A_143 = tpu.memref_squeeze %dma_wait3A_142 : memref<1x1x128xi32, #tpu.memory_space<vmem>> -> memref<128xi32, #tpu.memory_space<vmem>>
        %dma_wait3A_144 = arith.constant 0 : i32
        %dma_wait3A_145 = arith.constant 0 : i32
        %dma_wait3A_146 = tpu.memref_slice %arg9[%dma_wait3A_144, %dma_wait3A_145] : memref<10112x128xf32, #tpu.memory_space<vmem_shared>> -> memref<10112x128xf32, #tpu.memory_space<vmem_shared>>
        tpu.wait_indirect_dma semaphore(%run_scoped3A_134 : memref<!tpu.dma_semaphore, #tpu.memory_space<semaphore_mem>>) src(%arg7 : memref<128x128xf32, #tpu.memory_space<vmem>>) dst(%dma_wait3A_146 : memref<10112x128xf32, #tpu.memory_space<vmem_shared>>)
        tpu.yield
      }) : () -> ()
      %add3A_113 = arith.constant 1 : i32
      %add3A_114 = arith.addi %mul3A_95, %add3A_113 : i32
      %dma_wait3A_115 = arith.constant 0 : i32
      %dma_wait3A_116 = arith.constant 0 : i32
      %dma_wait3A_117 = tpu.memref_slice %arg6[%add3A_114, %dma_wait3A_115, %dma_wait3A_116] : memref<40x2x128xi32, #tpu.memory_space<vmem>> -> memref<1x1x128xi32, #tpu.memory_space<vmem>>
      %dma_wait3A_118 = tpu.memref_squeeze %dma_wait3A_117 : memref<1x1x128xi32, #tpu.memory_space<vmem>> -> memref<128xi32, #tpu.memory_space<vmem>>
      %dma_wait3A_119 = arith.constant 0 : i32
      %dma_wait3A_120 = arith.constant 0 : i32
      %dma_wait3A_121 = tpu.memref_slice %arg2[%dma_wait3A_119, %dma_wait3A_120] : memref<10000x128xf32, #tpu.memory_space<hbm>> -> memref<10000x128xf32, #tpu.memory_space<hbm>>
      tpu.wait_indirect_dma semaphore(%arg11 : memref<!tpu.dma_semaphore, #tpu.memory_space<semaphore_mem>>) src(%dma_wait3A_121 : memref<10000x128xf32, #tpu.memory_space<hbm>>) dst(%arg8 : memref<128x128xf32, #tpu.memory_space<vmem>>)
      %add3A_122 = arith.constant 2 : i32
      %add3A_123 = arith.addi %mul3A_95, %add3A_122 : i32
      %dma_start3A_124 = arith.constant 0 : i32
      %dma_start3A_125 = arith.constant 0 : i32
      %dma_start3A_126 = tpu.memref_slice %arg6[%add3A_123, %dma_start3A_124, %dma_start3A_125] : memref<40x2x128xi32, #tpu.memory_space<vmem>> -> memref<1x1x128xi32, #tpu.memory_space<vmem>>
      %dma_start3A_127 = tpu.memref_squeeze %dma_start3A_126 : memref<1x1x128xi32, #tpu.memory_space<vmem>> -> memref<128xi32, #tpu.memory_space<vmem>>
      %dma_start3A_128 = arith.constant 0 : i32
      %dma_start3A_129 = arith.constant 0 : i32
      %dma_start3A_130 = tpu.memref_slice %arg2[%dma_start3A_128, %dma_start3A_129] : memref<10000x128xf32, #tpu.memory_space<hbm>> -> memref<10000x128xf32, #tpu.memory_space<hbm>>
      tpu.enqueue_indirect_dma source(%dma_start3A_130 : memref<10000x128xf32, #tpu.memory_space<hbm>>) target(%arg7 : memref<128x128xf32, #tpu.memory_space<vmem>>) offsets(%dma_start3A_127 : memref<128xi32, #tpu.memory_space<vmem>>) semaphore(%arg10 : memref<!tpu.dma_semaphore, #tpu.memory_space<semaphore_mem>>)
      %add3A_131 = arith.constant 1 : i32
      %add3A_132 = arith.addi %mul3A_95, %add3A_131 : i32
      %run_scoped3A_133 = arith.constant 1 : i32
      "tpu.region"() ({
        %run_scoped3A_134 = tpu.sem_alloc : memref<!tpu.dma_semaphore, #tpu.memory_space<semaphore_mem>>
        %dma_start3A_135 = arith.constant 0 : i32
        %dma_start3A_136 = tpu.memref_slice %arg6[%add3A_132, %run_scoped3A_133, %dma_start3A_135] : memref<40x2x128xi32, #tpu.memory_space<vmem>> -> memref<1x1x128xi32, #tpu.memory_space<vmem>>
        %dma_start3A_137 = tpu.memref_squeeze %dma_start3A_136 : memref<1x1x128xi32, #tpu.memory_space<vmem>> -> memref<128xi32, #tpu.memory_space<vmem>>
        %dma_start3A_138 = arith.constant 0 : i32
        %dma_start3A_139 = arith.constant 0 : i32
        %dma_start3A_140 = tpu.memref_slice %arg9[%dma_start3A_138, %dma_start3A_139] : memref<10112x128xf32, #tpu.memory_space<vmem_shared>> -> memref<10112x128xf32, #tpu.memory_space<vmem_shared>>
        tpu.enqueue_indirect_dma source(%arg8 : memref<128x128xf32, #tpu.memory_space<vmem>>) target(%dma_start3A_140 : memref<10112x128xf32, #tpu.memory_space<vmem_shared>>) offsets(%dma_start3A_137 : memref<128xi32, #tpu.memory_space<vmem>>) semaphore(%run_scoped3A_134 : memref<!tpu.dma_semaphore, #tpu.memory_space<semaphore_mem>>) {add = true}
        %dma_wait3A_141 = arith.constant 0 : i32
        %dma_wait3A_142 = tpu.memref_slice %arg6[%add3A_132, %run_scoped3A_133, %dma_wait3A_141] : memref<40x2x128xi32, #tpu.memory_space<vmem>> -> memref<1x1x128xi32, #tpu.memory_space<vmem>>
        %dma_wait3A_143 = tpu.memref_squeeze %dma_wait3A_142 : memref<1x1x128xi32, #tpu.memory_space<vmem>> -> memref<128xi32, #tpu.memory_space<vmem>>
        %dma_wait3A_144 = arith.constant 0 : i32
        %dma_wait3A_145 = arith.constant 0 : i32
        %dma_wait3A_146 = tpu.memref_slice %arg9[%dma_wait3A_144, %dma_wait3A_145] : memref<10112x128xf32, #tpu.memory_space<vmem_shared>> -> memref<10112x128xf32, #tpu.memory_space<vmem_shared>>
        tpu.wait_indirect_dma semaphore(%run_scoped3A_134 : memref<!tpu.dma_semaphore, #tpu.memory_space<semaphore_mem>>) src(%arg8 : memref<128x128xf32, #tpu.memory_space<vmem>>) dst(%dma_wait3A_146 : memref<10112x128xf32, #tpu.memory_space<vmem_shared>>)
        tpu.yield
      }) : () -> ()
    }
    %scan3A_16 = arith.constant 19 : i32
    %dma_wait3A = arith.constant 38 : i32
    %dma_wait3A_17 = arith.constant 0 : i32
    %dma_wait3A_18 = arith.constant 0 : i32
    %dma_wait3A_19 = tpu.memref_slice %arg6[%dma_wait3A, %dma_wait3A_17, %dma_wait3A_18] : memref<40x2x128xi32, #tpu.memory_space<vmem>> -> memref<1x1x128xi32, #tpu.memory_space<vmem>>
    %dma_wait3A_20 = tpu.memref_squeeze %dma_wait3A_19 : memref<1x1x128xi32, #tpu.memory_space<vmem>> -> memref<128xi32, #tpu.memory_space<vmem>>
    %dma_wait3A_21 = arith.constant 0 : i32
    %dma_wait3A_22 = arith.constant 0 : i32
    %dma_wait3A_23 = tpu.memref_slice %arg2[%dma_wait3A_21, %dma_wait3A_22] : memref<10000x128xf32, #tpu.memory_space<hbm>> -> memref<10000x128xf32, #tpu.memory_space<hbm>>
    tpu.wait_indirect_dma semaphore(%arg10 : memref<!tpu.dma_semaphore, #tpu.memory_space<semaphore_mem>>) src(%dma_wait3A_23 : memref<10000x128xf32, #tpu.memory_space<hbm>>) dst(%arg7 : memref<128x128xf32, #tpu.memory_space<vmem>>)
    %dma_start3A_24 = arith.constant 39 : i32
    %dma_start3A_25 = arith.constant 0 : i32
    %dma_start3A_26 = arith.constant 0 : i32
    %dma_start3A_27 = tpu.memref_slice %arg6[%dma_start3A_24, %dma_start3A_25, %dma_start3A_26] : memref<40x2x128xi32, #tpu.memory_space<vmem>> -> memref<1x1x128xi32, #tpu.memory_space<vmem>>
    %dma_start3A_28 = tpu.memref_squeeze %dma_start3A_27 : memref<1x1x128xi32, #tpu.memory_space<vmem>> -> memref<128xi32, #tpu.memory_space<vmem>>
    %dma_start3A_29 = arith.constant 0 : i32
    %dma_start3A_30 = arith.constant 0 : i32
    %dma_start3A_31 = tpu.memref_slice %arg2[%dma_start3A_29, %dma_start3A_30] : memref<10000x128xf32, #tpu.memory_space<hbm>> -> memref<10000x128xf32, #tpu.memory_space<hbm>>
    tpu.enqueue_indirect_dma source(%dma_start3A_31 : memref<10000x128xf32, #tpu.memory_space<hbm>>) target(%arg8 : memref<128x128xf32, #tpu.memory_space<vmem>>) offsets(%dma_start3A_28 : memref<128xi32, #tpu.memory_space<vmem>>) semaphore(%arg11 : memref<!tpu.dma_semaphore, #tpu.memory_space<semaphore_mem>>)
    %run_scoped3A = arith.constant 38 : i32
    %run_scoped3A_32 = arith.constant 1 : i32
    "tpu.region"() ({
      %run_scoped3A_93 = tpu.sem_alloc : memref<!tpu.dma_semaphore, #tpu.memory_space<semaphore_mem>>
      %dma_start3A_94 = arith.constant 0 : i32
      %dma_start3A_95 = tpu.memref_slice %arg6[%run_scoped3A, %run_scoped3A_32, %dma_start3A_94] : memref<40x2x128xi32, #tpu.memory_space<vmem>> -> memref<1x1x128xi32, #tpu.memory_space<vmem>>
      %dma_start3A_96 = tpu.memref_squeeze %dma_start3A_95 : memref<1x1x128xi32, #tpu.memory_space<vmem>> -> memref<128xi32, #tpu.memory_space<vmem>>
      %dma_start3A_97 = arith.constant 0 : i32
      %dma_start3A_98 = arith.constant 0 : i32
      %dma_start3A_99 = tpu.memref_slice %arg9[%dma_start3A_97, %dma_start3A_98] : memref<10112x128xf32, #tpu.memory_space<vmem_shared>> -> memref<10112x128xf32, #tpu.memory_space<vmem_shared>>
      tpu.enqueue_indirect_dma source(%arg7 : memref<128x128xf32, #tpu.memory_space<vmem>>) target(%dma_start3A_99 : memref<10112x128xf32, #tpu.memory_space<vmem_shared>>) offsets(%dma_start3A_96 : memref<128xi32, #tpu.memory_space<vmem>>) semaphore(%run_scoped3A_93 : memref<!tpu.dma_semaphore, #tpu.memory_space<semaphore_mem>>) {add = true}
      %dma_wait3A_100 = arith.constant 0 : i32
      %dma_wait3A_101 = tpu.memref_slice %arg6[%run_scoped3A, %run_scoped3A_32, %dma_wait3A_100] : memref<40x2x128xi32, #tpu.memory_space<vmem>> -> memref<1x1x128xi32, #tpu.memory_space<vmem>>
      %dma_wait3A_102 = tpu.memref_squeeze %dma_wait3A_101 : memref<1x1x128xi32, #tpu.memory_space<vmem>> -> memref<128xi32, #tpu.memory_space<vmem>>
      %dma_wait3A_103 = arith.constant 0 : i32
      %dma_wait3A_104 = arith.constant 0 : i32
      %dma_wait3A_105 = tpu.memref_slice %arg9[%dma_wait3A_103, %dma_wait3A_104] : memref<10112x128xf32, #tpu.memory_space<vmem_shared>> -> memref<10112x128xf32, #tpu.memory_space<vmem_shared>>
      tpu.wait_indirect_dma semaphore(%run_scoped3A_93 : memref<!tpu.dma_semaphore, #tpu.memory_space<semaphore_mem>>) src(%arg7 : memref<128x128xf32, #tpu.memory_space<vmem>>) dst(%dma_wait3A_105 : memref<10112x128xf32, #tpu.memory_space<vmem_shared>>)
      tpu.yield
    }) : () -> ()
    %dma_wait3A_33 = arith.constant 39 : i32
    %dma_wait3A_34 = arith.constant 0 : i32
    %dma_wait3A_35 = arith.constant 0 : i32
    %dma_wait3A_36 = tpu.memref_slice %arg6[%dma_wait3A_33, %dma_wait3A_34, %dma_wait3A_35] : memref<40x2x128xi32, #tpu.memory_space<vmem>> -> memref<1x1x128xi32, #tpu.memory_space<vmem>>
    %dma_wait3A_37 = tpu.memref_squeeze %dma_wait3A_36 : memref<1x1x128xi32, #tpu.memory_space<vmem>> -> memref<128xi32, #tpu.memory_space<vmem>>
    %dma_wait3A_38 = arith.constant 0 : i32
    %dma_wait3A_39 = arith.constant 0 : i32
    %dma_wait3A_40 = tpu.memref_slice %arg2[%dma_wait3A_38, %dma_wait3A_39] : memref<10000x128xf32, #tpu.memory_space<hbm>> -> memref<10000x128xf32, #tpu.memory_space<hbm>>
    tpu.wait_indirect_dma semaphore(%arg11 : memref<!tpu.dma_semaphore, #tpu.memory_space<semaphore_mem>>) src(%dma_wait3A_40 : memref<10000x128xf32, #tpu.memory_space<hbm>>) dst(%arg8 : memref<128x128xf32, #tpu.memory_space<vmem>>)
    %run_scoped3A_41 = arith.constant 39 : i32
    %run_scoped3A_42 = arith.constant 1 : i32
    "tpu.region"() ({
      %run_scoped3A_93 = tpu.sem_alloc : memref<!tpu.dma_semaphore, #tpu.memory_space<semaphore_mem>>
      %dma_start3A_94 = arith.constant 0 : i32
      %dma_start3A_95 = tpu.memref_slice %arg6[%run_scoped3A_41, %run_scoped3A_42, %dma_start3A_94] : memref<40x2x128xi32, #tpu.memory_space<vmem>> -> memref<1x1x128xi32, #tpu.memory_space<vmem>>
      %dma_start3A_96 = tpu.memref_squeeze %dma_start3A_95 : memref<1x1x128xi32, #tpu.memory_space<vmem>> -> memref<128xi32, #tpu.memory_space<vmem>>
      %dma_start3A_97 = arith.constant 0 : i32
      %dma_start3A_98 = arith.constant 0 : i32
      %dma_start3A_99 = tpu.memref_slice %arg9[%dma_start3A_97, %dma_start3A_98] : memref<10112x128xf32, #tpu.memory_space<vmem_shared>> -> memref<10112x128xf32, #tpu.memory_space<vmem_shared>>
      tpu.enqueue_indirect_dma source(%arg8 : memref<128x128xf32, #tpu.memory_space<vmem>>) target(%dma_start3A_99 : memref<10112x128xf32, #tpu.memory_space<vmem_shared>>) offsets(%dma_start3A_96 : memref<128xi32, #tpu.memory_space<vmem>>) semaphore(%run_scoped3A_93 : memref<!tpu.dma_semaphore, #tpu.memory_space<semaphore_mem>>) {add = true}
      %dma_wait3A_100 = arith.constant 0 : i32
      %dma_wait3A_101 = tpu.memref_slice %arg6[%run_scoped3A_41, %run_scoped3A_42, %dma_wait3A_100] : memref<40x2x128xi32, #tpu.memory_space<vmem>> -> memref<1x1x128xi32, #tpu.memory_space<vmem>>
      %dma_wait3A_102 = tpu.memref_squeeze %dma_wait3A_101 : memref<1x1x128xi32, #tpu.memory_space<vmem>> -> memref<128xi32, #tpu.memory_space<vmem>>
      %dma_wait3A_103 = arith.constant 0 : i32
      %dma_wait3A_104 = arith.constant 0 : i32
      %dma_wait3A_105 = tpu.memref_slice %arg9[%dma_wait3A_103, %dma_wait3A_104] : memref<10112x128xf32, #tpu.memory_space<vmem_shared>> -> memref<10112x128xf32, #tpu.memory_space<vmem_shared>>
      tpu.wait_indirect_dma semaphore(%run_scoped3A_93 : memref<!tpu.dma_semaphore, #tpu.memory_space<semaphore_mem>>) src(%arg8 : memref<128x128xf32, #tpu.memory_space<vmem>>) dst(%dma_wait3A_105 : memref<10112x128xf32, #tpu.memory_space<vmem_shared>>)
      tpu.yield
    }) : () -> ()
    %mul3A_43 = arith.constant 80 : i32
    %mul3A_44 = arith.muli %add3A, %mul3A_43 : i32
    %add3A_45 = arith.constant 40 : i32
    %add3A_46 = arith.addi %mul3A_44, %add3A_45 : i32
    "tpu.region"() ({
      %run_scoped3A_93 = tpu.sem_alloc : memref<!tpu.dma_semaphore, #tpu.memory_space<semaphore_mem>>
      %dma_start3A_94 = arith.constant 0 : i32
      %dma_start3A_95 = arith.constant 0 : i32
      %dma_start3A_96 = tpu.memref_slice %arg3[%add3A_46, %dma_start3A_94, %dma_start3A_95] : memref<2560x2x128xi32, #tpu.memory_space<hbm>> -> memref<40x2x128xi32, #tpu.memory_space<hbm>>
      %dma_start3A_97 = arith.constant 0 : i32
      %dma_start3A_98 = arith.constant 0 : i32
      %dma_start3A_99 = tpu.memref_slice %arg3[%add3A_46, %dma_start3A_97, %dma_start3A_98] : memref<2560x2x128xi32, #tpu.memory_space<hbm>> -> memref<40x2x128xi32, #tpu.memory_space<hbm>>
      tpu.enqueue_dma source(%dma_start3A_99 : memref<40x2x128xi32, #tpu.memory_space<hbm>>) target(%arg6 : memref<40x2x128xi32, #tpu.memory_space<vmem>>) target_semaphore(%run_scoped3A_93 : memref<!tpu.dma_semaphore, #tpu.memory_space<semaphore_mem>>)
      %dma_wait3A_100 = arith.constant 0 : i32
      %dma_wait3A_101 = arith.constant 0 : i32
      %dma_wait3A_102 = tpu.memref_slice %arg3[%add3A_46, %dma_wait3A_100, %dma_wait3A_101] : memref<2560x2x128xi32, #tpu.memory_space<hbm>> -> memref<40x2x128xi32, #tpu.memory_space<hbm>>
      %dma_wait3A_103 = arith.constant 0 : i32
      %dma_wait3A_104 = arith.constant 0 : i32
      %dma_wait3A_105 = tpu.memref_slice %arg3[%add3A_46, %dma_wait3A_103, %dma_wait3A_104] : memref<2560x2x128xi32, #tpu.memory_space<hbm>> -> memref<40x2x128xi32, #tpu.memory_space<hbm>>
      tpu.wait_dma2 semaphore(%run_scoped3A_93 : memref<!tpu.dma_semaphore, #tpu.memory_space<semaphore_mem>>) src(%dma_wait3A_105 : memref<40x2x128xi32, #tpu.memory_space<hbm>>) dst(%arg6 : memref<40x2x128xi32, #tpu.memory_space<vmem>>)
      tpu.yield
    }) : () -> ()
    %dma_start3A_47 = arith.constant 0 : i32
    %dma_start3A_48 = arith.constant 0 : i32
    %dma_start3A_49 = arith.constant 0 : i32
    %dma_start3A_50 = tpu.memref_slice %arg6[%dma_start3A_47, %dma_start3A_48, %dma_start3A_49] : memref<40x2x128xi32, #tpu.memory_space<vmem>> -> memref<1x1x128xi32, #tpu.memory_space<vmem>>
    %dma_start3A_51 = tpu.memref_squeeze %dma_start3A_50 : memref<1x1x128xi32, #tpu.memory_space<vmem>> -> memref<128xi32, #tpu.memory_space<vmem>>
    %dma_start3A_52 = arith.constant 0 : i32
    %dma_start3A_53 = arith.constant 0 : i32
    %dma_start3A_54 = tpu.memref_slice %arg2[%dma_start3A_52, %dma_start3A_53] : memref<10000x128xf32, #tpu.memory_space<hbm>> -> memref<10000x128xf32, #tpu.memory_space<hbm>>
    tpu.enqueue_indirect_dma source(%dma_start3A_54 : memref<10000x128xf32, #tpu.memory_space<hbm>>) target(%arg7 : memref<128x128xf32, #tpu.memory_space<vmem>>) offsets(%dma_start3A_51 : memref<128xi32, #tpu.memory_space<vmem>>) semaphore(%arg10 : memref<!tpu.dma_semaphore, #tpu.memory_space<semaphore_mem>>)
    %scan3A_55 = arith.constant 0 : i32
    %scan3A_56 = arith.constant 0 : i32
    %scan3A_57 = arith.constant 19 : i32
    %scan3A_58 = arith.addi %scan3A_56, %scan3A_57 : i32
    %scan3A_59 = arith.constant 1 : i32
    scf.for %scan3A_93 = %scan3A_56 to %scan3A_58 step %scan3A_59  : i32 {
      %mul3A_94 = arith.constant 2 : i32
      %mul3A_95 = arith.muli %mul3A_94, %scan3A_93 : i32
      %dma_wait3A_96 = arith.constant 0 : i32
      %dma_wait3A_97 = arith.constant 0 : i32
      %dma_wait3A_98 = tpu.memref_slice %arg6[%mul3A_95, %dma_wait3A_96, %dma_wait3A_97] : memref<40x2x128xi32, #tpu.memory_space<vmem>> -> memref<1x1x128xi32, #tpu.memory_space<vmem>>
      %dma_wait3A_99 = tpu.memref_squeeze %dma_wait3A_98 : memref<1x1x128xi32, #tpu.memory_space<vmem>> -> memref<128xi32, #tpu.memory_space<vmem>>
      %dma_wait3A_100 = arith.constant 0 : i32
      %dma_wait3A_101 = arith.constant 0 : i32
      %dma_wait3A_102 = tpu.memref_slice %arg2[%dma_wait3A_100, %dma_wait3A_101] : memref<10000x128xf32, #tpu.memory_space<hbm>> -> memref<10000x128xf32, #tpu.memory_space<hbm>>
      tpu.wait_indirect_dma semaphore(%arg10 : memref<!tpu.dma_semaphore, #tpu.memory_space<semaphore_mem>>) src(%dma_wait3A_102 : memref<10000x128xf32, #tpu.memory_space<hbm>>) dst(%arg7 : memref<128x128xf32, #tpu.memory_space<vmem>>)
      %add3A_103 = arith.constant 1 : i32
      %add3A_104 = arith.addi %mul3A_95, %add3A_103 : i32
      %dma_start3A_105 = arith.constant 0 : i32
      %dma_start3A_106 = arith.constant 0 : i32
      %dma_start3A_107 = tpu.memref_slice %arg6[%add3A_104, %dma_start3A_105, %dma_start3A_106] : memref<40x2x128xi32, #tpu.memory_space<vmem>> -> memref<1x1x128xi32, #tpu.memory_space<vmem>>
      %dma_start3A_108 = tpu.memref_squeeze %dma_start3A_107 : memref<1x1x128xi32, #tpu.memory_space<vmem>> -> memref<128xi32, #tpu.memory_space<vmem>>
      %dma_start3A_109 = arith.constant 0 : i32
      %dma_start3A_110 = arith.constant 0 : i32
      %dma_start3A_111 = tpu.memref_slice %arg2[%dma_start3A_109, %dma_start3A_110] : memref<10000x128xf32, #tpu.memory_space<hbm>> -> memref<10000x128xf32, #tpu.memory_space<hbm>>
      tpu.enqueue_indirect_dma source(%dma_start3A_111 : memref<10000x128xf32, #tpu.memory_space<hbm>>) target(%arg8 : memref<128x128xf32, #tpu.memory_space<vmem>>) offsets(%dma_start3A_108 : memref<128xi32, #tpu.memory_space<vmem>>) semaphore(%arg11 : memref<!tpu.dma_semaphore, #tpu.memory_space<semaphore_mem>>)
      %run_scoped3A_112 = arith.constant 1 : i32
      "tpu.region"() ({
        %run_scoped3A_134 = tpu.sem_alloc : memref<!tpu.dma_semaphore, #tpu.memory_space<semaphore_mem>>
        %dma_start3A_135 = arith.constant 0 : i32
        %dma_start3A_136 = tpu.memref_slice %arg6[%mul3A_95, %run_scoped3A_112, %dma_start3A_135] : memref<40x2x128xi32, #tpu.memory_space<vmem>> -> memref<1x1x128xi32, #tpu.memory_space<vmem>>
        %dma_start3A_137 = tpu.memref_squeeze %dma_start3A_136 : memref<1x1x128xi32, #tpu.memory_space<vmem>> -> memref<128xi32, #tpu.memory_space<vmem>>
        %dma_start3A_138 = arith.constant 0 : i32
        %dma_start3A_139 = arith.constant 0 : i32
        %dma_start3A_140 = tpu.memref_slice %arg9[%dma_start3A_138, %dma_start3A_139] : memref<10112x128xf32, #tpu.memory_space<vmem_shared>> -> memref<10112x128xf32, #tpu.memory_space<vmem_shared>>
        tpu.enqueue_indirect_dma source(%arg7 : memref<128x128xf32, #tpu.memory_space<vmem>>) target(%dma_start3A_140 : memref<10112x128xf32, #tpu.memory_space<vmem_shared>>) offsets(%dma_start3A_137 : memref<128xi32, #tpu.memory_space<vmem>>) semaphore(%run_scoped3A_134 : memref<!tpu.dma_semaphore, #tpu.memory_space<semaphore_mem>>) {add = true}
        %dma_wait3A_141 = arith.constant 0 : i32
        %dma_wait3A_142 = tpu.memref_slice %arg6[%mul3A_95, %run_scoped3A_112, %dma_wait3A_141] : memref<40x2x128xi32, #tpu.memory_space<vmem>> -> memref<1x1x128xi32, #tpu.memory_space<vmem>>
        %dma_wait3A_143 = tpu.memref_squeeze %dma_wait3A_142 : memref<1x1x128xi32, #tpu.memory_space<vmem>> -> memref<128xi32, #tpu.memory_space<vmem>>
        %dma_wait3A_144 = arith.constant 0 : i32
        %dma_wait3A_145 = arith.constant 0 : i32
        %dma_wait3A_146 = tpu.memref_slice %arg9[%dma_wait3A_144, %dma_wait3A_145] : memref<10112x128xf32, #tpu.memory_space<vmem_shared>> -> memref<10112x128xf32, #tpu.memory_space<vmem_shared>>
        tpu.wait_indirect_dma semaphore(%run_scoped3A_134 : memref<!tpu.dma_semaphore, #tpu.memory_space<semaphore_mem>>) src(%arg7 : memref<128x128xf32, #tpu.memory_space<vmem>>) dst(%dma_wait3A_146 : memref<10112x128xf32, #tpu.memory_space<vmem_shared>>)
        tpu.yield
      }) : () -> ()
      %add3A_113 = arith.constant 1 : i32
      %add3A_114 = arith.addi %mul3A_95, %add3A_113 : i32
      %dma_wait3A_115 = arith.constant 0 : i32
      %dma_wait3A_116 = arith.constant 0 : i32
      %dma_wait3A_117 = tpu.memref_slice %arg6[%add3A_114, %dma_wait3A_115, %dma_wait3A_116] : memref<40x2x128xi32, #tpu.memory_space<vmem>> -> memref<1x1x128xi32, #tpu.memory_space<vmem>>
      %dma_wait3A_118 = tpu.memref_squeeze %dma_wait3A_117 : memref<1x1x128xi32, #tpu.memory_space<vmem>> -> memref<128xi32, #tpu.memory_space<vmem>>
      %dma_wait3A_119 = arith.constant 0 : i32
      %dma_wait3A_120 = arith.constant 0 : i32
      %dma_wait3A_121 = tpu.memref_slice %arg2[%dma_wait3A_119, %dma_wait3A_120] : memref<10000x128xf32, #tpu.memory_space<hbm>> -> memref<10000x128xf32, #tpu.memory_space<hbm>>
      tpu.wait_indirect_dma semaphore(%arg11 : memref<!tpu.dma_semaphore, #tpu.memory_space<semaphore_mem>>) src(%dma_wait3A_121 : memref<10000x128xf32, #tpu.memory_space<hbm>>) dst(%arg8 : memref<128x128xf32, #tpu.memory_space<vmem>>)
      %add3A_122 = arith.constant 2 : i32
      %add3A_123 = arith.addi %mul3A_95, %add3A_122 : i32
      %dma_start3A_124 = arith.constant 0 : i32
      %dma_start3A_125 = arith.constant 0 : i32
      %dma_start3A_126 = tpu.memref_slice %arg6[%add3A_123, %dma_start3A_124, %dma_start3A_125] : memref<40x2x128xi32, #tpu.memory_space<vmem>> -> memref<1x1x128xi32, #tpu.memory_space<vmem>>
      %dma_start3A_127 = tpu.memref_squeeze %dma_start3A_126 : memref<1x1x128xi32, #tpu.memory_space<vmem>> -> memref<128xi32, #tpu.memory_space<vmem>>
      %dma_start3A_128 = arith.constant 0 : i32
      %dma_start3A_129 = arith.constant 0 : i32
      %dma_start3A_130 = tpu.memref_slice %arg2[%dma_start3A_128, %dma_start3A_129] : memref<10000x128xf32, #tpu.memory_space<hbm>> -> memref<10000x128xf32, #tpu.memory_space<hbm>>
      tpu.enqueue_indirect_dma source(%dma_start3A_130 : memref<10000x128xf32, #tpu.memory_space<hbm>>) target(%arg7 : memref<128x128xf32, #tpu.memory_space<vmem>>) offsets(%dma_start3A_127 : memref<128xi32, #tpu.memory_space<vmem>>) semaphore(%arg10 : memref<!tpu.dma_semaphore, #tpu.memory_space<semaphore_mem>>)
      %add3A_131 = arith.constant 1 : i32
      %add3A_132 = arith.addi %mul3A_95, %add3A_131 : i32
      %run_scoped3A_133 = arith.constant 1 : i32
      "tpu.region"() ({
        %run_scoped3A_134 = tpu.sem_alloc : memref<!tpu.dma_semaphore, #tpu.memory_space<semaphore_mem>>
        %dma_start3A_135 = arith.constant 0 : i32
        %dma_start3A_136 = tpu.memref_slice %arg6[%add3A_132, %run_scoped3A_133, %dma_start3A_135] : memref<40x2x128xi32, #tpu.memory_space<vmem>> -> memref<1x1x128xi32, #tpu.memory_space<vmem>>
        %dma_start3A_137 = tpu.memref_squeeze %dma_start3A_136 : memref<1x1x128xi32, #tpu.memory_space<vmem>> -> memref<128xi32, #tpu.memory_space<vmem>>
        %dma_start3A_138 = arith.constant 0 : i32
        %dma_start3A_139 = arith.constant 0 : i32
        %dma_start3A_140 = tpu.memref_slice %arg9[%dma_start3A_138, %dma_start3A_139] : memref<10112x128xf32, #tpu.memory_space<vmem_shared>> -> memref<10112x128xf32, #tpu.memory_space<vmem_shared>>
        tpu.enqueue_indirect_dma source(%arg8 : memref<128x128xf32, #tpu.memory_space<vmem>>) target(%dma_start3A_140 : memref<10112x128xf32, #tpu.memory_space<vmem_shared>>) offsets(%dma_start3A_137 : memref<128xi32, #tpu.memory_space<vmem>>) semaphore(%run_scoped3A_134 : memref<!tpu.dma_semaphore, #tpu.memory_space<semaphore_mem>>) {add = true}
        %dma_wait3A_141 = arith.constant 0 : i32
        %dma_wait3A_142 = tpu.memref_slice %arg6[%add3A_132, %run_scoped3A_133, %dma_wait3A_141] : memref<40x2x128xi32, #tpu.memory_space<vmem>> -> memref<1x1x128xi32, #tpu.memory_space<vmem>>
        %dma_wait3A_143 = tpu.memref_squeeze %dma_wait3A_142 : memref<1x1x128xi32, #tpu.memory_space<vmem>> -> memref<128xi32, #tpu.memory_space<vmem>>
        %dma_wait3A_144 = arith.constant 0 : i32
        %dma_wait3A_145 = arith.constant 0 : i32
        %dma_wait3A_146 = tpu.memref_slice %arg9[%dma_wait3A_144, %dma_wait3A_145] : memref<10112x128xf32, #tpu.memory_space<vmem_shared>> -> memref<10112x128xf32, #tpu.memory_space<vmem_shared>>
        tpu.wait_indirect_dma semaphore(%run_scoped3A_134 : memref<!tpu.dma_semaphore, #tpu.memory_space<semaphore_mem>>) src(%arg8 : memref<128x128xf32, #tpu.memory_space<vmem>>) dst(%dma_wait3A_146 : memref<10112x128xf32, #tpu.memory_space<vmem_shared>>)
        tpu.yield
      }) : () -> ()
    }
    %scan3A_60 = arith.constant 19 : i32
    %dma_wait3A_61 = arith.constant 38 : i32
    %dma_wait3A_62 = arith.constant 0 : i32
    %dma_wait3A_63 = arith.constant 0 : i32
    %dma_wait3A_64 = tpu.memref_slice %arg6[%dma_wait3A_61, %dma_wait3A_62, %dma_wait3A_63] : memref<40x2x128xi32, #tpu.memory_space<vmem>> -> memref<1x1x128xi32, #tpu.memory_space<vmem>>
    %dma_wait3A_65 = tpu.memref_squeeze %dma_wait3A_64 : memref<1x1x128xi32, #tpu.memory_space<vmem>> -> memref<128xi32, #tpu.memory_space<vmem>>
    %dma_wait3A_66 = arith.constant 0 : i32
    %dma_wait3A_67 = arith.constant 0 : i32
    %dma_wait3A_68 = tpu.memref_slice %arg2[%dma_wait3A_66, %dma_wait3A_67] : memref<10000x128xf32, #tpu.memory_space<hbm>> -> memref<10000x128xf32, #tpu.memory_space<hbm>>
    tpu.wait_indirect_dma semaphore(%arg10 : memref<!tpu.dma_semaphore, #tpu.memory_space<semaphore_mem>>) src(%dma_wait3A_68 : memref<10000x128xf32, #tpu.memory_space<hbm>>) dst(%arg7 : memref<128x128xf32, #tpu.memory_space<vmem>>)
    %dma_start3A_69 = arith.constant 39 : i32
    %dma_start3A_70 = arith.constant 0 : i32
    %dma_start3A_71 = arith.constant 0 : i32
    %dma_start3A_72 = tpu.memref_slice %arg6[%dma_start3A_69, %dma_start3A_70, %dma_start3A_71] : memref<40x2x128xi32, #tpu.memory_space<vmem>> -> memref<1x1x128xi32, #tpu.memory_space<vmem>>
    %dma_start3A_73 = tpu.memref_squeeze %dma_start3A_72 : memref<1x1x128xi32, #tpu.memory_space<vmem>> -> memref<128xi32, #tpu.memory_space<vmem>>
    %dma_start3A_74 = arith.constant 0 : i32
    %dma_start3A_75 = arith.constant 0 : i32
    %dma_start3A_76 = tpu.memref_slice %arg2[%dma_start3A_74, %dma_start3A_75] : memref<10000x128xf32, #tpu.memory_space<hbm>> -> memref<10000x128xf32, #tpu.memory_space<hbm>>
    tpu.enqueue_indirect_dma source(%dma_start3A_76 : memref<10000x128xf32, #tpu.memory_space<hbm>>) target(%arg8 : memref<128x128xf32, #tpu.memory_space<vmem>>) offsets(%dma_start3A_73 : memref<128xi32, #tpu.memory_space<vmem>>) semaphore(%arg11 : memref<!tpu.dma_semaphore, #tpu.memory_space<semaphore_mem>>)
    %run_scoped3A_77 = arith.constant 38 : i32
    %run_scoped3A_78 = arith.constant 1 : i32
    "tpu.region"() ({
      %run_scoped3A_93 = tpu.sem_alloc : memref<!tpu.dma_semaphore, #tpu.memory_space<semaphore_mem>>
      %dma_start3A_94 = arith.constant 0 : i32
      %dma_start3A_95 = tpu.memref_slice %arg6[%run_scoped3A_77, %run_scoped3A_78, %dma_start3A_94] : memref<40x2x128xi32, #tpu.memory_space<vmem>> -> memref<1x1x128xi32, #tpu.memory_space<vmem>>
      %dma_start3A_96 = tpu.memref_squeeze %dma_start3A_95 : memref<1x1x128xi32, #tpu.memory_space<vmem>> -> memref<128xi32, #tpu.memory_space<vmem>>
      %dma_start3A_97 = arith.constant 0 : i32
      %dma_start3A_98 = arith.constant 0 : i32
      %dma_start3A_99 = tpu.memref_slice %arg9[%dma_start3A_97, %dma_start3A_98] : memref<10112x128xf32, #tpu.memory_space<vmem_shared>> -> memref<10112x128xf32, #tpu.memory_space<vmem_shared>>
      tpu.enqueue_indirect_dma source(%arg7 : memref<128x128xf32, #tpu.memory_space<vmem>>) target(%dma_start3A_99 : memref<10112x128xf32, #tpu.memory_space<vmem_shared>>) offsets(%dma_start3A_96 : memref<128xi32, #tpu.memory_space<vmem>>) semaphore(%run_scoped3A_93 : memref<!tpu.dma_semaphore, #tpu.memory_space<semaphore_mem>>) {add = true}
      %dma_wait3A_100 = arith.constant 0 : i32
      %dma_wait3A_101 = tpu.memref_slice %arg6[%run_scoped3A_77, %run_scoped3A_78, %dma_wait3A_100] : memref<40x2x128xi32, #tpu.memory_space<vmem>> -> memref<1x1x128xi32, #tpu.memory_space<vmem>>
      %dma_wait3A_102 = tpu.memref_squeeze %dma_wait3A_101 : memref<1x1x128xi32, #tpu.memory_space<vmem>> -> memref<128xi32, #tpu.memory_space<vmem>>
      %dma_wait3A_103 = arith.constant 0 : i32
      %dma_wait3A_104 = arith.constant 0 : i32
      %dma_wait3A_105 = tpu.memref_slice %arg9[%dma_wait3A_103, %dma_wait3A_104] : memref<10112x128xf32, #tpu.memory_space<vmem_shared>> -> memref<10112x128xf32, #tpu.memory_space<vmem_shared>>
      tpu.wait_indirect_dma semaphore(%run_scoped3A_93 : memref<!tpu.dma_semaphore, #tpu.memory_space<semaphore_mem>>) src(%arg7 : memref<128x128xf32, #tpu.memory_space<vmem>>) dst(%dma_wait3A_105 : memref<10112x128xf32, #tpu.memory_space<vmem_shared>>)
      tpu.yield
    }) : () -> ()
    %dma_wait3A_79 = arith.constant 39 : i32
    %dma_wait3A_80 = arith.constant 0 : i32
    %dma_wait3A_81 = arith.constant 0 : i32
    %dma_wait3A_82 = tpu.memref_slice %arg6[%dma_wait3A_79, %dma_wait3A_80, %dma_wait3A_81] : memref<40x2x128xi32, #tpu.memory_space<vmem>> -> memref<1x1x128xi32, #tpu.memory_space<vmem>>
    %dma_wait3A_83 = tpu.memref_squeeze %dma_wait3A_82 : memref<1x1x128xi32, #tpu.memory_space<vmem>> -> memref<128xi32, #tpu.memory_space<vmem>>
    %dma_wait3A_84 = arith.constant 0 : i32
    %dma_wait3A_85 = arith.constant 0 : i32
    %dma_wait3A_86 = tpu.memref_slice %arg2[%dma_wait3A_84, %dma_wait3A_85] : memref<10000x128xf32, #tpu.memory_space<hbm>> -> memref<10000x128xf32, #tpu.memory_space<hbm>>
    tpu.wait_indirect_dma semaphore(%arg11 : memref<!tpu.dma_semaphore, #tpu.memory_space<semaphore_mem>>) src(%dma_wait3A_86 : memref<10000x128xf32, #tpu.memory_space<hbm>>) dst(%arg8 : memref<128x128xf32, #tpu.memory_space<vmem>>)
    %run_scoped3A_87 = arith.constant 39 : i32
    %run_scoped3A_88 = arith.constant 1 : i32
    "tpu.region"() ({
      %run_scoped3A_93 = tpu.sem_alloc : memref<!tpu.dma_semaphore, #tpu.memory_space<semaphore_mem>>
      %dma_start3A_94 = arith.constant 0 : i32
      %dma_start3A_95 = tpu.memref_slice %arg6[%run_scoped3A_87, %run_scoped3A_88, %dma_start3A_94] : memref<40x2x128xi32, #tpu.memory_space<vmem>> -> memref<1x1x128xi32, #tpu.memory_space<vmem>>
      %dma_start3A_96 = tpu.memref_squeeze %dma_start3A_95 : memref<1x1x128xi32, #tpu.memory_space<vmem>> -> memref<128xi32, #tpu.memory_space<vmem>>
      %dma_start3A_97 = arith.constant 0 : i32
      %dma_start3A_98 = arith.constant 0 : i32
      %dma_start3A_99 = tpu.memref_slice %arg9[%dma_start3A_97, %dma_start3A_98] : memref<10112x128xf32, #tpu.memory_space<vmem_shared>> -> memref<10112x128xf32, #tpu.memory_space<vmem_shared>>
      tpu.enqueue_indirect_dma source(%arg8 : memref<128x128xf32, #tpu.memory_space<vmem>>) target(%dma_start3A_99 : memref<10112x128xf32, #tpu.memory_space<vmem_shared>>) offsets(%dma_start3A_96 : memref<128xi32, #tpu.memory_space<vmem>>) semaphore(%run_scoped3A_93 : memref<!tpu.dma_semaphore, #tpu.memory_space<semaphore_mem>>) {add = true}
      %dma_wait3A_100 = arith.constant 0 : i32
      %dma_wait3A_101 = tpu.memref_slice %arg6[%run_scoped3A_87, %run_scoped3A_88, %dma_wait3A_100] : memref<40x2x128xi32, #tpu.memory_space<vmem>> -> memref<1x1x128xi32, #tpu.memory_space<vmem>>
      %dma_wait3A_102 = tpu.memref_squeeze %dma_wait3A_101 : memref<1x1x128xi32, #tpu.memory_space<vmem>> -> memref<128xi32, #tpu.memory_space<vmem>>
      %dma_wait3A_103 = arith.constant 0 : i32
      %dma_wait3A_104 = arith.constant 0 : i32
      %dma_wait3A_105 = tpu.memref_slice %arg9[%dma_wait3A_103, %dma_wait3A_104] : memref<10112x128xf32, #tpu.memory_space<vmem_shared>> -> memref<10112x128xf32, #tpu.memory_space<vmem_shared>>
      tpu.wait_indirect_dma semaphore(%run_scoped3A_93 : memref<!tpu.dma_semaphore, #tpu.memory_space<semaphore_mem>>) src(%arg8 : memref<128x128xf32, #tpu.memory_space<vmem>>) dst(%dma_wait3A_105 : memref<10112x128xf32, #tpu.memory_space<vmem_shared>>)
      tpu.yield
    }) : () -> ()
    %barrier3A_89 = arith.constant 0 : index
    tpu.barrier barrier_id(%barrier3A_89)
    %mul3A_90 = arith.constant 10112 : i32
    %mul3A_91 = arith.muli %arg0, %mul3A_90 : i32
    %add3A_92 = arith.addi %mul3A_91, %mul3A_2 : i32
    "tpu.region"() ({
      %run_scoped3A_93 = tpu.sem_alloc : memref<!tpu.dma_semaphore, #tpu.memory_space<semaphore_mem>>
      %dma_start3A_94 = arith.constant 0 : i32
      %dma_start3A_95 = tpu.memref_slice %arg5[%add3A_92, %dma_start3A_94] : memref<20224x128xf32, #tpu.memory_space<hbm>> -> memref<632x128xf32, #tpu.memory_space<hbm>>
      %dma_start3A_96 = arith.constant 0 : i32
      %dma_start3A_97 = tpu.memref_slice %arg9[%mul3A_2, %dma_start3A_96] : memref<10112x128xf32, #tpu.memory_space<vmem_shared>> -> memref<632x128xf32, #tpu.memory_space<vmem_shared>>
      tpu.enqueue_dma source(%dma_start3A_97 : memref<632x128xf32, #tpu.memory_space<vmem_shared>>) target(%dma_start3A_95 : memref<632x128xf32, #tpu.memory_space<hbm>>) target_semaphore(%run_scoped3A_93 : memref<!tpu.dma_semaphore, #tpu.memory_space<semaphore_mem>>)
      %dma_wait3A_98 = arith.constant 0 : i32
      %dma_wait3A_99 = tpu.memref_slice %arg5[%add3A_92, %dma_wait3A_98] : memref<20224x128xf32, #tpu.memory_space<hbm>> -> memref<632x128xf32, #tpu.memory_space<hbm>>
      %dma_wait3A_100 = arith.constant 0 : i32
      %dma_wait3A_101 = tpu.memref_slice %arg9[%mul3A_2, %dma_wait3A_100] : memref<10112x128xf32, #tpu.memory_space<vmem_shared>> -> memref<632x128xf32, #tpu.memory_space<vmem_shared>>
      tpu.wait_dma2 semaphore(%run_scoped3A_93 : memref<!tpu.dma_semaphore, #tpu.memory_space<semaphore_mem>>) src(%dma_wait3A_101 : memref<632x128xf32, #tpu.memory_space<vmem_shared>>) dst(%dma_wait3A_99 : memref<632x128xf32, #tpu.memory_space<hbm>>)
      tpu.yield
    }) : () -> ()
    return
  }
}

#map = affine_map<(d0, d1) -> (0, 0, 0)>
#map1 = affine_map<(d0, d1) -> (0)>
module attributes {stable_mosaic.version = 14 : i64} {
  func.func @k(%arg0: i32, %arg1: i32, %arg2: memref<2560x2x128xi32, #tpu.memory_space<hbm>>, %arg3: memref<10112xf32, #tpu.memory_space<hbm>>, %arg4: memref<20224xf32, #tpu.memory_space<hbm>>, %arg5: memref<80x2x128xi32, #tpu.memory_space<vmem>>, %arg6: memref<128xf32, #tpu.memory_space<vmem>>, %arg7: memref<632xf32, #tpu.memory_space<vmem>>, %arg8: memref<10112xf32, #tpu.memory_space<vmem_shared>>) attributes {dimension_semantics = [#tpu.dimension_semantics<core_parallel>, #tpu.dimension_semantics<subcore_parallel>], iteration_bounds = array<i64: 2, 16>, scalar_prefetch = 0 : i64, scratch_operands = 4 : i64, tpu.core_type = #tpu.core_type<sc_vector_subcore>, window_params = [{transform_indices = #map}, {transform_indices = #map1}, {transform_indices = #map1}]} {
    %mul3A = arith.constant 2 : i32
    %mul3A_0 = arith.muli %arg1, %mul3A : i32
    %add3A = arith.addi %mul3A_0, %arg0 : i32
    %mul3A_1 = arith.constant 632 : i32
    %mul3A_2 = arith.muli %arg1, %mul3A_1 : i32
    %mul3A_3 = arith.constant 80 : i32
    %mul3A_4 = arith.muli %add3A, %mul3A_3 : i32
    "tpu.region"() ({
      %run_scoped3A = tpu.sem_alloc : memref<!tpu.dma_semaphore, #tpu.memory_space<semaphore_mem>>
      %dma_start3A = arith.constant 0 : i32
      %dma_start3A_60 = arith.constant 0 : i32
      %dma_start3A_61 = tpu.memref_slice %arg2[%mul3A_4, %dma_start3A, %dma_start3A_60] : memref<2560x2x128xi32, #tpu.memory_space<hbm>> -> memref<80x2x128xi32, #tpu.memory_space<hbm>>
      %dma_start3A_62 = arith.constant 0 : i32
      %dma_start3A_63 = arith.constant 0 : i32
      %dma_start3A_64 = tpu.memref_slice %arg2[%mul3A_4, %dma_start3A_62, %dma_start3A_63] : memref<2560x2x128xi32, #tpu.memory_space<hbm>> -> memref<80x2x128xi32, #tpu.memory_space<hbm>>
      tpu.enqueue_dma source(%dma_start3A_64 : memref<80x2x128xi32, #tpu.memory_space<hbm>>) target(%arg5 : memref<80x2x128xi32, #tpu.memory_space<vmem>>) target_semaphore(%run_scoped3A : memref<!tpu.dma_semaphore, #tpu.memory_space<semaphore_mem>>)
      %dma_wait3A = arith.constant 0 : i32
      %dma_wait3A_65 = arith.constant 0 : i32
      %dma_wait3A_66 = tpu.memref_slice %arg2[%mul3A_4, %dma_wait3A, %dma_wait3A_65] : memref<2560x2x128xi32, #tpu.memory_space<hbm>> -> memref<80x2x128xi32, #tpu.memory_space<hbm>>
      %dma_wait3A_67 = arith.constant 0 : i32
      %dma_wait3A_68 = arith.constant 0 : i32
      %dma_wait3A_69 = tpu.memref_slice %arg2[%mul3A_4, %dma_wait3A_67, %dma_wait3A_68] : memref<2560x2x128xi32, #tpu.memory_space<hbm>> -> memref<80x2x128xi32, #tpu.memory_space<hbm>>
      tpu.wait_dma2 semaphore(%run_scoped3A : memref<!tpu.dma_semaphore, #tpu.memory_space<semaphore_mem>>) src(%dma_wait3A_69 : memref<80x2x128xi32, #tpu.memory_space<hbm>>) dst(%arg5 : memref<80x2x128xi32, #tpu.memory_space<vmem>>)
      tpu.yield
    }) : () -> ()
    "tpu.region"() ({
      %run_scoped3A = tpu.sem_alloc : memref<!tpu.dma_semaphore, #tpu.memory_space<semaphore_mem>>
      %dma_start3A = tpu.memref_slice %arg3[%mul3A_2] : memref<10112xf32, #tpu.memory_space<hbm>> -> memref<632xf32, #tpu.memory_space<hbm>>
      %dma_start3A_60 = tpu.memref_slice %arg3[%mul3A_2] : memref<10112xf32, #tpu.memory_space<hbm>> -> memref<632xf32, #tpu.memory_space<hbm>>
      tpu.enqueue_dma source(%dma_start3A_60 : memref<632xf32, #tpu.memory_space<hbm>>) target(%arg7 : memref<632xf32, #tpu.memory_space<vmem>>) target_semaphore(%run_scoped3A : memref<!tpu.dma_semaphore, #tpu.memory_space<semaphore_mem>>)
      %dma_wait3A = tpu.memref_slice %arg3[%mul3A_2] : memref<10112xf32, #tpu.memory_space<hbm>> -> memref<632xf32, #tpu.memory_space<hbm>>
      %dma_wait3A_61 = tpu.memref_slice %arg3[%mul3A_2] : memref<10112xf32, #tpu.memory_space<hbm>> -> memref<632xf32, #tpu.memory_space<hbm>>
      tpu.wait_dma2 semaphore(%run_scoped3A : memref<!tpu.dma_semaphore, #tpu.memory_space<semaphore_mem>>) src(%dma_wait3A_61 : memref<632xf32, #tpu.memory_space<hbm>>) dst(%arg7 : memref<632xf32, #tpu.memory_space<vmem>>)
      tpu.yield
    }) : () -> ()
    "tpu.region"() ({
      %run_scoped3A = tpu.sem_alloc : memref<!tpu.dma_semaphore, #tpu.memory_space<semaphore_mem>>
      %dma_start3A = tpu.memref_slice %arg8[%mul3A_2] : memref<10112xf32, #tpu.memory_space<vmem_shared>> -> memref<632xf32, #tpu.memory_space<vmem_shared>>
      %dma_start3A_60 = tpu.memref_slice %arg8[%mul3A_2] : memref<10112xf32, #tpu.memory_space<vmem_shared>> -> memref<632xf32, #tpu.memory_space<vmem_shared>>
      tpu.enqueue_dma source(%arg7 : memref<632xf32, #tpu.memory_space<vmem>>) target(%dma_start3A_60 : memref<632xf32, #tpu.memory_space<vmem_shared>>) target_semaphore(%run_scoped3A : memref<!tpu.dma_semaphore, #tpu.memory_space<semaphore_mem>>)
      %dma_wait3A = tpu.memref_slice %arg8[%mul3A_2] : memref<10112xf32, #tpu.memory_space<vmem_shared>> -> memref<632xf32, #tpu.memory_space<vmem_shared>>
      %dma_wait3A_61 = tpu.memref_slice %arg8[%mul3A_2] : memref<10112xf32, #tpu.memory_space<vmem_shared>> -> memref<632xf32, #tpu.memory_space<vmem_shared>>
      tpu.wait_dma2 semaphore(%run_scoped3A : memref<!tpu.dma_semaphore, #tpu.memory_space<semaphore_mem>>) src(%arg7 : memref<632xf32, #tpu.memory_space<vmem>>) dst(%dma_wait3A_61 : memref<632xf32, #tpu.memory_space<vmem_shared>>)
      tpu.yield
    }) : () -> ()
    %broadcast_in_dim3A = arith.constant 1.000000e+00 : f32
    %broadcast_in_dim3A_5 = vector.broadcast %broadcast_in_dim3A : f32 to vector<16xf32>
    %swap3A = arith.constant 0 : index
    %swap3A_6 = tpu.vector_load %arg6[%swap3A] {strides = array<i32>} : memref<128xf32, #tpu.memory_space<vmem>>, vector<16xf32>,
    %swap3A_7 = vector.shape_cast %swap3A_6 : vector<16xf32> to vector<16xf32>
    %swap3A_8 = vector.shape_cast %broadcast_in_dim3A_5 : vector<16xf32> to vector<16xf32>
    tpu.vector_store %arg6[%swap3A], %swap3A_8 {strides = array<i32>} : memref<128xf32, #tpu.memory_space<vmem>>, vector<16xf32>,
    %broadcast_in_dim3A_9 = arith.constant 1.000000e+00 : f32
    %broadcast_in_dim3A_10 = vector.broadcast %broadcast_in_dim3A_9 : f32 to vector<16xf32>
    %swap3A_11 = arith.constant 16 : index
    %swap3A_12 = tpu.vector_load %arg6[%swap3A_11] {strides = array<i32>} : memref<128xf32, #tpu.memory_space<vmem>>, vector<16xf32>,
    %swap3A_13 = vector.shape_cast %swap3A_12 : vector<16xf32> to vector<16xf32>
    %swap3A_14 = vector.shape_cast %broadcast_in_dim3A_10 : vector<16xf32> to vector<16xf32>
    tpu.vector_store %arg6[%swap3A_11], %swap3A_14 {strides = array<i32>} : memref<128xf32, #tpu.memory_space<vmem>>, vector<16xf32>,
    %broadcast_in_dim3A_15 = arith.constant 1.000000e+00 : f32
    %broadcast_in_dim3A_16 = vector.broadcast %broadcast_in_dim3A_15 : f32 to vector<16xf32>
    %swap3A_17 = arith.constant 32 : index
    %swap3A_18 = tpu.vector_load %arg6[%swap3A_17] {strides = array<i32>} : memref<128xf32, #tpu.memory_space<vmem>>, vector<16xf32>,
    %swap3A_19 = vector.shape_cast %swap3A_18 : vector<16xf32> to vector<16xf32>
    %swap3A_20 = vector.shape_cast %broadcast_in_dim3A_16 : vector<16xf32> to vector<16xf32>
    tpu.vector_store %arg6[%swap3A_17], %swap3A_20 {strides = array<i32>} : memref<128xf32, #tpu.memory_space<vmem>>, vector<16xf32>,
    %broadcast_in_dim3A_21 = arith.constant 1.000000e+00 : f32
    %broadcast_in_dim3A_22 = vector.broadcast %broadcast_in_dim3A_21 : f32 to vector<16xf32>
    %swap3A_23 = arith.constant 48 : index
    %swap3A_24 = tpu.vector_load %arg6[%swap3A_23] {strides = array<i32>} : memref<128xf32, #tpu.memory_space<vmem>>, vector<16xf32>,
    %swap3A_25 = vector.shape_cast %swap3A_24 : vector<16xf32> to vector<16xf32>
    %swap3A_26 = vector.shape_cast %broadcast_in_dim3A_22 : vector<16xf32> to vector<16xf32>
    tpu.vector_store %arg6[%swap3A_23], %swap3A_26 {strides = array<i32>} : memref<128xf32, #tpu.memory_space<vmem>>, vector<16xf32>,
    %broadcast_in_dim3A_27 = arith.constant 1.000000e+00 : f32
    %broadcast_in_dim3A_28 = vector.broadcast %broadcast_in_dim3A_27 : f32 to vector<16xf32>
    %swap3A_29 = arith.constant 64 : index
    %swap3A_30 = tpu.vector_load %arg6[%swap3A_29] {strides = array<i32>} : memref<128xf32, #tpu.memory_space<vmem>>, vector<16xf32>,
    %swap3A_31 = vector.shape_cast %swap3A_30 : vector<16xf32> to vector<16xf32>
    %swap3A_32 = vector.shape_cast %broadcast_in_dim3A_28 : vector<16xf32> to vector<16xf32>
    tpu.vector_store %arg6[%swap3A_29], %swap3A_32 {strides = array<i32>} : memref<128xf32, #tpu.memory_space<vmem>>, vector<16xf32>,
    %broadcast_in_dim3A_33 = arith.constant 1.000000e+00 : f32
    %broadcast_in_dim3A_34 = vector.broadcast %broadcast_in_dim3A_33 : f32 to vector<16xf32>
    %swap3A_35 = arith.constant 80 : index
    %swap3A_36 = tpu.vector_load %arg6[%swap3A_35] {strides = array<i32>} : memref<128xf32, #tpu.memory_space<vmem>>, vector<16xf32>,
    %swap3A_37 = vector.shape_cast %swap3A_36 : vector<16xf32> to vector<16xf32>
    %swap3A_38 = vector.shape_cast %broadcast_in_dim3A_34 : vector<16xf32> to vector<16xf32>
    tpu.vector_store %arg6[%swap3A_35], %swap3A_38 {strides = array<i32>} : memref<128xf32, #tpu.memory_space<vmem>>, vector<16xf32>,
    %broadcast_in_dim3A_39 = arith.constant 1.000000e+00 : f32
    %broadcast_in_dim3A_40 = vector.broadcast %broadcast_in_dim3A_39 : f32 to vector<16xf32>
    %swap3A_41 = arith.constant 96 : index
    %swap3A_42 = tpu.vector_load %arg6[%swap3A_41] {strides = array<i32>} : memref<128xf32, #tpu.memory_space<vmem>>, vector<16xf32>,
    %swap3A_43 = vector.shape_cast %swap3A_42 : vector<16xf32> to vector<16xf32>
    %swap3A_44 = vector.shape_cast %broadcast_in_dim3A_40 : vector<16xf32> to vector<16xf32>
    tpu.vector_store %arg6[%swap3A_41], %swap3A_44 {strides = array<i32>} : memref<128xf32, #tpu.memory_space<vmem>>, vector<16xf32>,
    %broadcast_in_dim3A_45 = arith.constant 1.000000e+00 : f32
    %broadcast_in_dim3A_46 = vector.broadcast %broadcast_in_dim3A_45 : f32 to vector<16xf32>
    %swap3A_47 = arith.constant 112 : index
    %swap3A_48 = tpu.vector_load %arg6[%swap3A_47] {strides = array<i32>} : memref<128xf32, #tpu.memory_space<vmem>>, vector<16xf32>,
    %swap3A_49 = vector.shape_cast %swap3A_48 : vector<16xf32> to vector<16xf32>
    %swap3A_50 = vector.shape_cast %broadcast_in_dim3A_46 : vector<16xf32> to vector<16xf32>
    tpu.vector_store %arg6[%swap3A_47], %swap3A_50 {strides = array<i32>} : memref<128xf32, #tpu.memory_space<vmem>>, vector<16xf32>,
    %barrier3A = arith.constant 0 : index
    tpu.barrier barrier_id(%barrier3A)
    %scan3A = arith.constant 0 : i32
    %scan3A_51 = arith.constant 0 : i32
    %scan3A_52 = arith.constant 80 : i32
    %scan3A_53 = arith.addi %scan3A_51, %scan3A_52 : i32
    %scan3A_54 = arith.constant 1 : i32
    scf.for %scan3A_60 = %scan3A_51 to %scan3A_53 step %scan3A_54  : i32 {
      %run_scoped3A = arith.constant 1 : i32
      "tpu.region"() ({
        %run_scoped3A_61 = tpu.sem_alloc : memref<!tpu.dma_semaphore, #tpu.memory_space<semaphore_mem>>
        %dma_start3A = arith.constant 0 : i32
        %dma_start3A_62 = tpu.memref_slice %arg5[%scan3A_60, %run_scoped3A, %dma_start3A] : memref<80x2x128xi32, #tpu.memory_space<vmem>> -> memref<1x1x128xi32, #tpu.memory_space<vmem>>
        %dma_start3A_63 = tpu.memref_squeeze %dma_start3A_62 : memref<1x1x128xi32, #tpu.memory_space<vmem>> -> memref<128xi32, #tpu.memory_space<vmem>>
        %dma_start3A_64 = arith.constant 0 : i32
        %dma_start3A_65 = tpu.memref_slice %arg8[%dma_start3A_64] : memref<10112xf32, #tpu.memory_space<vmem_shared>> -> memref<10112xf32, #tpu.memory_space<vmem_shared>>
        tpu.enqueue_indirect_dma source(%arg6 : memref<128xf32, #tpu.memory_space<vmem>>) target(%dma_start3A_65 : memref<10112xf32, #tpu.memory_space<vmem_shared>>) offsets(%dma_start3A_63 : memref<128xi32, #tpu.memory_space<vmem>>) semaphore(%run_scoped3A_61 : memref<!tpu.dma_semaphore, #tpu.memory_space<semaphore_mem>>) {add = true}
        %dma_wait3A = arith.constant 0 : i32
        %dma_wait3A_66 = tpu.memref_slice %arg5[%scan3A_60, %run_scoped3A, %dma_wait3A] : memref<80x2x128xi32, #tpu.memory_space<vmem>> -> memref<1x1x128xi32, #tpu.memory_space<vmem>>
        %dma_wait3A_67 = tpu.memref_squeeze %dma_wait3A_66 : memref<1x1x128xi32, #tpu.memory_space<vmem>> -> memref<128xi32, #tpu.memory_space<vmem>>
        %dma_wait3A_68 = arith.constant 0 : i32
        %dma_wait3A_69 = tpu.memref_slice %arg8[%dma_wait3A_68] : memref<10112xf32, #tpu.memory_space<vmem_shared>> -> memref<10112xf32, #tpu.memory_space<vmem_shared>>
        tpu.wait_indirect_dma semaphore(%run_scoped3A_61 : memref<!tpu.dma_semaphore, #tpu.memory_space<semaphore_mem>>) src(%arg6 : memref<128xf32, #tpu.memory_space<vmem>>) dst(%dma_wait3A_69 : memref<10112xf32, #tpu.memory_space<vmem_shared>>)
        tpu.yield
      }) : () -> ()
    }
    %scan3A_55 = arith.constant 80 : i32
    %barrier3A_56 = arith.constant 0 : index
    tpu.barrier barrier_id(%barrier3A_56)
    "tpu.region"() ({
      %run_scoped3A = tpu.sem_alloc : memref<!tpu.dma_semaphore, #tpu.memory_space<semaphore_mem>>
      %dma_start3A = tpu.memref_slice %arg8[%mul3A_2] : memref<10112xf32, #tpu.memory_space<vmem_shared>> -> memref<632xf32, #tpu.memory_space<vmem_shared>>
      %dma_start3A_60 = tpu.memref_slice %arg8[%mul3A_2] : memref<10112xf32, #tpu.memory_space<vmem_shared>> -> memref<632xf32, #tpu.memory_space<vmem_shared>>
      tpu.enqueue_dma source(%dma_start3A_60 : memref<632xf32, #tpu.memory_space<vmem_shared>>) target(%arg7 : memref<632xf32, #tpu.memory_space<vmem>>) target_semaphore(%run_scoped3A : memref<!tpu.dma_semaphore, #tpu.memory_space<semaphore_mem>>)
      %dma_wait3A = tpu.memref_slice %arg8[%mul3A_2] : memref<10112xf32, #tpu.memory_space<vmem_shared>> -> memref<632xf32, #tpu.memory_space<vmem_shared>>
      %dma_wait3A_61 = tpu.memref_slice %arg8[%mul3A_2] : memref<10112xf32, #tpu.memory_space<vmem_shared>> -> memref<632xf32, #tpu.memory_space<vmem_shared>>
      tpu.wait_dma2 semaphore(%run_scoped3A : memref<!tpu.dma_semaphore, #tpu.memory_space<semaphore_mem>>) src(%dma_wait3A_61 : memref<632xf32, #tpu.memory_space<vmem_shared>>) dst(%arg7 : memref<632xf32, #tpu.memory_space<vmem>>)
      tpu.yield
    }) : () -> ()
    %mul3A_57 = arith.constant 10112 : i32
    %mul3A_58 = arith.muli %arg0, %mul3A_57 : i32
    %add3A_59 = arith.addi %mul3A_58, %mul3A_2 : i32
    "tpu.region"() ({
      %run_scoped3A = tpu.sem_alloc : memref<!tpu.dma_semaphore, #tpu.memory_space<semaphore_mem>>
      %dma_start3A = tpu.memref_slice %arg4[%add3A_59] : memref<20224xf32, #tpu.memory_space<hbm>> -> memref<632xf32, #tpu.memory_space<hbm>>
      %dma_start3A_60 = tpu.memref_slice %arg4[%add3A_59] : memref<20224xf32, #tpu.memory_space<hbm>> -> memref<632xf32, #tpu.memory_space<hbm>>
      tpu.enqueue_dma source(%arg7 : memref<632xf32, #tpu.memory_space<vmem>>) target(%dma_start3A_60 : memref<632xf32, #tpu.memory_space<hbm>>) target_semaphore(%run_scoped3A : memref<!tpu.dma_semaphore, #tpu.memory_space<semaphore_mem>>)
      %dma_wait3A = tpu.memref_slice %arg4[%add3A_59] : memref<20224xf32, #tpu.memory_space<hbm>> -> memref<632xf32, #tpu.memory_space<hbm>>
      %dma_wait3A_61 = tpu.memref_slice %arg4[%add3A_59] : memref<20224xf32, #tpu.memory_space<hbm>> -> memref<632xf32, #tpu.memory_space<hbm>>
      tpu.wait_dma2 semaphore(%run_scoped3A : memref<!tpu.dma_semaphore, #tpu.memory_space<semaphore_mem>>) src(%arg7 : memref<632xf32, #tpu.memory_space<vmem>>) dst(%dma_wait3A_61 : memref<632xf32, #tpu.memory_space<hbm>>)
      tpu.yield
    }) : () -> ()
    return
  }
}

#map = affine_map<(d0, d1) -> (0, 0)>
#map1 = affine_map<(d0, d1) -> (0, 0, 0)>
module attributes {stable_mosaic.version = 14 : i64} {
  func.func @k(%arg0: i32, %arg1: i32, %arg2: memref<10000x128xf32, #tpu.memory_space<hbm>>, %arg3: memref<2560x2x128xi32, #tpu.memory_space<hbm>>, %arg4: memref<10112x128xf32, #tpu.memory_space<hbm>>, %arg5: memref<20224x128xf32, #tpu.memory_space<hbm>>, %arg6: memref<40x2x128xi32, #tpu.memory_space<vmem>>, %arg7: memref<128x128xf32, #tpu.memory_space<vmem>>, %arg8: memref<128x128xf32, #tpu.memory_space<vmem>>, %arg9: memref<10112x128xf32, #tpu.memory_space<vmem_shared>>, %arg10: memref<!tpu.dma_semaphore, #tpu.memory_space<semaphore_mem>>, %arg11: memref<!tpu.dma_semaphore, #tpu.memory_space<semaphore_mem>>) attributes {dimension_semantics = [#tpu.dimension_semantics<core_parallel>, #tpu.dimension_semantics<subcore_parallel>], iteration_bounds = array<i64: 2, 16>, scalar_prefetch = 0 : i64, scratch_operands = 6 : i64, tpu.core_type = #tpu.core_type<sc_vector_subcore>, window_params = [{transform_indices = #map}, {transform_indices = #map1}, {transform_indices = #map}, {transform_indices = #map}]} {
    %mul3A = arith.constant 2 : i32
    %mul3A_0 = arith.muli %arg1, %mul3A : i32
    %add3A = arith.addi %mul3A_0, %arg0 : i32
    %mul3A_1 = arith.constant 632 : i32
    %mul3A_2 = arith.muli %arg1, %mul3A_1 : i32
    %mul3A_3 = arith.constant 80 : i32
    %mul3A_4 = arith.muli %add3A, %mul3A_3 : i32
    "tpu.region"() ({
      %run_scoped3A_93 = tpu.sem_alloc : memref<!tpu.dma_semaphore, #tpu.memory_space<semaphore_mem>>
      %dma_start3A_94 = arith.constant 0 : i32
      %dma_start3A_95 = arith.constant 0 : i32
      %dma_start3A_96 = tpu.memref_slice %arg3[%mul3A_4, %dma_start3A_94, %dma_start3A_95] : memref<2560x2x128xi32, #tpu.memory_space<hbm>> -> memref<40x2x128xi32, #tpu.memory_space<hbm>>
      %dma_start3A_97 = arith.constant 0 : i32
      %dma_start3A_98 = arith.constant 0 : i32
      %dma_start3A_99 = tpu.memref_slice %arg3[%mul3A_4, %dma_start3A_97, %dma_start3A_98] : memref<2560x2x128xi32, #tpu.memory_space<hbm>> -> memref<40x2x128xi32, #tpu.memory_space<hbm>>
      tpu.enqueue_dma source(%dma_start3A_99 : memref<40x2x128xi32, #tpu.memory_space<hbm>>) target(%arg6 : memref<40x2x128xi32, #tpu.memory_space<vmem>>) target_semaphore(%run_scoped3A_93 : memref<!tpu.dma_semaphore, #tpu.memory_space<semaphore_mem>>)
      %dma_wait3A_100 = arith.constant 0 : i32
      %dma_wait3A_101 = arith.constant 0 : i32
      %dma_wait3A_102 = tpu.memref_slice %arg3[%mul3A_4, %dma_wait3A_100, %dma_wait3A_101] : memref<2560x2x128xi32, #tpu.memory_space<hbm>> -> memref<40x2x128xi32, #tpu.memory_space<hbm>>
      %dma_wait3A_103 = arith.constant 0 : i32
      %dma_wait3A_104 = arith.constant 0 : i32
      %dma_wait3A_105 = tpu.memref_slice %arg3[%mul3A_4, %dma_wait3A_103, %dma_wait3A_104] : memref<2560x2x128xi32, #tpu.memory_space<hbm>> -> memref<40x2x128xi32, #tpu.memory_space<hbm>>
      tpu.wait_dma2 semaphore(%run_scoped3A_93 : memref<!tpu.dma_semaphore, #tpu.memory_space<semaphore_mem>>) src(%dma_wait3A_105 : memref<40x2x128xi32, #tpu.memory_space<hbm>>) dst(%arg6 : memref<40x2x128xi32, #tpu.memory_space<vmem>>)
      tpu.yield
    }) : () -> ()
    "tpu.region"() ({
      %run_scoped3A_93 = tpu.sem_alloc : memref<!tpu.dma_semaphore, #tpu.memory_space<semaphore_mem>>
      %dma_start3A_94 = arith.constant 0 : i32
      %dma_start3A_95 = tpu.memref_slice %arg9[%mul3A_2, %dma_start3A_94] : memref<10112x128xf32, #tpu.memory_space<vmem_shared>> -> memref<632x128xf32, #tpu.memory_space<vmem_shared>>
      %dma_start3A_96 = arith.constant 0 : i32
      %dma_start3A_97 = tpu.memref_slice %arg4[%mul3A_2, %dma_start3A_96] : memref<10112x128xf32, #tpu.memory_space<hbm>> -> memref<632x128xf32, #tpu.memory_space<hbm>>
      tpu.enqueue_dma source(%dma_start3A_97 : memref<632x128xf32, #tpu.memory_space<hbm>>) target(%dma_start3A_95 : memref<632x128xf32, #tpu.memory_space<vmem_shared>>) target_semaphore(%run_scoped3A_93 : memref<!tpu.dma_semaphore, #tpu.memory_space<semaphore_mem>>)
      %dma_wait3A_98 = arith.constant 0 : i32
      %dma_wait3A_99 = tpu.memref_slice %arg9[%mul3A_2, %dma_wait3A_98] : memref<10112x128xf32, #tpu.memory_space<vmem_shared>> -> memref<632x128xf32, #tpu.memory_space<vmem_shared>>
      %dma_wait3A_100 = arith.constant 0 : i32
      %dma_wait3A_101 = tpu.memref_slice %arg4[%mul3A_2, %dma_wait3A_100] : memref<10112x128xf32, #tpu.memory_space<hbm>> -> memref<632x128xf32, #tpu.memory_space<hbm>>
      tpu.wait_dma2 semaphore(%run_scoped3A_93 : memref<!tpu.dma_semaphore, #tpu.memory_space<semaphore_mem>>) src(%dma_wait3A_101 : memref<632x128xf32, #tpu.memory_space<hbm>>) dst(%dma_wait3A_99 : memref<632x128xf32, #tpu.memory_space<vmem_shared>>)
      tpu.yield
    }) : () -> ()
    %barrier3A = arith.constant 0 : index
    tpu.barrier barrier_id(%barrier3A)
    %dma_start3A = arith.constant 0 : i32
    %dma_start3A_5 = arith.constant 0 : i32
    %dma_start3A_6 = arith.constant 0 : i32
    %dma_start3A_7 = tpu.memref_slice %arg6[%dma_start3A, %dma_start3A_5, %dma_start3A_6] : memref<40x2x128xi32, #tpu.memory_space<vmem>> -> memref<1x1x128xi32, #tpu.memory_space<vmem>>
    %dma_start3A_8 = tpu.memref_squeeze %dma_start3A_7 : memref<1x1x128xi32, #tpu.memory_space<vmem>> -> memref<128xi32, #tpu.memory_space<vmem>>
    %dma_start3A_9 = arith.constant 0 : i32
    %dma_start3A_10 = arith.constant 0 : i32
    %dma_start3A_11 = tpu.memref_slice %arg2[%dma_start3A_9, %dma_start3A_10] : memref<10000x128xf32, #tpu.memory_space<hbm>> -> memref<10000x128xf32, #tpu.memory_space<hbm>>
    tpu.enqueue_indirect_dma source(%dma_start3A_11 : memref<10000x128xf32, #tpu.memory_space<hbm>>) target(%arg7 : memref<128x128xf32, #tpu.memory_space<vmem>>) offsets(%dma_start3A_8 : memref<128xi32, #tpu.memory_space<vmem>>) semaphore(%arg10 : memref<!tpu.dma_semaphore, #tpu.memory_space<semaphore_mem>>)
    %scan3A = arith.constant 0 : i32
    %scan3A_12 = arith.constant 0 : i32
    %scan3A_13 = arith.constant 19 : i32
    %scan3A_14 = arith.addi %scan3A_12, %scan3A_13 : i32
    %scan3A_15 = arith.constant 1 : i32
    scf.for %scan3A_93 = %scan3A_12 to %scan3A_14 step %scan3A_15  : i32 {
      %mul3A_94 = arith.constant 2 : i32
      %mul3A_95 = arith.muli %mul3A_94, %scan3A_93 : i32
      %dma_wait3A_96 = arith.constant 0 : i32
      %dma_wait3A_97 = arith.constant 0 : i32
      %dma_wait3A_98 = tpu.memref_slice %arg6[%mul3A_95, %dma_wait3A_96, %dma_wait3A_97] : memref<40x2x128xi32, #tpu.memory_space<vmem>> -> memref<1x1x128xi32, #tpu.memory_space<vmem>>
      %dma_wait3A_99 = tpu.memref_squeeze %dma_wait3A_98 : memref<1x1x128xi32, #tpu.memory_space<vmem>> -> memref<128xi32, #tpu.memory_space<vmem>>
      %dma_wait3A_100 = arith.constant 0 : i32
      %dma_wait3A_101 = arith.constant 0 : i32
      %dma_wait3A_102 = tpu.memref_slice %arg2[%dma_wait3A_100, %dma_wait3A_101] : memref<10000x128xf32, #tpu.memory_space<hbm>> -> memref<10000x128xf32, #tpu.memory_space<hbm>>
      tpu.wait_indirect_dma semaphore(%arg10 : memref<!tpu.dma_semaphore, #tpu.memory_space<semaphore_mem>>) src(%dma_wait3A_102 : memref<10000x128xf32, #tpu.memory_space<hbm>>) dst(%arg7 : memref<128x128xf32, #tpu.memory_space<vmem>>)
      %add3A_103 = arith.constant 1 : i32
      %add3A_104 = arith.addi %mul3A_95, %add3A_103 : i32
      %dma_start3A_105 = arith.constant 0 : i32
      %dma_start3A_106 = arith.constant 0 : i32
      %dma_start3A_107 = tpu.memref_slice %arg6[%add3A_104, %dma_start3A_105, %dma_start3A_106] : memref<40x2x128xi32, #tpu.memory_space<vmem>> -> memref<1x1x128xi32, #tpu.memory_space<vmem>>
      %dma_start3A_108 = tpu.memref_squeeze %dma_start3A_107 : memref<1x1x128xi32, #tpu.memory_space<vmem>> -> memref<128xi32, #tpu.memory_space<vmem>>
      %dma_start3A_109 = arith.constant 0 : i32
      %dma_start3A_110 = arith.constant 0 : i32
      %dma_start3A_111 = tpu.memref_slice %arg2[%dma_start3A_109, %dma_start3A_110] : memref<10000x128xf32, #tpu.memory_space<hbm>> -> memref<10000x128xf32, #tpu.memory_space<hbm>>
      tpu.enqueue_indirect_dma source(%dma_start3A_111 : memref<10000x128xf32, #tpu.memory_space<hbm>>) target(%arg8 : memref<128x128xf32, #tpu.memory_space<vmem>>) offsets(%dma_start3A_108 : memref<128xi32, #tpu.memory_space<vmem>>) semaphore(%arg11 : memref<!tpu.dma_semaphore, #tpu.memory_space<semaphore_mem>>)
      %run_scoped3A_112 = arith.constant 1 : i32
      "tpu.region"() ({
        %run_scoped3A_134 = tpu.sem_alloc : memref<!tpu.dma_semaphore, #tpu.memory_space<semaphore_mem>>
        %dma_start3A_135 = arith.constant 0 : i32
        %dma_start3A_136 = tpu.memref_slice %arg6[%mul3A_95, %run_scoped3A_112, %dma_start3A_135] : memref<40x2x128xi32, #tpu.memory_space<vmem>> -> memref<1x1x128xi32, #tpu.memory_space<vmem>>
        %dma_start3A_137 = tpu.memref_squeeze %dma_start3A_136 : memref<1x1x128xi32, #tpu.memory_space<vmem>> -> memref<128xi32, #tpu.memory_space<vmem>>
        %dma_start3A_138 = arith.constant 0 : i32
        %dma_start3A_139 = arith.constant 0 : i32
        %dma_start3A_140 = tpu.memref_slice %arg9[%dma_start3A_138, %dma_start3A_139] : memref<10112x128xf32, #tpu.memory_space<vmem_shared>> -> memref<10112x128xf32, #tpu.memory_space<vmem_shared>>
        tpu.enqueue_indirect_dma source(%arg7 : memref<128x128xf32, #tpu.memory_space<vmem>>) target(%dma_start3A_140 : memref<10112x128xf32, #tpu.memory_space<vmem_shared>>) offsets(%dma_start3A_137 : memref<128xi32, #tpu.memory_space<vmem>>) semaphore(%run_scoped3A_134 : memref<!tpu.dma_semaphore, #tpu.memory_space<semaphore_mem>>) {add = true}
        %dma_wait3A_141 = arith.constant 0 : i32
        %dma_wait3A_142 = tpu.memref_slice %arg6[%mul3A_95, %run_scoped3A_112, %dma_wait3A_141] : memref<40x2x128xi32, #tpu.memory_space<vmem>> -> memref<1x1x128xi32, #tpu.memory_space<vmem>>
        %dma_wait3A_143 = tpu.memref_squeeze %dma_wait3A_142 : memref<1x1x128xi32, #tpu.memory_space<vmem>> -> memref<128xi32, #tpu.memory_space<vmem>>
        %dma_wait3A_144 = arith.constant 0 : i32
        %dma_wait3A_145 = arith.constant 0 : i32
        %dma_wait3A_146 = tpu.memref_slice %arg9[%dma_wait3A_144, %dma_wait3A_145] : memref<10112x128xf32, #tpu.memory_space<vmem_shared>> -> memref<10112x128xf32, #tpu.memory_space<vmem_shared>>
        tpu.wait_indirect_dma semaphore(%run_scoped3A_134 : memref<!tpu.dma_semaphore, #tpu.memory_space<semaphore_mem>>) src(%arg7 : memref<128x128xf32, #tpu.memory_space<vmem>>) dst(%dma_wait3A_146 : memref<10112x128xf32, #tpu.memory_space<vmem_shared>>)
        tpu.yield
      }) : () -> ()
      %add3A_113 = arith.constant 1 : i32
      %add3A_114 = arith.addi %mul3A_95, %add3A_113 : i32
      %dma_wait3A_115 = arith.constant 0 : i32
      %dma_wait3A_116 = arith.constant 0 : i32
      %dma_wait3A_117 = tpu.memref_slice %arg6[%add3A_114, %dma_wait3A_115, %dma_wait3A_116] : memref<40x2x128xi32, #tpu.memory_space<vmem>> -> memref<1x1x128xi32, #tpu.memory_space<vmem>>
      %dma_wait3A_118 = tpu.memref_squeeze %dma_wait3A_117 : memref<1x1x128xi32, #tpu.memory_space<vmem>> -> memref<128xi32, #tpu.memory_space<vmem>>
      %dma_wait3A_119 = arith.constant 0 : i32
      %dma_wait3A_120 = arith.constant 0 : i32
      %dma_wait3A_121 = tpu.memref_slice %arg2[%dma_wait3A_119, %dma_wait3A_120] : memref<10000x128xf32, #tpu.memory_space<hbm>> -> memref<10000x128xf32, #tpu.memory_space<hbm>>
      tpu.wait_indirect_dma semaphore(%arg11 : memref<!tpu.dma_semaphore, #tpu.memory_space<semaphore_mem>>) src(%dma_wait3A_121 : memref<10000x128xf32, #tpu.memory_space<hbm>>) dst(%arg8 : memref<128x128xf32, #tpu.memory_space<vmem>>)
      %add3A_122 = arith.constant 2 : i32
      %add3A_123 = arith.addi %mul3A_95, %add3A_122 : i32
      %dma_start3A_124 = arith.constant 0 : i32
      %dma_start3A_125 = arith.constant 0 : i32
      %dma_start3A_126 = tpu.memref_slice %arg6[%add3A_123, %dma_start3A_124, %dma_start3A_125] : memref<40x2x128xi32, #tpu.memory_space<vmem>> -> memref<1x1x128xi32, #tpu.memory_space<vmem>>
      %dma_start3A_127 = tpu.memref_squeeze %dma_start3A_126 : memref<1x1x128xi32, #tpu.memory_space<vmem>> -> memref<128xi32, #tpu.memory_space<vmem>>
      %dma_start3A_128 = arith.constant 0 : i32
      %dma_start3A_129 = arith.constant 0 : i32
      %dma_start3A_130 = tpu.memref_slice %arg2[%dma_start3A_128, %dma_start3A_129] : memref<10000x128xf32, #tpu.memory_space<hbm>> -> memref<10000x128xf32, #tpu.memory_space<hbm>>
      tpu.enqueue_indirect_dma source(%dma_start3A_130 : memref<10000x128xf32, #tpu.memory_space<hbm>>) target(%arg7 : memref<128x128xf32, #tpu.memory_space<vmem>>) offsets(%dma_start3A_127 : memref<128xi32, #tpu.memory_space<vmem>>) semaphore(%arg10 : memref<!tpu.dma_semaphore, #tpu.memory_space<semaphore_mem>>)
      %add3A_131 = arith.constant 1 : i32
      %add3A_132 = arith.addi %mul3A_95, %add3A_131 : i32
      %run_scoped3A_133 = arith.constant 1 : i32
      "tpu.region"() ({
        %run_scoped3A_134 = tpu.sem_alloc : memref<!tpu.dma_semaphore, #tpu.memory_space<semaphore_mem>>
        %dma_start3A_135 = arith.constant 0 : i32
        %dma_start3A_136 = tpu.memref_slice %arg6[%add3A_132, %run_scoped3A_133, %dma_start3A_135] : memref<40x2x128xi32, #tpu.memory_space<vmem>> -> memref<1x1x128xi32, #tpu.memory_space<vmem>>
        %dma_start3A_137 = tpu.memref_squeeze %dma_start3A_136 : memref<1x1x128xi32, #tpu.memory_space<vmem>> -> memref<128xi32, #tpu.memory_space<vmem>>
        %dma_start3A_138 = arith.constant 0 : i32
        %dma_start3A_139 = arith.constant 0 : i32
        %dma_start3A_140 = tpu.memref_slice %arg9[%dma_start3A_138, %dma_start3A_139] : memref<10112x128xf32, #tpu.memory_space<vmem_shared>> -> memref<10112x128xf32, #tpu.memory_space<vmem_shared>>
        tpu.enqueue_indirect_dma source(%arg8 : memref<128x128xf32, #tpu.memory_space<vmem>>) target(%dma_start3A_140 : memref<10112x128xf32, #tpu.memory_space<vmem_shared>>) offsets(%dma_start3A_137 : memref<128xi32, #tpu.memory_space<vmem>>) semaphore(%run_scoped3A_134 : memref<!tpu.dma_semaphore, #tpu.memory_space<semaphore_mem>>) {add = true}
        %dma_wait3A_141 = arith.constant 0 : i32
        %dma_wait3A_142 = tpu.memref_slice %arg6[%add3A_132, %run_scoped3A_133, %dma_wait3A_141] : memref<40x2x128xi32, #tpu.memory_space<vmem>> -> memref<1x1x128xi32, #tpu.memory_space<vmem>>
        %dma_wait3A_143 = tpu.memref_squeeze %dma_wait3A_142 : memref<1x1x128xi32, #tpu.memory_space<vmem>> -> memref<128xi32, #tpu.memory_space<vmem>>
        %dma_wait3A_144 = arith.constant 0 : i32
        %dma_wait3A_145 = arith.constant 0 : i32
        %dma_wait3A_146 = tpu.memref_slice %arg9[%dma_wait3A_144, %dma_wait3A_145] : memref<10112x128xf32, #tpu.memory_space<vmem_shared>> -> memref<10112x128xf32, #tpu.memory_space<vmem_shared>>
        tpu.wait_indirect_dma semaphore(%run_scoped3A_134 : memref<!tpu.dma_semaphore, #tpu.memory_space<semaphore_mem>>) src(%arg8 : memref<128x128xf32, #tpu.memory_space<vmem>>) dst(%dma_wait3A_146 : memref<10112x128xf32, #tpu.memory_space<vmem_shared>>)
        tpu.yield
      }) : () -> ()
    }
    %scan3A_16 = arith.constant 19 : i32
    %dma_wait3A = arith.constant 38 : i32
    %dma_wait3A_17 = arith.constant 0 : i32
    %dma_wait3A_18 = arith.constant 0 : i32
    %dma_wait3A_19 = tpu.memref_slice %arg6[%dma_wait3A, %dma_wait3A_17, %dma_wait3A_18] : memref<40x2x128xi32, #tpu.memory_space<vmem>> -> memref<1x1x128xi32, #tpu.memory_space<vmem>>
    %dma_wait3A_20 = tpu.memref_squeeze %dma_wait3A_19 : memref<1x1x128xi32, #tpu.memory_space<vmem>> -> memref<128xi32, #tpu.memory_space<vmem>>
    %dma_wait3A_21 = arith.constant 0 : i32
    %dma_wait3A_22 = arith.constant 0 : i32
    %dma_wait3A_23 = tpu.memref_slice %arg2[%dma_wait3A_21, %dma_wait3A_22] : memref<10000x128xf32, #tpu.memory_space<hbm>> -> memref<10000x128xf32, #tpu.memory_space<hbm>>
    tpu.wait_indirect_dma semaphore(%arg10 : memref<!tpu.dma_semaphore, #tpu.memory_space<semaphore_mem>>) src(%dma_wait3A_23 : memref<10000x128xf32, #tpu.memory_space<hbm>>) dst(%arg7 : memref<128x128xf32, #tpu.memory_space<vmem>>)
    %dma_start3A_24 = arith.constant 39 : i32
    %dma_start3A_25 = arith.constant 0 : i32
    %dma_start3A_26 = arith.constant 0 : i32
    %dma_start3A_27 = tpu.memref_slice %arg6[%dma_start3A_24, %dma_start3A_25, %dma_start3A_26] : memref<40x2x128xi32, #tpu.memory_space<vmem>> -> memref<1x1x128xi32, #tpu.memory_space<vmem>>
    %dma_start3A_28 = tpu.memref_squeeze %dma_start3A_27 : memref<1x1x128xi32, #tpu.memory_space<vmem>> -> memref<128xi32, #tpu.memory_space<vmem>>
    %dma_start3A_29 = arith.constant 0 : i32
    %dma_start3A_30 = arith.constant 0 : i32
    %dma_start3A_31 = tpu.memref_slice %arg2[%dma_start3A_29, %dma_start3A_30] : memref<10000x128xf32, #tpu.memory_space<hbm>> -> memref<10000x128xf32, #tpu.memory_space<hbm>>
    tpu.enqueue_indirect_dma source(%dma_start3A_31 : memref<10000x128xf32, #tpu.memory_space<hbm>>) target(%arg8 : memref<128x128xf32, #tpu.memory_space<vmem>>) offsets(%dma_start3A_28 : memref<128xi32, #tpu.memory_space<vmem>>) semaphore(%arg11 : memref<!tpu.dma_semaphore, #tpu.memory_space<semaphore_mem>>)
    %run_scoped3A = arith.constant 38 : i32
    %run_scoped3A_32 = arith.constant 1 : i32
    "tpu.region"() ({
      %run_scoped3A_93 = tpu.sem_alloc : memref<!tpu.dma_semaphore, #tpu.memory_space<semaphore_mem>>
      %dma_start3A_94 = arith.constant 0 : i32
      %dma_start3A_95 = tpu.memref_slice %arg6[%run_scoped3A, %run_scoped3A_32, %dma_start3A_94] : memref<40x2x128xi32, #tpu.memory_space<vmem>> -> memref<1x1x128xi32, #tpu.memory_space<vmem>>
      %dma_start3A_96 = tpu.memref_squeeze %dma_start3A_95 : memref<1x1x128xi32, #tpu.memory_space<vmem>> -> memref<128xi32, #tpu.memory_space<vmem>>
      %dma_start3A_97 = arith.constant 0 : i32
      %dma_start3A_98 = arith.constant 0 : i32
      %dma_start3A_99 = tpu.memref_slice %arg9[%dma_start3A_97, %dma_start3A_98] : memref<10112x128xf32, #tpu.memory_space<vmem_shared>> -> memref<10112x128xf32, #tpu.memory_space<vmem_shared>>
      tpu.enqueue_indirect_dma source(%arg7 : memref<128x128xf32, #tpu.memory_space<vmem>>) target(%dma_start3A_99 : memref<10112x128xf32, #tpu.memory_space<vmem_shared>>) offsets(%dma_start3A_96 : memref<128xi32, #tpu.memory_space<vmem>>) semaphore(%run_scoped3A_93 : memref<!tpu.dma_semaphore, #tpu.memory_space<semaphore_mem>>) {add = true}
      %dma_wait3A_100 = arith.constant 0 : i32
      %dma_wait3A_101 = tpu.memref_slice %arg6[%run_scoped3A, %run_scoped3A_32, %dma_wait3A_100] : memref<40x2x128xi32, #tpu.memory_space<vmem>> -> memref<1x1x128xi32, #tpu.memory_space<vmem>>
      %dma_wait3A_102 = tpu.memref_squeeze %dma_wait3A_101 : memref<1x1x128xi32, #tpu.memory_space<vmem>> -> memref<128xi32, #tpu.memory_space<vmem>>
      %dma_wait3A_103 = arith.constant 0 : i32
      %dma_wait3A_104 = arith.constant 0 : i32
      %dma_wait3A_105 = tpu.memref_slice %arg9[%dma_wait3A_103, %dma_wait3A_104] : memref<10112x128xf32, #tpu.memory_space<vmem_shared>> -> memref<10112x128xf32, #tpu.memory_space<vmem_shared>>
      tpu.wait_indirect_dma semaphore(%run_scoped3A_93 : memref<!tpu.dma_semaphore, #tpu.memory_space<semaphore_mem>>) src(%arg7 : memref<128x128xf32, #tpu.memory_space<vmem>>) dst(%dma_wait3A_105 : memref<10112x128xf32, #tpu.memory_space<vmem_shared>>)
      tpu.yield
    }) : () -> ()
    %dma_wait3A_33 = arith.constant 39 : i32
    %dma_wait3A_34 = arith.constant 0 : i32
    %dma_wait3A_35 = arith.constant 0 : i32
    %dma_wait3A_36 = tpu.memref_slice %arg6[%dma_wait3A_33, %dma_wait3A_34, %dma_wait3A_35] : memref<40x2x128xi32, #tpu.memory_space<vmem>> -> memref<1x1x128xi32, #tpu.memory_space<vmem>>
    %dma_wait3A_37 = tpu.memref_squeeze %dma_wait3A_36 : memref<1x1x128xi32, #tpu.memory_space<vmem>> -> memref<128xi32, #tpu.memory_space<vmem>>
    %dma_wait3A_38 = arith.constant 0 : i32
    %dma_wait3A_39 = arith.constant 0 : i32
    %dma_wait3A_40 = tpu.memref_slice %arg2[%dma_wait3A_38, %dma_wait3A_39] : memref<10000x128xf32, #tpu.memory_space<hbm>> -> memref<10000x128xf32, #tpu.memory_space<hbm>>
    tpu.wait_indirect_dma semaphore(%arg11 : memref<!tpu.dma_semaphore, #tpu.memory_space<semaphore_mem>>) src(%dma_wait3A_40 : memref<10000x128xf32, #tpu.memory_space<hbm>>) dst(%arg8 : memref<128x128xf32, #tpu.memory_space<vmem>>)
    %run_scoped3A_41 = arith.constant 39 : i32
    %run_scoped3A_42 = arith.constant 1 : i32
    "tpu.region"() ({
      %run_scoped3A_93 = tpu.sem_alloc : memref<!tpu.dma_semaphore, #tpu.memory_space<semaphore_mem>>
      %dma_start3A_94 = arith.constant 0 : i32
      %dma_start3A_95 = tpu.memref_slice %arg6[%run_scoped3A_41, %run_scoped3A_42, %dma_start3A_94] : memref<40x2x128xi32, #tpu.memory_space<vmem>> -> memref<1x1x128xi32, #tpu.memory_space<vmem>>
      %dma_start3A_96 = tpu.memref_squeeze %dma_start3A_95 : memref<1x1x128xi32, #tpu.memory_space<vmem>> -> memref<128xi32, #tpu.memory_space<vmem>>
      %dma_start3A_97 = arith.constant 0 : i32
      %dma_start3A_98 = arith.constant 0 : i32
      %dma_start3A_99 = tpu.memref_slice %arg9[%dma_start3A_97, %dma_start3A_98] : memref<10112x128xf32, #tpu.memory_space<vmem_shared>> -> memref<10112x128xf32, #tpu.memory_space<vmem_shared>>
      tpu.enqueue_indirect_dma source(%arg8 : memref<128x128xf32, #tpu.memory_space<vmem>>) target(%dma_start3A_99 : memref<10112x128xf32, #tpu.memory_space<vmem_shared>>) offsets(%dma_start3A_96 : memref<128xi32, #tpu.memory_space<vmem>>) semaphore(%run_scoped3A_93 : memref<!tpu.dma_semaphore, #tpu.memory_space<semaphore_mem>>) {add = true}
      %dma_wait3A_100 = arith.constant 0 : i32
      %dma_wait3A_101 = tpu.memref_slice %arg6[%run_scoped3A_41, %run_scoped3A_42, %dma_wait3A_100] : memref<40x2x128xi32, #tpu.memory_space<vmem>> -> memref<1x1x128xi32, #tpu.memory_space<vmem>>
      %dma_wait3A_102 = tpu.memref_squeeze %dma_wait3A_101 : memref<1x1x128xi32, #tpu.memory_space<vmem>> -> memref<128xi32, #tpu.memory_space<vmem>>
      %dma_wait3A_103 = arith.constant 0 : i32
      %dma_wait3A_104 = arith.constant 0 : i32
      %dma_wait3A_105 = tpu.memref_slice %arg9[%dma_wait3A_103, %dma_wait3A_104] : memref<10112x128xf32, #tpu.memory_space<vmem_shared>> -> memref<10112x128xf32, #tpu.memory_space<vmem_shared>>
      tpu.wait_indirect_dma semaphore(%run_scoped3A_93 : memref<!tpu.dma_semaphore, #tpu.memory_space<semaphore_mem>>) src(%arg8 : memref<128x128xf32, #tpu.memory_space<vmem>>) dst(%dma_wait3A_105 : memref<10112x128xf32, #tpu.memory_space<vmem_shared>>)
      tpu.yield
    }) : () -> ()
    %mul3A_43 = arith.constant 80 : i32
    %mul3A_44 = arith.muli %add3A, %mul3A_43 : i32
    %add3A_45 = arith.constant 40 : i32
    %add3A_46 = arith.addi %mul3A_44, %add3A_45 : i32
    "tpu.region"() ({
      %run_scoped3A_93 = tpu.sem_alloc : memref<!tpu.dma_semaphore, #tpu.memory_space<semaphore_mem>>
      %dma_start3A_94 = arith.constant 0 : i32
      %dma_start3A_95 = arith.constant 0 : i32
      %dma_start3A_96 = tpu.memref_slice %arg3[%add3A_46, %dma_start3A_94, %dma_start3A_95] : memref<2560x2x128xi32, #tpu.memory_space<hbm>> -> memref<40x2x128xi32, #tpu.memory_space<hbm>>
      %dma_start3A_97 = arith.constant 0 : i32
      %dma_start3A_98 = arith.constant 0 : i32
      %dma_start3A_99 = tpu.memref_slice %arg3[%add3A_46, %dma_start3A_97, %dma_start3A_98] : memref<2560x2x128xi32, #tpu.memory_space<hbm>> -> memref<40x2x128xi32, #tpu.memory_space<hbm>>
      tpu.enqueue_dma source(%dma_start3A_99 : memref<40x2x128xi32, #tpu.memory_space<hbm>>) target(%arg6 : memref<40x2x128xi32, #tpu.memory_space<vmem>>) target_semaphore(%run_scoped3A_93 : memref<!tpu.dma_semaphore, #tpu.memory_space<semaphore_mem>>)
      %dma_wait3A_100 = arith.constant 0 : i32
      %dma_wait3A_101 = arith.constant 0 : i32
      %dma_wait3A_102 = tpu.memref_slice %arg3[%add3A_46, %dma_wait3A_100, %dma_wait3A_101] : memref<2560x2x128xi32, #tpu.memory_space<hbm>> -> memref<40x2x128xi32, #tpu.memory_space<hbm>>
      %dma_wait3A_103 = arith.constant 0 : i32
      %dma_wait3A_104 = arith.constant 0 : i32
      %dma_wait3A_105 = tpu.memref_slice %arg3[%add3A_46, %dma_wait3A_103, %dma_wait3A_104] : memref<2560x2x128xi32, #tpu.memory_space<hbm>> -> memref<40x2x128xi32, #tpu.memory_space<hbm>>
      tpu.wait_dma2 semaphore(%run_scoped3A_93 : memref<!tpu.dma_semaphore, #tpu.memory_space<semaphore_mem>>) src(%dma_wait3A_105 : memref<40x2x128xi32, #tpu.memory_space<hbm>>) dst(%arg6 : memref<40x2x128xi32, #tpu.memory_space<vmem>>)
      tpu.yield
    }) : () -> ()
    %dma_start3A_47 = arith.constant 0 : i32
    %dma_start3A_48 = arith.constant 0 : i32
    %dma_start3A_49 = arith.constant 0 : i32
    %dma_start3A_50 = tpu.memref_slice %arg6[%dma_start3A_47, %dma_start3A_48, %dma_start3A_49] : memref<40x2x128xi32, #tpu.memory_space<vmem>> -> memref<1x1x128xi32, #tpu.memory_space<vmem>>
    %dma_start3A_51 = tpu.memref_squeeze %dma_start3A_50 : memref<1x1x128xi32, #tpu.memory_space<vmem>> -> memref<128xi32, #tpu.memory_space<vmem>>
    %dma_start3A_52 = arith.constant 0 : i32
    %dma_start3A_53 = arith.constant 0 : i32
    %dma_start3A_54 = tpu.memref_slice %arg2[%dma_start3A_52, %dma_start3A_53] : memref<10000x128xf32, #tpu.memory_space<hbm>> -> memref<10000x128xf32, #tpu.memory_space<hbm>>
    tpu.enqueue_indirect_dma source(%dma_start3A_54 : memref<10000x128xf32, #tpu.memory_space<hbm>>) target(%arg7 : memref<128x128xf32, #tpu.memory_space<vmem>>) offsets(%dma_start3A_51 : memref<128xi32, #tpu.memory_space<vmem>>) semaphore(%arg10 : memref<!tpu.dma_semaphore, #tpu.memory_space<semaphore_mem>>)
    %scan3A_55 = arith.constant 0 : i32
    %scan3A_56 = arith.constant 0 : i32
    %scan3A_57 = arith.constant 19 : i32
    %scan3A_58 = arith.addi %scan3A_56, %scan3A_57 : i32
    %scan3A_59 = arith.constant 1 : i32
    scf.for %scan3A_93 = %scan3A_56 to %scan3A_58 step %scan3A_59  : i32 {
      %mul3A_94 = arith.constant 2 : i32
      %mul3A_95 = arith.muli %mul3A_94, %scan3A_93 : i32
      %dma_wait3A_96 = arith.constant 0 : i32
      %dma_wait3A_97 = arith.constant 0 : i32
      %dma_wait3A_98 = tpu.memref_slice %arg6[%mul3A_95, %dma_wait3A_96, %dma_wait3A_97] : memref<40x2x128xi32, #tpu.memory_space<vmem>> -> memref<1x1x128xi32, #tpu.memory_space<vmem>>
      %dma_wait3A_99 = tpu.memref_squeeze %dma_wait3A_98 : memref<1x1x128xi32, #tpu.memory_space<vmem>> -> memref<128xi32, #tpu.memory_space<vmem>>
      %dma_wait3A_100 = arith.constant 0 : i32
      %dma_wait3A_101 = arith.constant 0 : i32
      %dma_wait3A_102 = tpu.memref_slice %arg2[%dma_wait3A_100, %dma_wait3A_101] : memref<10000x128xf32, #tpu.memory_space<hbm>> -> memref<10000x128xf32, #tpu.memory_space<hbm>>
      tpu.wait_indirect_dma semaphore(%arg10 : memref<!tpu.dma_semaphore, #tpu.memory_space<semaphore_mem>>) src(%dma_wait3A_102 : memref<10000x128xf32, #tpu.memory_space<hbm>>) dst(%arg7 : memref<128x128xf32, #tpu.memory_space<vmem>>)
      %add3A_103 = arith.constant 1 : i32
      %add3A_104 = arith.addi %mul3A_95, %add3A_103 : i32
      %dma_start3A_105 = arith.constant 0 : i32
      %dma_start3A_106 = arith.constant 0 : i32
      %dma_start3A_107 = tpu.memref_slice %arg6[%add3A_104, %dma_start3A_105, %dma_start3A_106] : memref<40x2x128xi32, #tpu.memory_space<vmem>> -> memref<1x1x128xi32, #tpu.memory_space<vmem>>
      %dma_start3A_108 = tpu.memref_squeeze %dma_start3A_107 : memref<1x1x128xi32, #tpu.memory_space<vmem>> -> memref<128xi32, #tpu.memory_space<vmem>>
      %dma_start3A_109 = arith.constant 0 : i32
      %dma_start3A_110 = arith.constant 0 : i32
      %dma_start3A_111 = tpu.memref_slice %arg2[%dma_start3A_109, %dma_start3A_110] : memref<10000x128xf32, #tpu.memory_space<hbm>> -> memref<10000x128xf32, #tpu.memory_space<hbm>>
      tpu.enqueue_indirect_dma source(%dma_start3A_111 : memref<10000x128xf32, #tpu.memory_space<hbm>>) target(%arg8 : memref<128x128xf32, #tpu.memory_space<vmem>>) offsets(%dma_start3A_108 : memref<128xi32, #tpu.memory_space<vmem>>) semaphore(%arg11 : memref<!tpu.dma_semaphore, #tpu.memory_space<semaphore_mem>>)
      %run_scoped3A_112 = arith.constant 1 : i32
      "tpu.region"() ({
        %run_scoped3A_134 = tpu.sem_alloc : memref<!tpu.dma_semaphore, #tpu.memory_space<semaphore_mem>>
        %dma_start3A_135 = arith.constant 0 : i32
        %dma_start3A_136 = tpu.memref_slice %arg6[%mul3A_95, %run_scoped3A_112, %dma_start3A_135] : memref<40x2x128xi32, #tpu.memory_space<vmem>> -> memref<1x1x128xi32, #tpu.memory_space<vmem>>
        %dma_start3A_137 = tpu.memref_squeeze %dma_start3A_136 : memref<1x1x128xi32, #tpu.memory_space<vmem>> -> memref<128xi32, #tpu.memory_space<vmem>>
        %dma_start3A_138 = arith.constant 0 : i32
        %dma_start3A_139 = arith.constant 0 : i32
        %dma_start3A_140 = tpu.memref_slice %arg9[%dma_start3A_138, %dma_start3A_139] : memref<10112x128xf32, #tpu.memory_space<vmem_shared>> -> memref<10112x128xf32, #tpu.memory_space<vmem_shared>>
        tpu.enqueue_indirect_dma source(%arg7 : memref<128x128xf32, #tpu.memory_space<vmem>>) target(%dma_start3A_140 : memref<10112x128xf32, #tpu.memory_space<vmem_shared>>) offsets(%dma_start3A_137 : memref<128xi32, #tpu.memory_space<vmem>>) semaphore(%run_scoped3A_134 : memref<!tpu.dma_semaphore, #tpu.memory_space<semaphore_mem>>) {add = true}
        %dma_wait3A_141 = arith.constant 0 : i32
        %dma_wait3A_142 = tpu.memref_slice %arg6[%mul3A_95, %run_scoped3A_112, %dma_wait3A_141] : memref<40x2x128xi32, #tpu.memory_space<vmem>> -> memref<1x1x128xi32, #tpu.memory_space<vmem>>
        %dma_wait3A_143 = tpu.memref_squeeze %dma_wait3A_142 : memref<1x1x128xi32, #tpu.memory_space<vmem>> -> memref<128xi32, #tpu.memory_space<vmem>>
        %dma_wait3A_144 = arith.constant 0 : i32
        %dma_wait3A_145 = arith.constant 0 : i32
        %dma_wait3A_146 = tpu.memref_slice %arg9[%dma_wait3A_144, %dma_wait3A_145] : memref<10112x128xf32, #tpu.memory_space<vmem_shared>> -> memref<10112x128xf32, #tpu.memory_space<vmem_shared>>
        tpu.wait_indirect_dma semaphore(%run_scoped3A_134 : memref<!tpu.dma_semaphore, #tpu.memory_space<semaphore_mem>>) src(%arg7 : memref<128x128xf32, #tpu.memory_space<vmem>>) dst(%dma_wait3A_146 : memref<10112x128xf32, #tpu.memory_space<vmem_shared>>)
        tpu.yield
      }) : () -> ()
      %add3A_113 = arith.constant 1 : i32
      %add3A_114 = arith.addi %mul3A_95, %add3A_113 : i32
      %dma_wait3A_115 = arith.constant 0 : i32
      %dma_wait3A_116 = arith.constant 0 : i32
      %dma_wait3A_117 = tpu.memref_slice %arg6[%add3A_114, %dma_wait3A_115, %dma_wait3A_116] : memref<40x2x128xi32, #tpu.memory_space<vmem>> -> memref<1x1x128xi32, #tpu.memory_space<vmem>>
      %dma_wait3A_118 = tpu.memref_squeeze %dma_wait3A_117 : memref<1x1x128xi32, #tpu.memory_space<vmem>> -> memref<128xi32, #tpu.memory_space<vmem>>
      %dma_wait3A_119 = arith.constant 0 : i32
      %dma_wait3A_120 = arith.constant 0 : i32
      %dma_wait3A_121 = tpu.memref_slice %arg2[%dma_wait3A_119, %dma_wait3A_120] : memref<10000x128xf32, #tpu.memory_space<hbm>> -> memref<10000x128xf32, #tpu.memory_space<hbm>>
      tpu.wait_indirect_dma semaphore(%arg11 : memref<!tpu.dma_semaphore, #tpu.memory_space<semaphore_mem>>) src(%dma_wait3A_121 : memref<10000x128xf32, #tpu.memory_space<hbm>>) dst(%arg8 : memref<128x128xf32, #tpu.memory_space<vmem>>)
      %add3A_122 = arith.constant 2 : i32
      %add3A_123 = arith.addi %mul3A_95, %add3A_122 : i32
      %dma_start3A_124 = arith.constant 0 : i32
      %dma_start3A_125 = arith.constant 0 : i32
      %dma_start3A_126 = tpu.memref_slice %arg6[%add3A_123, %dma_start3A_124, %dma_start3A_125] : memref<40x2x128xi32, #tpu.memory_space<vmem>> -> memref<1x1x128xi32, #tpu.memory_space<vmem>>
      %dma_start3A_127 = tpu.memref_squeeze %dma_start3A_126 : memref<1x1x128xi32, #tpu.memory_space<vmem>> -> memref<128xi32, #tpu.memory_space<vmem>>
      %dma_start3A_128 = arith.constant 0 : i32
      %dma_start3A_129 = arith.constant 0 : i32
      %dma_start3A_130 = tpu.memref_slice %arg2[%dma_start3A_128, %dma_start3A_129] : memref<10000x128xf32, #tpu.memory_space<hbm>> -> memref<10000x128xf32, #tpu.memory_space<hbm>>
      tpu.enqueue_indirect_dma source(%dma_start3A_130 : memref<10000x128xf32, #tpu.memory_space<hbm>>) target(%arg7 : memref<128x128xf32, #tpu.memory_space<vmem>>) offsets(%dma_start3A_127 : memref<128xi32, #tpu.memory_space<vmem>>) semaphore(%arg10 : memref<!tpu.dma_semaphore, #tpu.memory_space<semaphore_mem>>)
      %add3A_131 = arith.constant 1 : i32
      %add3A_132 = arith.addi %mul3A_95, %add3A_131 : i32
      %run_scoped3A_133 = arith.constant 1 : i32
      "tpu.region"() ({
        %run_scoped3A_134 = tpu.sem_alloc : memref<!tpu.dma_semaphore, #tpu.memory_space<semaphore_mem>>
        %dma_start3A_135 = arith.constant 0 : i32
        %dma_start3A_136 = tpu.memref_slice %arg6[%add3A_132, %run_scoped3A_133, %dma_start3A_135] : memref<40x2x128xi32, #tpu.memory_space<vmem>> -> memref<1x1x128xi32, #tpu.memory_space<vmem>>
        %dma_start3A_137 = tpu.memref_squeeze %dma_start3A_136 : memref<1x1x128xi32, #tpu.memory_space<vmem>> -> memref<128xi32, #tpu.memory_space<vmem>>
        %dma_start3A_138 = arith.constant 0 : i32
        %dma_start3A_139 = arith.constant 0 : i32
        %dma_start3A_140 = tpu.memref_slice %arg9[%dma_start3A_138, %dma_start3A_139] : memref<10112x128xf32, #tpu.memory_space<vmem_shared>> -> memref<10112x128xf32, #tpu.memory_space<vmem_shared>>
        tpu.enqueue_indirect_dma source(%arg8 : memref<128x128xf32, #tpu.memory_space<vmem>>) target(%dma_start3A_140 : memref<10112x128xf32, #tpu.memory_space<vmem_shared>>) offsets(%dma_start3A_137 : memref<128xi32, #tpu.memory_space<vmem>>) semaphore(%run_scoped3A_134 : memref<!tpu.dma_semaphore, #tpu.memory_space<semaphore_mem>>) {add = true}
        %dma_wait3A_141 = arith.constant 0 : i32
        %dma_wait3A_142 = tpu.memref_slice %arg6[%add3A_132, %run_scoped3A_133, %dma_wait3A_141] : memref<40x2x128xi32, #tpu.memory_space<vmem>> -> memref<1x1x128xi32, #tpu.memory_space<vmem>>
        %dma_wait3A_143 = tpu.memref_squeeze %dma_wait3A_142 : memref<1x1x128xi32, #tpu.memory_space<vmem>> -> memref<128xi32, #tpu.memory_space<vmem>>
        %dma_wait3A_144 = arith.constant 0 : i32
        %dma_wait3A_145 = arith.constant 0 : i32
        %dma_wait3A_146 = tpu.memref_slice %arg9[%dma_wait3A_144, %dma_wait3A_145] : memref<10112x128xf32, #tpu.memory_space<vmem_shared>> -> memref<10112x128xf32, #tpu.memory_space<vmem_shared>>
        tpu.wait_indirect_dma semaphore(%run_scoped3A_134 : memref<!tpu.dma_semaphore, #tpu.memory_space<semaphore_mem>>) src(%arg8 : memref<128x128xf32, #tpu.memory_space<vmem>>) dst(%dma_wait3A_146 : memref<10112x128xf32, #tpu.memory_space<vmem_shared>>)
        tpu.yield
      }) : () -> ()
    }
    %scan3A_60 = arith.constant 19 : i32
    %dma_wait3A_61 = arith.constant 38 : i32
    %dma_wait3A_62 = arith.constant 0 : i32
    %dma_wait3A_63 = arith.constant 0 : i32
    %dma_wait3A_64 = tpu.memref_slice %arg6[%dma_wait3A_61, %dma_wait3A_62, %dma_wait3A_63] : memref<40x2x128xi32, #tpu.memory_space<vmem>> -> memref<1x1x128xi32, #tpu.memory_space<vmem>>
    %dma_wait3A_65 = tpu.memref_squeeze %dma_wait3A_64 : memref<1x1x128xi32, #tpu.memory_space<vmem>> -> memref<128xi32, #tpu.memory_space<vmem>>
    %dma_wait3A_66 = arith.constant 0 : i32
    %dma_wait3A_67 = arith.constant 0 : i32
    %dma_wait3A_68 = tpu.memref_slice %arg2[%dma_wait3A_66, %dma_wait3A_67] : memref<10000x128xf32, #tpu.memory_space<hbm>> -> memref<10000x128xf32, #tpu.memory_space<hbm>>
    tpu.wait_indirect_dma semaphore(%arg10 : memref<!tpu.dma_semaphore, #tpu.memory_space<semaphore_mem>>) src(%dma_wait3A_68 : memref<10000x128xf32, #tpu.memory_space<hbm>>) dst(%arg7 : memref<128x128xf32, #tpu.memory_space<vmem>>)
    %dma_start3A_69 = arith.constant 39 : i32
    %dma_start3A_70 = arith.constant 0 : i32
    %dma_start3A_71 = arith.constant 0 : i32
    %dma_start3A_72 = tpu.memref_slice %arg6[%dma_start3A_69, %dma_start3A_70, %dma_start3A_71] : memref<40x2x128xi32, #tpu.memory_space<vmem>> -> memref<1x1x128xi32, #tpu.memory_space<vmem>>
    %dma_start3A_73 = tpu.memref_squeeze %dma_start3A_72 : memref<1x1x128xi32, #tpu.memory_space<vmem>> -> memref<128xi32, #tpu.memory_space<vmem>>
    %dma_start3A_74 = arith.constant 0 : i32
    %dma_start3A_75 = arith.constant 0 : i32
    %dma_start3A_76 = tpu.memref_slice %arg2[%dma_start3A_74, %dma_start3A_75] : memref<10000x128xf32, #tpu.memory_space<hbm>> -> memref<10000x128xf32, #tpu.memory_space<hbm>>
    tpu.enqueue_indirect_dma source(%dma_start3A_76 : memref<10000x128xf32, #tpu.memory_space<hbm>>) target(%arg8 : memref<128x128xf32, #tpu.memory_space<vmem>>) offsets(%dma_start3A_73 : memref<128xi32, #tpu.memory_space<vmem>>) semaphore(%arg11 : memref<!tpu.dma_semaphore, #tpu.memory_space<semaphore_mem>>)
    %run_scoped3A_77 = arith.constant 38 : i32
    %run_scoped3A_78 = arith.constant 1 : i32
    "tpu.region"() ({
      %run_scoped3A_93 = tpu.sem_alloc : memref<!tpu.dma_semaphore, #tpu.memory_space<semaphore_mem>>
      %dma_start3A_94 = arith.constant 0 : i32
      %dma_start3A_95 = tpu.memref_slice %arg6[%run_scoped3A_77, %run_scoped3A_78, %dma_start3A_94] : memref<40x2x128xi32, #tpu.memory_space<vmem>> -> memref<1x1x128xi32, #tpu.memory_space<vmem>>
      %dma_start3A_96 = tpu.memref_squeeze %dma_start3A_95 : memref<1x1x128xi32, #tpu.memory_space<vmem>> -> memref<128xi32, #tpu.memory_space<vmem>>
      %dma_start3A_97 = arith.constant 0 : i32
      %dma_start3A_98 = arith.constant 0 : i32
      %dma_start3A_99 = tpu.memref_slice %arg9[%dma_start3A_97, %dma_start3A_98] : memref<10112x128xf32, #tpu.memory_space<vmem_shared>> -> memref<10112x128xf32, #tpu.memory_space<vmem_shared>>
      tpu.enqueue_indirect_dma source(%arg7 : memref<128x128xf32, #tpu.memory_space<vmem>>) target(%dma_start3A_99 : memref<10112x128xf32, #tpu.memory_space<vmem_shared>>) offsets(%dma_start3A_96 : memref<128xi32, #tpu.memory_space<vmem>>) semaphore(%run_scoped3A_93 : memref<!tpu.dma_semaphore, #tpu.memory_space<semaphore_mem>>) {add = true}
      %dma_wait3A_100 = arith.constant 0 : i32
      %dma_wait3A_101 = tpu.memref_slice %arg6[%run_scoped3A_77, %run_scoped3A_78, %dma_wait3A_100] : memref<40x2x128xi32, #tpu.memory_space<vmem>> -> memref<1x1x128xi32, #tpu.memory_space<vmem>>
      %dma_wait3A_102 = tpu.memref_squeeze %dma_wait3A_101 : memref<1x1x128xi32, #tpu.memory_space<vmem>> -> memref<128xi32, #tpu.memory_space<vmem>>
      %dma_wait3A_103 = arith.constant 0 : i32
      %dma_wait3A_104 = arith.constant 0 : i32
      %dma_wait3A_105 = tpu.memref_slice %arg9[%dma_wait3A_103, %dma_wait3A_104] : memref<10112x128xf32, #tpu.memory_space<vmem_shared>> -> memref<10112x128xf32, #tpu.memory_space<vmem_shared>>
      tpu.wait_indirect_dma semaphore(%run_scoped3A_93 : memref<!tpu.dma_semaphore, #tpu.memory_space<semaphore_mem>>) src(%arg7 : memref<128x128xf32, #tpu.memory_space<vmem>>) dst(%dma_wait3A_105 : memref<10112x128xf32, #tpu.memory_space<vmem_shared>>)
      tpu.yield
    }) : () -> ()
    %dma_wait3A_79 = arith.constant 39 : i32
    %dma_wait3A_80 = arith.constant 0 : i32
    %dma_wait3A_81 = arith.constant 0 : i32
    %dma_wait3A_82 = tpu.memref_slice %arg6[%dma_wait3A_79, %dma_wait3A_80, %dma_wait3A_81] : memref<40x2x128xi32, #tpu.memory_space<vmem>> -> memref<1x1x128xi32, #tpu.memory_space<vmem>>
    %dma_wait3A_83 = tpu.memref_squeeze %dma_wait3A_82 : memref<1x1x128xi32, #tpu.memory_space<vmem>> -> memref<128xi32, #tpu.memory_space<vmem>>
    %dma_wait3A_84 = arith.constant 0 : i32
    %dma_wait3A_85 = arith.constant 0 : i32
    %dma_wait3A_86 = tpu.memref_slice %arg2[%dma_wait3A_84, %dma_wait3A_85] : memref<10000x128xf32, #tpu.memory_space<hbm>> -> memref<10000x128xf32, #tpu.memory_space<hbm>>
    tpu.wait_indirect_dma semaphore(%arg11 : memref<!tpu.dma_semaphore, #tpu.memory_space<semaphore_mem>>) src(%dma_wait3A_86 : memref<10000x128xf32, #tpu.memory_space<hbm>>) dst(%arg8 : memref<128x128xf32, #tpu.memory_space<vmem>>)
    %run_scoped3A_87 = arith.constant 39 : i32
    %run_scoped3A_88 = arith.constant 1 : i32
    "tpu.region"() ({
      %run_scoped3A_93 = tpu.sem_alloc : memref<!tpu.dma_semaphore, #tpu.memory_space<semaphore_mem>>
      %dma_start3A_94 = arith.constant 0 : i32
      %dma_start3A_95 = tpu.memref_slice %arg6[%run_scoped3A_87, %run_scoped3A_88, %dma_start3A_94] : memref<40x2x128xi32, #tpu.memory_space<vmem>> -> memref<1x1x128xi32, #tpu.memory_space<vmem>>
      %dma_start3A_96 = tpu.memref_squeeze %dma_start3A_95 : memref<1x1x128xi32, #tpu.memory_space<vmem>> -> memref<128xi32, #tpu.memory_space<vmem>>
      %dma_start3A_97 = arith.constant 0 : i32
      %dma_start3A_98 = arith.constant 0 : i32
      %dma_start3A_99 = tpu.memref_slice %arg9[%dma_start3A_97, %dma_start3A_98] : memref<10112x128xf32, #tpu.memory_space<vmem_shared>> -> memref<10112x128xf32, #tpu.memory_space<vmem_shared>>
      tpu.enqueue_indirect_dma source(%arg8 : memref<128x128xf32, #tpu.memory_space<vmem>>) target(%dma_start3A_99 : memref<10112x128xf32, #tpu.memory_space<vmem_shared>>) offsets(%dma_start3A_96 : memref<128xi32, #tpu.memory_space<vmem>>) semaphore(%run_scoped3A_93 : memref<!tpu.dma_semaphore, #tpu.memory_space<semaphore_mem>>) {add = true}
      %dma_wait3A_100 = arith.constant 0 : i32
      %dma_wait3A_101 = tpu.memref_slice %arg6[%run_scoped3A_87, %run_scoped3A_88, %dma_wait3A_100] : memref<40x2x128xi32, #tpu.memory_space<vmem>> -> memref<1x1x128xi32, #tpu.memory_space<vmem>>
      %dma_wait3A_102 = tpu.memref_squeeze %dma_wait3A_101 : memref<1x1x128xi32, #tpu.memory_space<vmem>> -> memref<128xi32, #tpu.memory_space<vmem>>
      %dma_wait3A_103 = arith.constant 0 : i32
      %dma_wait3A_104 = arith.constant 0 : i32
      %dma_wait3A_105 = tpu.memref_slice %arg9[%dma_wait3A_103, %dma_wait3A_104] : memref<10112x128xf32, #tpu.memory_space<vmem_shared>> -> memref<10112x128xf32, #tpu.memory_space<vmem_shared>>
      tpu.wait_indirect_dma semaphore(%run_scoped3A_93 : memref<!tpu.dma_semaphore, #tpu.memory_space<semaphore_mem>>) src(%arg8 : memref<128x128xf32, #tpu.memory_space<vmem>>) dst(%dma_wait3A_105 : memref<10112x128xf32, #tpu.memory_space<vmem_shared>>)
      tpu.yield
    }) : () -> ()
    %barrier3A_89 = arith.constant 0 : index
    tpu.barrier barrier_id(%barrier3A_89)
    %mul3A_90 = arith.constant 10112 : i32
    %mul3A_91 = arith.muli %arg0, %mul3A_90 : i32
    %add3A_92 = arith.addi %mul3A_91, %mul3A_2 : i32
    "tpu.region"() ({
      %run_scoped3A_93 = tpu.sem_alloc : memref<!tpu.dma_semaphore, #tpu.memory_space<semaphore_mem>>
      %dma_start3A_94 = arith.constant 0 : i32
      %dma_start3A_95 = tpu.memref_slice %arg5[%add3A_92, %dma_start3A_94] : memref<20224x128xf32, #tpu.memory_space<hbm>> -> memref<632x128xf32, #tpu.memory_space<hbm>>
      %dma_start3A_96 = arith.constant 0 : i32
      %dma_start3A_97 = tpu.memref_slice %arg9[%mul3A_2, %dma_start3A_96] : memref<10112x128xf32, #tpu.memory_space<vmem_shared>> -> memref<632x128xf32, #tpu.memory_space<vmem_shared>>
      tpu.enqueue_dma source(%dma_start3A_97 : memref<632x128xf32, #tpu.memory_space<vmem_shared>>) target(%dma_start3A_95 : memref<632x128xf32, #tpu.memory_space<hbm>>) target_semaphore(%run_scoped3A_93 : memref<!tpu.dma_semaphore, #tpu.memory_space<semaphore_mem>>)
      %dma_wait3A_98 = arith.constant 0 : i32
      %dma_wait3A_99 = tpu.memref_slice %arg5[%add3A_92, %dma_wait3A_98] : memref<20224x128xf32, #tpu.memory_space<hbm>> -> memref<632x128xf32, #tpu.memory_space<hbm>>
      %dma_wait3A_100 = arith.constant 0 : i32
      %dma_wait3A_101 = tpu.memref_slice %arg9[%mul3A_2, %dma_wait3A_100] : memref<10112x128xf32, #tpu.memory_space<vmem_shared>> -> memref<632x128xf32, #tpu.memory_space<vmem_shared>>
      tpu.wait_dma2 semaphore(%run_scoped3A_93 : memref<!tpu.dma_semaphore, #tpu.memory_space<semaphore_mem>>) src(%dma_wait3A_101 : memref<632x128xf32, #tpu.memory_space<vmem_shared>>) dst(%dma_wait3A_99 : memref<632x128xf32, #tpu.memory_space<hbm>>)
      tpu.yield
    }) : () -> ()
    return
  }
}

module attributes {stable_mosaic.version = 14 : i64} {
  func.func @_pre_body(%arg0: i32, %arg1: memref<1000x128xf32, #tpu.memory_space<vmem>>, %arg2: memref<128x128xf32, #tpu.memory_space<vmem>>, %arg3: memref<1x128xf32, #tpu.memory_space<vmem>>, %arg4: memref<1000x1xf32, #tpu.memory_space<vmem>>, %arg5: memref<1000x1xf32, #tpu.memory_space<vmem>>, %arg6: memref<1000x128xf32, #tpu.memory_space<vmem>>, %arg7: memref<1000x1xf32, #tpu.memory_space<vmem>>) attributes {dimension_semantics = [#tpu.dimension_semantics<arbitrary>], iteration_bounds = array<i64: 10>, scalar_prefetch = 0 : i64, scratch_operands = 0 : i64, tpu.core_type = #tpu.core_type<tc>, window_params = [{transform_indices = @transform_0, window_bounds = array<i64: 1000, 128>}, {pipeline_mode = #tpu.pipeline_mode<synchronous>, transform_indices = @transform_1, window_bounds = array<i64: 128, 128>}, {pipeline_mode = #tpu.pipeline_mode<synchronous>, transform_indices = @transform_2, window_bounds = array<i64: 1, 128>}, {transform_indices = @transform_3, window_bounds = array<i64: 1000, 1>}, {transform_indices = @transform_4, window_bounds = array<i64: 1000, 1>}, {transform_indices = @transform_5, window_bounds = array<i64: 1000, 128>}, {transform_indices = @transform_6, window_bounds = array<i64: 1000, 1>}]} {
    %get3A = arith.constant 0 : index
    %get3A_0 = arith.constant 0 : index
    %get3A_1 = vector.load %arg4[%get3A, %get3A_0] : memref<1000x1xf32, #tpu.memory_space<vmem>>, vector<1000x1xf32>
    %get3A_2 = arith.constant 0 : index
    %get3A_3 = arith.constant 0 : index
    %get3A_4 = vector.load %arg5[%get3A_2, %get3A_3] : memref<1000x1xf32, #tpu.memory_space<vmem>>, vector<1000x1xf32>
    %add3A = arith.addf %get3A_1, %get3A_4 : vector<1000x1xf32>
    %max3A = arith.constant 1.000000e+00 : f32
    %max3A_5 = vector.broadcast %max3A : f32 to vector<1000x1xf32>
    %max3A_6 = arith.maximumf %add3A, %max3A_5 : vector<1000x1xf32>
    %rsqrt3A = math.rsqrt %max3A_6 : vector<1000x1xf32>
    %get3A_7 = arith.constant 0 : index
    %get3A_8 = arith.constant 0 : index
    %get3A_9 = vector.load %arg1[%get3A_7, %get3A_8] : memref<1000x128xf32, #tpu.memory_space<vmem>>, vector<1000x128xf32>
    %get3A_10 = arith.constant 0 : index
    %get3A_11 = arith.constant 0 : index
    %get3A_12 = vector.load %arg2[%get3A_10, %get3A_11] : memref<128x128xf32, #tpu.memory_space<vmem>>, vector<128x128xf32>
    %dot_general3A = arith.constant dense<0.000000e+00> : vector<1000x128xf32>
    %dot_general3A_13 = tpu.matmul %get3A_9, %get3A_12, %dot_general3A {dimension_numbers = #tpu.dot_dimension_numbers<[1], [0], [0], [1], [0, 0, 1, 1], [], []>, transpose_lhs_hint = false} : vector<1000x128xf32>, vector<128x128xf32>, vector<1000x128xf32> -> vector<1000x128xf32>
    %get3A_14 = arith.constant 0 : index
    %get3A_15 = arith.constant 0 : index
    %get3A_16 = vector.load %arg3[%get3A_14, %get3A_15] : memref<1x128xf32, #tpu.memory_space<vmem>>, vector<1x128xf32>
    %add3A_17 = vector.broadcast %get3A_16 : vector<1x128xf32> to vector<1000x128xf32>
    %add3A_18 = arith.addf %dot_general3A_13, %add3A_17 : vector<1000x128xf32>
    %mul3A = vector.broadcast %rsqrt3A : vector<1000x1xf32> to vector<1000x128xf32>
    %mul3A_19 = arith.mulf %add3A_18, %mul3A : vector<1000x128xf32>
    %swap3A = arith.constant 0 : index
    %swap3A_20 = arith.constant 0 : index
    %swap3A_21 = vector.load %arg6[%swap3A, %swap3A_20] : memref<1000x128xf32, #tpu.memory_space<vmem>>, vector<1000x128xf32>
    tpu.vector_store %arg6[%swap3A, %swap3A_20], %mul3A_19 {strides = array<i32>} : memref<1000x128xf32, #tpu.memory_space<vmem>>, vector<1000x128xf32>,
    %swap3A_22 = arith.constant 0 : index
    %swap3A_23 = arith.constant 0 : index
    %swap3A_24 = vector.load %arg7[%swap3A_22, %swap3A_23] : memref<1000x1xf32, #tpu.memory_space<vmem>>, vector<1000x1xf32>
    tpu.vector_store %arg7[%swap3A_22, %swap3A_23], %rsqrt3A {strides = array<i32>} : memref<1000x1xf32, #tpu.memory_space<vmem>>, vector<1000x1xf32>,
    return
  }
  func.func @transform_0(%arg0: i32) -> (i32, i32) {
    %c0_i32 = arith.constant 0 : i32
    %c0_i32_0 = arith.constant 0 : i32
    return %arg0, %c0_i32 : i32, i32
  }
  func.func @transform_1(%arg0: i32) -> (i32, i32) {
    %c0_i32 = arith.constant 0 : i32
    %c0_i32_0 = arith.constant 0 : i32
    %c0_i32_1 = arith.constant 0 : i32
    return %c0_i32, %c0_i32_0 : i32, i32
  }
  func.func @transform_2(%arg0: i32) -> (i32, i32) {
    %c0_i32 = arith.constant 0 : i32
    %c0_i32_0 = arith.constant 0 : i32
    %c0_i32_1 = arith.constant 0 : i32
    return %c0_i32, %c0_i32_0 : i32, i32
  }
  func.func @transform_3(%arg0: i32) -> (i32, i32) {
    %c0_i32 = arith.constant 0 : i32
    %c0_i32_0 = arith.constant 0 : i32
    return %arg0, %c0_i32 : i32, i32
  }
  func.func @transform_4(%arg0: i32) -> (i32, i32) {
    %c0_i32 = arith.constant 0 : i32
    %c0_i32_0 = arith.constant 0 : i32
    return %arg0, %c0_i32 : i32, i32
  }
  func.func @transform_5(%arg0: i32) -> (i32, i32) {
    %c0_i32 = arith.constant 0 : i32
    %c0_i32_0 = arith.constant 0 : i32
    return %arg0, %c0_i32 : i32, i32
  }
  func.func @transform_6(%arg0: i32) -> (i32, i32) {
    %c0_i32 = arith.constant 0 : i32
    %c0_i32_0 = arith.constant 0 : i32
    return %arg0, %c0_i32 : i32, i32
  }
}

module attributes {stable_mosaic.version = 14 : i64} {
  func.func @_mid1_body(%arg0: i32, %arg1: memref<1000x128xf32, #tpu.memory_space<vmem>>, %arg2: memref<1000x128xf32, #tpu.memory_space<vmem>>, %arg3: memref<128x128xf32, #tpu.memory_space<vmem>>, %arg4: memref<1x128xf32, #tpu.memory_space<vmem>>, %arg5: memref<128x128xf32, #tpu.memory_space<vmem>>, %arg6: memref<1x128xf32, #tpu.memory_space<vmem>>, %arg7: memref<1000x1xf32, #tpu.memory_space<vmem>>, %arg8: memref<2xf32, #tpu.memory_space<smem>>, %arg9: memref<1000x128xf32, #tpu.memory_space<vmem>>, %arg10: memref<1000x128xf32, #tpu.memory_space<vmem>>, %arg11: memref<1000x1xf32, #tpu.memory_space<vmem>>) attributes {dimension_semantics = [#tpu.dimension_semantics<arbitrary>], iteration_bounds = array<i64: 10>, scalar_prefetch = 0 : i64, scratch_operands = 0 : i64, tpu.core_type = #tpu.core_type<tc>, window_params = [{transform_indices = @transform_0, window_bounds = array<i64: 1000, 128>}, {transform_indices = @transform_1, window_bounds = array<i64: 1000, 128>}, {pipeline_mode = #tpu.pipeline_mode<synchronous>, transform_indices = @transform_2, window_bounds = array<i64: 128, 128>}, {pipeline_mode = #tpu.pipeline_mode<synchronous>, transform_indices = @transform_3, window_bounds = array<i64: 1, 128>}, {pipeline_mode = #tpu.pipeline_mode<synchronous>, transform_indices = @transform_4, window_bounds = array<i64: 128, 128>}, {pipeline_mode = #tpu.pipeline_mode<synchronous>, transform_indices = @transform_5, window_bounds = array<i64: 1, 128>}, {transform_indices = @transform_6, window_bounds = array<i64: 1000, 1>}, {transform_indices = @transform_7, window_bounds = array<i64: 2>}, {transform_indices = @transform_8, window_bounds = array<i64: 1000, 128>}, {transform_indices = @transform_9, window_bounds = array<i64: 1000, 128>}, {transform_indices = @transform_10, window_bounds = array<i64: 1000, 1>}]} {
    %get3A = arith.constant 0 : index
    %get3A_0 = arith.constant 0 : index
    %get3A_1 = vector.load %arg7[%get3A, %get3A_0] : memref<1000x1xf32, #tpu.memory_space<vmem>>, vector<1000x1xf32>
    %get3A_2 = arith.constant 0 : index
    %get3A_3 = arith.constant 0 : index
    %get3A_4 = vector.load %arg1[%get3A_2, %get3A_3] : memref<1000x128xf32, #tpu.memory_space<vmem>>, vector<1000x128xf32>
    %get3A_5 = arith.constant 0 : index
    %get3A_6 = arith.constant 0 : index
    %get3A_7 = vector.load %arg2[%get3A_5, %get3A_6] : memref<1000x128xf32, #tpu.memory_space<vmem>>, vector<1000x128xf32>
    %add3A = arith.addf %get3A_4, %get3A_7 : vector<1000x128xf32>
    %mul3A = vector.broadcast %get3A_1 : vector<1000x1xf32> to vector<1000x128xf32>
    %mul3A_8 = arith.mulf %mul3A, %add3A : vector<1000x128xf32>
    %get3A_9 = arith.constant 0 : index
    %get3A_10 = arith.constant 0 : index
    %get3A_11 = vector.load %arg5[%get3A_9, %get3A_10] : memref<128x128xf32, #tpu.memory_space<vmem>>, vector<128x128xf32>
    %get3A_12 = arith.constant 0 : index
    %get3A_13 = arith.constant 0 : index
    %get3A_14 = vector.load %arg6[%get3A_12, %get3A_13] : memref<1x128xf32, #tpu.memory_space<vmem>>, vector<1x128xf32>
    %get3A_15 = arith.constant 0 : index
    %get3A_16 = memref.load %arg8[%get3A_15] : memref<2xf32, #tpu.memory_space<smem>>
    %get3A_17 = arith.constant 1 : index
    %get3A_18 = memref.load %arg8[%get3A_17] : memref<2xf32, #tpu.memory_space<smem>>
    %dot_general3A = arith.constant dense<0.000000e+00> : vector<1000x128xf32>
    %dot_general3A_19 = tpu.matmul %mul3A_8, %get3A_11, %dot_general3A {dimension_numbers = #tpu.dot_dimension_numbers<[1], [0], [0], [1], [0, 0, 1, 1], [], []>, transpose_lhs_hint = false} : vector<1000x128xf32>, vector<128x128xf32>, vector<1000x128xf32> -> vector<1000x128xf32>
    %add3A_20 = vector.broadcast %get3A_14 : vector<1x128xf32> to vector<1000x128xf32>
    %add3A_21 = arith.addf %dot_general3A_19, %add3A_20 : vector<1000x128xf32>
    %reduce_max3A = arith.constant dense<0xFF800000> : vector<1000xf32>
    %reduce_max3A_22 = vector.multi_reduction <maximumf>, %add3A_21, %reduce_max3A [1] : vector<1000x128xf32> to vector<1000xf32>
    %broadcast_in_dim3A = vector.shape_cast %reduce_max3A_22 : vector<1000xf32> to vector<1000x1xf32>
    %sub3A = vector.broadcast %broadcast_in_dim3A : vector<1000x1xf32> to vector<1000x128xf32>
    %sub3A_23 = arith.subf %add3A_21, %sub3A : vector<1000x128xf32>
    %exp3A = math.exp %sub3A_23 : vector<1000x128xf32>
    %reduce_sum3A = arith.constant dense<0.000000e+00> : vector<1000xf32>
    %reduce_sum3A_24 = vector.multi_reduction <add>, %exp3A, %reduce_sum3A [1] : vector<1000x128xf32> to vector<1000xf32>
    %broadcast_in_dim3A_25 = vector.shape_cast %reduce_sum3A_24 : vector<1000xf32> to vector<1000x1xf32>
    %div3A = vector.broadcast %broadcast_in_dim3A_25 : vector<1000x1xf32> to vector<1000x128xf32>
    %div3A_26 = arith.divf %exp3A, %div3A : vector<1000x128xf32>
    %add3A_27 = arith.constant 9.99999996E-13 : f32
    %add3A_28 = vector.broadcast %add3A_27 : f32 to vector<1000x128xf32>
    %add3A_29 = arith.addf %div3A_26, %add3A_28 : vector<1000x128xf32>
    %log3A = math.log %add3A_29 : vector<1000x128xf32>
    %mul3A_30 = arith.mulf %div3A_26, %log3A : vector<1000x128xf32>
    %reduce_sum3A_31 = arith.constant dense<0.000000e+00> : vector<1000xf32>
    %reduce_sum3A_32 = vector.multi_reduction <add>, %mul3A_30, %reduce_sum3A_31 [1] : vector<1000x128xf32> to vector<1000xf32>
    %broadcast_in_dim3A_33 = vector.shape_cast %reduce_sum3A_32 : vector<1000xf32> to vector<1000x1xf32>
    %neg3A = arith.constant 0.000000e+00 : f32
    %neg3A_34 = vector.broadcast %neg3A : f32 to vector<1000x1xf32>
    %neg3A_35 = arith.subf %neg3A_34, %broadcast_in_dim3A_33 : vector<1000x1xf32>
    %mul3A_36 = arith.constant 0.271085024 : f32
    %mul3A_37 = vector.broadcast %mul3A_36 : f32 to vector<1000x1xf32>
    %mul3A_38 = arith.mulf %neg3A_35, %mul3A_37 : vector<1000x1xf32>
    %sub3A_39 = vector.broadcast %get3A_16 : f32 to vector<1000x1xf32>
    %sub3A_40 = arith.subf %sub3A_39, %mul3A_38 : vector<1000x1xf32>
    %logistic3A = arith.negf %sub3A_40 : vector<1000x1xf32>
    %logistic3A_41 = math.exp %logistic3A : vector<1000x1xf32>
    %logistic3A_42 = arith.constant 1.000000e+00 : f32
    %logistic3A_43 = vector.broadcast %logistic3A_42 : f32 to vector<1000x1xf32>
    %logistic3A_44 = arith.addf %logistic3A_43, %logistic3A_41 : vector<1000x1xf32>
    %logistic3A_45 = arith.divf %logistic3A_43, %logistic3A_44 : vector<1000x1xf32>
    %sub3A_46 = vector.broadcast %get3A_18 : f32 to vector<1000x1xf32>
    %sub3A_47 = arith.subf %sub3A_46, %mul3A_38 : vector<1000x1xf32>
    %logistic3A_48 = arith.negf %sub3A_47 : vector<1000x1xf32>
    %logistic3A_49 = math.exp %logistic3A_48 : vector<1000x1xf32>
    %logistic3A_50 = arith.constant 1.000000e+00 : f32
    %logistic3A_51 = vector.broadcast %logistic3A_50 : f32 to vector<1000x1xf32>
    %logistic3A_52 = arith.addf %logistic3A_51, %logistic3A_49 : vector<1000x1xf32>
    %logistic3A_53 = arith.divf %logistic3A_51, %logistic3A_52 : vector<1000x1xf32>
    %add3A_54 = arith.addf %logistic3A_45, %logistic3A_53 : vector<1000x1xf32>
    %mul3A_55 = arith.constant 5.000000e-01 : f32
    %mul3A_56 = vector.broadcast %mul3A_55 : f32 to vector<1000x1xf32>
    %mul3A_57 = arith.mulf %mul3A_56, %add3A_54 : vector<1000x1xf32>
    %get3A_58 = arith.constant 0 : index
    %get3A_59 = arith.constant 0 : index
    %get3A_60 = vector.load %arg3[%get3A_58, %get3A_59] : memref<128x128xf32, #tpu.memory_space<vmem>>, vector<128x128xf32>
    %dot_general3A_61 = arith.constant dense<0.000000e+00> : vector<1000x128xf32>
    %dot_general3A_62 = tpu.matmul %mul3A_8, %get3A_60, %dot_general3A_61 {dimension_numbers = #tpu.dot_dimension_numbers<[1], [0], [0], [1], [0, 0, 1, 1], [], []>, transpose_lhs_hint = false} : vector<1000x128xf32>, vector<128x128xf32>, vector<1000x128xf32> -> vector<1000x128xf32>
    %swap3A = arith.constant 0 : index
    %swap3A_63 = arith.constant 0 : index
    %swap3A_64 = vector.load %arg9[%swap3A, %swap3A_63] : memref<1000x128xf32, #tpu.memory_space<vmem>>, vector<1000x128xf32>
    tpu.vector_store %arg9[%swap3A, %swap3A_63], %mul3A_8 {strides = array<i32>} : memref<1000x128xf32, #tpu.memory_space<vmem>>, vector<1000x128xf32>,
    %get3A_65 = arith.constant 0 : index
    %get3A_66 = arith.constant 0 : index
    %get3A_67 = vector.load %arg4[%get3A_65, %get3A_66] : memref<1x128xf32, #tpu.memory_space<vmem>>, vector<1x128xf32>
    %add3A_68 = vector.broadcast %get3A_67 : vector<1x128xf32> to vector<1000x128xf32>
    %add3A_69 = arith.addf %dot_general3A_62, %add3A_68 : vector<1000x128xf32>
    %mul3A_70 = vector.broadcast %get3A_1 : vector<1000x1xf32> to vector<1000x128xf32>
    %mul3A_71 = arith.mulf %add3A_69, %mul3A_70 : vector<1000x128xf32>
    %swap3A_72 = arith.constant 0 : index
    %swap3A_73 = arith.constant 0 : index
    %swap3A_74 = vector.load %arg10[%swap3A_72, %swap3A_73] : memref<1000x128xf32, #tpu.memory_space<vmem>>, vector<1000x128xf32>
    tpu.vector_store %arg10[%swap3A_72, %swap3A_73], %mul3A_71 {strides = array<i32>} : memref<1000x128xf32, #tpu.memory_space<vmem>>, vector<1000x128xf32>,
    %swap3A_75 = arith.constant 0 : index
    %swap3A_76 = arith.constant 0 : index
    %swap3A_77 = vector.load %arg11[%swap3A_75, %swap3A_76] : memref<1000x1xf32, #tpu.memory_space<vmem>>, vector<1000x1xf32>
    tpu.vector_store %arg11[%swap3A_75, %swap3A_76], %mul3A_57 {strides = array<i32>} : memref<1000x1xf32, #tpu.memory_space<vmem>>, vector<1000x1xf32>,
    return
  }
  func.func @transform_0(%arg0: i32) -> (i32, i32) {
    %c0_i32 = arith.constant 0 : i32
    %c0_i32_0 = arith.constant 0 : i32
    return %arg0, %c0_i32 : i32, i32
  }
  func.func @transform_1(%arg0: i32) -> (i32, i32) {
    %c0_i32 = arith.constant 0 : i32
    %c0_i32_0 = arith.constant 0 : i32
    return %arg0, %c0_i32 : i32, i32
  }
  func.func @transform_2(%arg0: i32) -> (i32, i32) {
    %c0_i32 = arith.constant 0 : i32
    %c0_i32_0 = arith.constant 0 : i32
    %c0_i32_1 = arith.constant 0 : i32
    return %c0_i32, %c0_i32_0 : i32, i32
  }
  func.func @transform_3(%arg0: i32) -> (i32, i32) {
    %c0_i32 = arith.constant 0 : i32
    %c0_i32_0 = arith.constant 0 : i32
    %c0_i32_1 = arith.constant 0 : i32
    return %c0_i32, %c0_i32_0 : i32, i32
  }
  func.func @transform_4(%arg0: i32) -> (i32, i32) {
    %c0_i32 = arith.constant 0 : i32
    %c0_i32_0 = arith.constant 0 : i32
    %c0_i32_1 = arith.constant 0 : i32
    return %c0_i32, %c0_i32_0 : i32, i32
  }
  func.func @transform_5(%arg0: i32) -> (i32, i32) {
    %c0_i32 = arith.constant 0 : i32
    %c0_i32_0 = arith.constant 0 : i32
    %c0_i32_1 = arith.constant 0 : i32
    return %c0_i32, %c0_i32_0 : i32, i32
  }
  func.func @transform_6(%arg0: i32) -> (i32, i32) {
    %c0_i32 = arith.constant 0 : i32
    %c0_i32_0 = arith.constant 0 : i32
    return %arg0, %c0_i32 : i32, i32
  }
  func.func @transform_7(%arg0: i32) -> i32 {
    %c0_i32 = arith.constant 0 : i32
    %c0_i32_0 = arith.constant 0 : i32
    return %c0_i32 : i32
  }
  func.func @transform_8(%arg0: i32) -> (i32, i32) {
    %c0_i32 = arith.constant 0 : i32
    %c0_i32_0 = arith.constant 0 : i32
    return %arg0, %c0_i32 : i32, i32
  }
  func.func @transform_9(%arg0: i32) -> (i32, i32) {
    %c0_i32 = arith.constant 0 : i32
    %c0_i32_0 = arith.constant 0 : i32
    return %arg0, %c0_i32 : i32, i32
  }
  func.func @transform_10(%arg0: i32) -> (i32, i32) {
    %c0_i32 = arith.constant 0 : i32
    %c0_i32_0 = arith.constant 0 : i32
    return %arg0, %c0_i32 : i32, i32
  }
}

module attributes {stable_mosaic.version = 14 : i64} {
  func.func @_mid2_body(%arg0: i32, %arg1: memref<1000x128xf32, #tpu.memory_space<vmem>>, %arg2: memref<1000x128xf32, #tpu.memory_space<vmem>>, %arg3: memref<1000x128xf32, #tpu.memory_space<vmem>>, %arg4: memref<1000x1xf32, #tpu.memory_space<vmem>>, %arg5: memref<128x128xf32, #tpu.memory_space<vmem>>, %arg6: memref<1x128xf32, #tpu.memory_space<vmem>>, %arg7: memref<128x128xf32, #tpu.memory_space<vmem>>, %arg8: memref<1x128xf32, #tpu.memory_space<vmem>>, %arg9: memref<1000x1xf32, #tpu.memory_space<vmem>>, %arg10: memref<2xf32, #tpu.memory_space<smem>>, %arg11: memref<1000x128xf32, #tpu.memory_space<vmem>>, %arg12: memref<1000x128xf32, #tpu.memory_space<vmem>>, %arg13: memref<1000x1xf32, #tpu.memory_space<vmem>>) attributes {dimension_semantics = [#tpu.dimension_semantics<arbitrary>], iteration_bounds = array<i64: 10>, scalar_prefetch = 0 : i64, scratch_operands = 0 : i64, tpu.core_type = #tpu.core_type<tc>, window_params = [{transform_indices = @transform_0, window_bounds = array<i64: 1000, 128>}, {transform_indices = @transform_1, window_bounds = array<i64: 1000, 128>}, {transform_indices = @transform_2, window_bounds = array<i64: 1000, 128>}, {transform_indices = @transform_3, window_bounds = array<i64: 1000, 1>}, {pipeline_mode = #tpu.pipeline_mode<synchronous>, transform_indices = @transform_4, window_bounds = array<i64: 128, 128>}, {pipeline_mode = #tpu.pipeline_mode<synchronous>, transform_indices = @transform_5, window_bounds = array<i64: 1, 128>}, {pipeline_mode = #tpu.pipeline_mode<synchronous>, transform_indices = @transform_6, window_bounds = array<i64: 128, 128>}, {pipeline_mode = #tpu.pipeline_mode<synchronous>, transform_indices = @transform_7, window_bounds = array<i64: 1, 128>}, {transform_indices = @transform_8, window_bounds = array<i64: 1000, 1>}, {transform_indices = @transform_9, window_bounds = array<i64: 2>}, {transform_indices = @transform_10, window_bounds = array<i64: 1000, 128>}, {transform_indices = @transform_11, window_bounds = array<i64: 1000, 128>}, {transform_indices = @transform_12, window_bounds = array<i64: 1000, 1>}]} {
    %get3A = arith.constant 0 : index
    %get3A_0 = arith.constant 0 : index
    %get3A_1 = vector.load %arg9[%get3A, %get3A_0] : memref<1000x1xf32, #tpu.memory_space<vmem>>, vector<1000x1xf32>
    %get3A_2 = arith.constant 0 : index
    %get3A_3 = arith.constant 0 : index
    %get3A_4 = vector.load %arg4[%get3A_2, %get3A_3] : memref<1000x1xf32, #tpu.memory_space<vmem>>, vector<1000x1xf32>
    %get3A_5 = arith.constant 0 : index
    %get3A_6 = arith.constant 0 : index
    %get3A_7 = vector.load %arg1[%get3A_5, %get3A_6] : memref<1000x128xf32, #tpu.memory_space<vmem>>, vector<1000x128xf32>
    %get3A_8 = arith.constant 0 : index
    %get3A_9 = arith.constant 0 : index
    %get3A_10 = vector.load %arg2[%get3A_8, %get3A_9] : memref<1000x128xf32, #tpu.memory_space<vmem>>, vector<1000x128xf32>
    %add3A = arith.addf %get3A_7, %get3A_10 : vector<1000x128xf32>
    %mul3A = vector.broadcast %get3A_1 : vector<1000x1xf32> to vector<1000x128xf32>
    %mul3A_11 = arith.mulf %mul3A, %add3A : vector<1000x128xf32>
    %mul3A_12 = vector.broadcast %get3A_4 : vector<1000x1xf32> to vector<1000x128xf32>
    %mul3A_13 = arith.mulf %mul3A_12, %mul3A_11 : vector<1000x128xf32>
    %sub3A = arith.constant 1.000000e+00 : f32
    %sub3A_14 = vector.broadcast %sub3A : f32 to vector<1000x1xf32>
    %sub3A_15 = arith.subf %sub3A_14, %get3A_4 : vector<1000x1xf32>
    %get3A_16 = arith.constant 0 : index
    %get3A_17 = arith.constant 0 : index
    %get3A_18 = vector.load %arg3[%get3A_16, %get3A_17] : memref<1000x128xf32, #tpu.memory_space<vmem>>, vector<1000x128xf32>
    %mul3A_19 = vector.broadcast %sub3A_15 : vector<1000x1xf32> to vector<1000x128xf32>
    %mul3A_20 = arith.mulf %mul3A_19, %get3A_18 : vector<1000x128xf32>
    %add3A_21 = arith.addf %mul3A_13, %mul3A_20 : vector<1000x128xf32>
    %get3A_22 = arith.constant 0 : index
    %get3A_23 = arith.constant 0 : index
    %get3A_24 = vector.load %arg7[%get3A_22, %get3A_23] : memref<128x128xf32, #tpu.memory_space<vmem>>, vector<128x128xf32>
    %get3A_25 = arith.constant 0 : index
    %get3A_26 = arith.constant 0 : index
    %get3A_27 = vector.load %arg8[%get3A_25, %get3A_26] : memref<1x128xf32, #tpu.memory_space<vmem>>, vector<1x128xf32>
    %get3A_28 = arith.constant 0 : index
    %get3A_29 = memref.load %arg10[%get3A_28] : memref<2xf32, #tpu.memory_space<smem>>
    %get3A_30 = arith.constant 1 : index
    %get3A_31 = memref.load %arg10[%get3A_30] : memref<2xf32, #tpu.memory_space<smem>>
    %dot_general3A = arith.constant dense<0.000000e+00> : vector<1000x128xf32>
    %dot_general3A_32 = tpu.matmul %add3A_21, %get3A_24, %dot_general3A {dimension_numbers = #tpu.dot_dimension_numbers<[1], [0], [0], [1], [0, 0, 1, 1], [], []>, transpose_lhs_hint = false} : vector<1000x128xf32>, vector<128x128xf32>, vector<1000x128xf32> -> vector<1000x128xf32>
    %add3A_33 = vector.broadcast %get3A_27 : vector<1x128xf32> to vector<1000x128xf32>
    %add3A_34 = arith.addf %dot_general3A_32, %add3A_33 : vector<1000x128xf32>
    %reduce_max3A = arith.constant dense<0xFF800000> : vector<1000xf32>
    %reduce_max3A_35 = vector.multi_reduction <maximumf>, %add3A_34, %reduce_max3A [1] : vector<1000x128xf32> to vector<1000xf32>
    %broadcast_in_dim3A = vector.shape_cast %reduce_max3A_35 : vector<1000xf32> to vector<1000x1xf32>
    %sub3A_36 = vector.broadcast %broadcast_in_dim3A : vector<1000x1xf32> to vector<1000x128xf32>
    %sub3A_37 = arith.subf %add3A_34, %sub3A_36 : vector<1000x128xf32>
    %exp3A = math.exp %sub3A_37 : vector<1000x128xf32>
    %reduce_sum3A = arith.constant dense<0.000000e+00> : vector<1000xf32>
    %reduce_sum3A_38 = vector.multi_reduction <add>, %exp3A, %reduce_sum3A [1] : vector<1000x128xf32> to vector<1000xf32>
    %broadcast_in_dim3A_39 = vector.shape_cast %reduce_sum3A_38 : vector<1000xf32> to vector<1000x1xf32>
    %div3A = vector.broadcast %broadcast_in_dim3A_39 : vector<1000x1xf32> to vector<1000x128xf32>
    %div3A_40 = arith.divf %exp3A, %div3A : vector<1000x128xf32>
    %add3A_41 = arith.constant 9.99999996E-13 : f32
    %add3A_42 = vector.broadcast %add3A_41 : f32 to vector<1000x128xf32>
    %add3A_43 = arith.addf %div3A_40, %add3A_42 : vector<1000x128xf32>
    %log3A = math.log %add3A_43 : vector<1000x128xf32>
    %mul3A_44 = arith.mulf %div3A_40, %log3A : vector<1000x128xf32>
    %reduce_sum3A_45 = arith.constant dense<0.000000e+00> : vector<1000xf32>
    %reduce_sum3A_46 = vector.multi_reduction <add>, %mul3A_44, %reduce_sum3A_45 [1] : vector<1000x128xf32> to vector<1000xf32>
    %broadcast_in_dim3A_47 = vector.shape_cast %reduce_sum3A_46 : vector<1000xf32> to vector<1000x1xf32>
    %neg3A = arith.constant 0.000000e+00 : f32
    %neg3A_48 = vector.broadcast %neg3A : f32 to vector<1000x1xf32>
    %neg3A_49 = arith.subf %neg3A_48, %broadcast_in_dim3A_47 : vector<1000x1xf32>
    %mul3A_50 = arith.constant 0.271085024 : f32
    %mul3A_51 = vector.broadcast %mul3A_50 : f32 to vector<1000x1xf32>
    %mul3A_52 = arith.mulf %neg3A_49, %mul3A_51 : vector<1000x1xf32>
    %sub3A_53 = vector.broadcast %get3A_29 : f32 to vector<1000x1xf32>
    %sub3A_54 = arith.subf %sub3A_53, %mul3A_52 : vector<1000x1xf32>
    %logistic3A = arith.negf %sub3A_54 : vector<1000x1xf32>
    %logistic3A_55 = math.exp %logistic3A : vector<1000x1xf32>
    %logistic3A_56 = arith.constant 1.000000e+00 : f32
    %logistic3A_57 = vector.broadcast %logistic3A_56 : f32 to vector<1000x1xf32>
    %logistic3A_58 = arith.addf %logistic3A_57, %logistic3A_55 : vector<1000x1xf32>
    %logistic3A_59 = arith.divf %logistic3A_57, %logistic3A_58 : vector<1000x1xf32>
    %sub3A_60 = vector.broadcast %get3A_31 : f32 to vector<1000x1xf32>
    %sub3A_61 = arith.subf %sub3A_60, %mul3A_52 : vector<1000x1xf32>
    %logistic3A_62 = arith.negf %sub3A_61 : vector<1000x1xf32>
    %logistic3A_63 = math.exp %logistic3A_62 : vector<1000x1xf32>
    %logistic3A_64 = arith.constant 1.000000e+00 : f32
    %logistic3A_65 = vector.broadcast %logistic3A_64 : f32 to vector<1000x1xf32>
    %logistic3A_66 = arith.addf %logistic3A_65, %logistic3A_63 : vector<1000x1xf32>
    %logistic3A_67 = arith.divf %logistic3A_65, %logistic3A_66 : vector<1000x1xf32>
    %add3A_68 = arith.addf %logistic3A_59, %logistic3A_67 : vector<1000x1xf32>
    %mul3A_69 = arith.constant 5.000000e-01 : f32
    %mul3A_70 = vector.broadcast %mul3A_69 : f32 to vector<1000x1xf32>
    %mul3A_71 = arith.mulf %mul3A_70, %add3A_68 : vector<1000x1xf32>
    %mul3A_72 = arith.mulf %get3A_4, %mul3A_71 : vector<1000x1xf32>
    %get3A_73 = arith.constant 0 : index
    %get3A_74 = arith.constant 0 : index
    %get3A_75 = vector.load %arg5[%get3A_73, %get3A_74] : memref<128x128xf32, #tpu.memory_space<vmem>>, vector<128x128xf32>
    %dot_general3A_76 = arith.constant dense<0.000000e+00> : vector<1000x128xf32>
    %dot_general3A_77 = tpu.matmul %add3A_21, %get3A_75, %dot_general3A_76 {dimension_numbers = #tpu.dot_dimension_numbers<[1], [0], [0], [1], [0, 0, 1, 1], [], []>, transpose_lhs_hint = false} : vector<1000x128xf32>, vector<128x128xf32>, vector<1000x128xf32> -> vector<1000x128xf32>
    %swap3A = arith.constant 0 : index
    %swap3A_78 = arith.constant 0 : index
    %swap3A_79 = vector.load %arg11[%swap3A, %swap3A_78] : memref<1000x128xf32, #tpu.memory_space<vmem>>, vector<1000x128xf32>
    tpu.vector_store %arg11[%swap3A, %swap3A_78], %add3A_21 {strides = array<i32>} : memref<1000x128xf32, #tpu.memory_space<vmem>>, vector<1000x128xf32>,
    %get3A_80 = arith.constant 0 : index
    %get3A_81 = arith.constant 0 : index
    %get3A_82 = vector.load %arg6[%get3A_80, %get3A_81] : memref<1x128xf32, #tpu.memory_space<vmem>>, vector<1x128xf32>
    %add3A_83 = vector.broadcast %get3A_82 : vector<1x128xf32> to vector<1000x128xf32>
    %add3A_84 = arith.addf %dot_general3A_77, %add3A_83 : vector<1000x128xf32>
    %mul3A_85 = vector.broadcast %get3A_1 : vector<1000x1xf32> to vector<1000x128xf32>
    %mul3A_86 = arith.mulf %add3A_84, %mul3A_85 : vector<1000x128xf32>
    %swap3A_87 = arith.constant 0 : index
    %swap3A_88 = arith.constant 0 : index
    %swap3A_89 = vector.load %arg12[%swap3A_87, %swap3A_88] : memref<1000x128xf32, #tpu.memory_space<vmem>>, vector<1000x128xf32>
    tpu.vector_store %arg12[%swap3A_87, %swap3A_88], %mul3A_86 {strides = array<i32>} : memref<1000x128xf32, #tpu.memory_space<vmem>>, vector<1000x128xf32>,
    %swap3A_90 = arith.constant 0 : index
    %swap3A_91 = arith.constant 0 : index
    %swap3A_92 = vector.load %arg13[%swap3A_90, %swap3A_91] : memref<1000x1xf32, #tpu.memory_space<vmem>>, vector<1000x1xf32>
    tpu.vector_store %arg13[%swap3A_90, %swap3A_91], %mul3A_72 {strides = array<i32>} : memref<1000x1xf32, #tpu.memory_space<vmem>>, vector<1000x1xf32>,
    return
  }
  func.func @transform_0(%arg0: i32) -> (i32, i32) {
    %c0_i32 = arith.constant 0 : i32
    %c0_i32_0 = arith.constant 0 : i32
    return %arg0, %c0_i32 : i32, i32
  }
  func.func @transform_1(%arg0: i32) -> (i32, i32) {
    %c0_i32 = arith.constant 0 : i32
    %c0_i32_0 = arith.constant 0 : i32
    return %arg0, %c0_i32 : i32, i32
  }
  func.func @transform_2(%arg0: i32) -> (i32, i32) {
    %c0_i32 = arith.constant 0 : i32
    %c0_i32_0 = arith.constant 0 : i32
    return %arg0, %c0_i32 : i32, i32
  }
  func.func @transform_3(%arg0: i32) -> (i32, i32) {
    %c0_i32 = arith.constant 0 : i32
    %c0_i32_0 = arith.constant 0 : i32
    return %arg0, %c0_i32 : i32, i32
  }
  func.func @transform_4(%arg0: i32) -> (i32, i32) {
    %c0_i32 = arith.constant 0 : i32
    %c0_i32_0 = arith.constant 0 : i32
    %c0_i32_1 = arith.constant 0 : i32
    return %c0_i32, %c0_i32_0 : i32, i32
  }
  func.func @transform_5(%arg0: i32) -> (i32, i32) {
    %c0_i32 = arith.constant 0 : i32
    %c0_i32_0 = arith.constant 0 : i32
    %c0_i32_1 = arith.constant 0 : i32
    return %c0_i32, %c0_i32_0 : i32, i32
  }
  func.func @transform_6(%arg0: i32) -> (i32, i32) {
    %c0_i32 = arith.constant 0 : i32
    %c0_i32_0 = arith.constant 0 : i32
    %c0_i32_1 = arith.constant 0 : i32
    return %c0_i32, %c0_i32_0 : i32, i32
  }
  func.func @transform_7(%arg0: i32) -> (i32, i32) {
    %c0_i32 = arith.constant 0 : i32
    %c0_i32_0 = arith.constant 0 : i32
    %c0_i32_1 = arith.constant 0 : i32
    return %c0_i32, %c0_i32_0 : i32, i32
  }
  func.func @transform_8(%arg0: i32) -> (i32, i32) {
    %c0_i32 = arith.constant 0 : i32
    %c0_i32_0 = arith.constant 0 : i32
    return %arg0, %c0_i32 : i32, i32
  }
  func.func @transform_9(%arg0: i32) -> i32 {
    %c0_i32 = arith.constant 0 : i32
    %c0_i32_0 = arith.constant 0 : i32
    return %c0_i32 : i32
  }
  func.func @transform_10(%arg0: i32) -> (i32, i32) {
    %c0_i32 = arith.constant 0 : i32
    %c0_i32_0 = arith.constant 0 : i32
    return %arg0, %c0_i32 : i32, i32
  }
  func.func @transform_11(%arg0: i32) -> (i32, i32) {
    %c0_i32 = arith.constant 0 : i32
    %c0_i32_0 = arith.constant 0 : i32
    return %arg0, %c0_i32 : i32, i32
  }
  func.func @transform_12(%arg0: i32) -> (i32, i32) {
    %c0_i32 = arith.constant 0 : i32
    %c0_i32_0 = arith.constant 0 : i32
    return %arg0, %c0_i32 : i32, i32
  }
}

module attributes {stable_mosaic.version = 14 : i64} {
  func.func @_fin_body(%arg0: i32, %arg1: memref<1000x128xf32, #tpu.memory_space<vmem>>, %arg2: memref<1000x128xf32, #tpu.memory_space<vmem>>, %arg3: memref<1000x128xf32, #tpu.memory_space<vmem>>, %arg4: memref<1000x1xf32, #tpu.memory_space<vmem>>, %arg5: memref<128x128xf32, #tpu.memory_space<vmem>>, %arg6: memref<1x128xf32, #tpu.memory_space<vmem>>, %arg7: memref<1000x1xf32, #tpu.memory_space<vmem>>, %arg8: memref<1000x128xf32, #tpu.memory_space<vmem>>) attributes {dimension_semantics = [#tpu.dimension_semantics<arbitrary>], iteration_bounds = array<i64: 10>, scalar_prefetch = 0 : i64, scratch_operands = 0 : i64, tpu.core_type = #tpu.core_type<tc>, window_params = [{transform_indices = @transform_0, window_bounds = array<i64: 1000, 128>}, {transform_indices = @transform_1, window_bounds = array<i64: 1000, 128>}, {transform_indices = @transform_2, window_bounds = array<i64: 1000, 128>}, {transform_indices = @transform_3, window_bounds = array<i64: 1000, 1>}, {pipeline_mode = #tpu.pipeline_mode<synchronous>, transform_indices = @transform_4, window_bounds = array<i64: 128, 128>}, {pipeline_mode = #tpu.pipeline_mode<synchronous>, transform_indices = @transform_5, window_bounds = array<i64: 1, 128>}, {transform_indices = @transform_6, window_bounds = array<i64: 1000, 1>}, {transform_indices = @transform_7, window_bounds = array<i64: 1000, 128>}]} {
    %get3A = arith.constant 0 : index
    %get3A_0 = arith.constant 0 : index
    %get3A_1 = vector.load %arg7[%get3A, %get3A_0] : memref<1000x1xf32, #tpu.memory_space<vmem>>, vector<1000x1xf32>
    %get3A_2 = arith.constant 0 : index
    %get3A_3 = arith.constant 0 : index
    %get3A_4 = vector.load %arg4[%get3A_2, %get3A_3] : memref<1000x1xf32, #tpu.memory_space<vmem>>, vector<1000x1xf32>
    %get3A_5 = arith.constant 0 : index
    %get3A_6 = arith.constant 0 : index
    %get3A_7 = vector.load %arg1[%get3A_5, %get3A_6] : memref<1000x128xf32, #tpu.memory_space<vmem>>, vector<1000x128xf32>
    %get3A_8 = arith.constant 0 : index
    %get3A_9 = arith.constant 0 : index
    %get3A_10 = vector.load %arg2[%get3A_8, %get3A_9] : memref<1000x128xf32, #tpu.memory_space<vmem>>, vector<1000x128xf32>
    %add3A = arith.addf %get3A_7, %get3A_10 : vector<1000x128xf32>
    %mul3A = vector.broadcast %get3A_1 : vector<1000x1xf32> to vector<1000x128xf32>
    %mul3A_11 = arith.mulf %mul3A, %add3A : vector<1000x128xf32>
    %mul3A_12 = vector.broadcast %get3A_4 : vector<1000x1xf32> to vector<1000x128xf32>
    %mul3A_13 = arith.mulf %mul3A_12, %mul3A_11 : vector<1000x128xf32>
    %sub3A = arith.constant 1.000000e+00 : f32
    %sub3A_14 = vector.broadcast %sub3A : f32 to vector<1000x1xf32>
    %sub3A_15 = arith.subf %sub3A_14, %get3A_4 : vector<1000x1xf32>
    %get3A_16 = arith.constant 0 : index
    %get3A_17 = arith.constant 0 : index
    %get3A_18 = vector.load %arg3[%get3A_16, %get3A_17] : memref<1000x128xf32, #tpu.memory_space<vmem>>, vector<1000x128xf32>
    %mul3A_19 = vector.broadcast %sub3A_15 : vector<1000x1xf32> to vector<1000x128xf32>
    %mul3A_20 = arith.mulf %mul3A_19, %get3A_18 : vector<1000x128xf32>
    %add3A_21 = arith.addf %mul3A_13, %mul3A_20 : vector<1000x128xf32>
    %get3A_22 = arith.constant 0 : index
    %get3A_23 = arith.constant 0 : index
    %get3A_24 = vector.load %arg5[%get3A_22, %get3A_23] : memref<128x128xf32, #tpu.memory_space<vmem>>, vector<128x128xf32>
    %dot_general3A = arith.constant dense<0.000000e+00> : vector<1000x128xf32>
    %dot_general3A_25 = tpu.matmul %add3A_21, %get3A_24, %dot_general3A {dimension_numbers = #tpu.dot_dimension_numbers<[1], [0], [0], [1], [0, 0, 1, 1], [], []>, transpose_lhs_hint = false} : vector<1000x128xf32>, vector<128x128xf32>, vector<1000x128xf32> -> vector<1000x128xf32>
    %get3A_26 = arith.constant 0 : index
    %get3A_27 = arith.constant 0 : index
    %get3A_28 = vector.load %arg6[%get3A_26, %get3A_27] : memref<1x128xf32, #tpu.memory_space<vmem>>, vector<1x128xf32>
    %add3A_29 = vector.broadcast %get3A_28 : vector<1x128xf32> to vector<1000x128xf32>
    %add3A_30 = arith.addf %dot_general3A_25, %add3A_29 : vector<1000x128xf32>
    %swap3A = arith.constant 0 : index
    %swap3A_31 = arith.constant 0 : index
    %swap3A_32 = vector.load %arg8[%swap3A, %swap3A_31] : memref<1000x128xf32, #tpu.memory_space<vmem>>, vector<1000x128xf32>
    tpu.vector_store %arg8[%swap3A, %swap3A_31], %add3A_30 {strides = array<i32>} : memref<1000x128xf32, #tpu.memory_space<vmem>>, vector<1000x128xf32>,
    return
  }
  func.func @transform_0(%arg0: i32) -> (i32, i32) {
    %c0_i32 = arith.constant 0 : i32
    %c0_i32_0 = arith.constant 0 : i32
    return %arg0, %c0_i32 : i32, i32
  }
  func.func @transform_1(%arg0: i32) -> (i32, i32) {
    %c0_i32 = arith.constant 0 : i32
    %c0_i32_0 = arith.constant 0 : i32
    return %arg0, %c0_i32 : i32, i32
  }
  func.func @transform_2(%arg0: i32) -> (i32, i32) {
    %c0_i32 = arith.constant 0 : i32
    %c0_i32_0 = arith.constant 0 : i32
    return %arg0, %c0_i32 : i32, i32
  }
  func.func @transform_3(%arg0: i32) -> (i32, i32) {
    %c0_i32 = arith.constant 0 : i32
    %c0_i32_0 = arith.constant 0 : i32
    return %arg0, %c0_i32 : i32, i32
  }
  func.func @transform_4(%arg0: i32) -> (i32, i32) {
    %c0_i32 = arith.constant 0 : i32
    %c0_i32_0 = arith.constant 0 : i32
    %c0_i32_1 = arith.constant 0 : i32
    return %c0_i32, %c0_i32_0 : i32, i32
  }
  func.func @transform_5(%arg0: i32) -> (i32, i32) {
    %c0_i32 = arith.constant 0 : i32
    %c0_i32_0 = arith.constant 0 : i32
    %c0_i32_1 = arith.constant 0 : i32
    return %c0_i32, %c0_i32_0 : i32, i32
  }
  func.func @transform_6(%arg0: i32) -> (i32, i32) {
    %c0_i32 = arith.constant 0 : i32
    %c0_i32_0 = arith.constant 0 : i32
    return %arg0, %c0_i32 : i32, i32
  }
  func.func @transform_7(%arg0: i32) -> (i32, i32) {
    %c0_i32 = arith.constant 0 : i32
    %c0_i32_0 = arith.constant 0 : i32
    return %arg0, %c0_i32 : i32, i32
  }
}

</mosaic_0001>

<sc_bundles>
// kernel: kernel.10.cloned.1.call-start
scs
__scs_entry_jumppad:
0x0: {  	(pc) =	sbr.rel $0x88, $3  }
0x1: {  	(tag) =	ssettag $0x0;
	lr =	simm.s32 $0x1  }
0x2: {  	[smem:$0x3F95] =	sst lr;
	_ =	strace $0xD0000000  }
0x3: {  	_ = 	snop  }
0x4: {  	_ = 	snop  }
0x5: {  	_ = 	snop  }
0x6: {  	_ = 	snop  }
0x7: {  	_ = 	snop  }
__scs_overlays_trampoline_lowered:
0x8: {  	[smem:$0x3FA4] =	sst s0  }
0x9: {  	[smem:$0x3FA5] =	sst s1  }
0xa: {  	[smem:$0x3FA6] =	sst s2  }
0xb: {  	[smem:$0x3FA7] =	sst s3  }
0xc: {  	[smem:$0x3FA8] =	sst s4  }
0xd: {  	[smem:$0x3FA9] =	sst s5  }
0xe: {  	[smem:$0x3FAA] =	sst s6  }
0xf: {  	[smem:$0x3FAB] =	sst s7  }
0x10: {  	[smem:$0x3FAC] =	sst s8  }
0x11: {  	[smem:$0x3FAD] =	sst s9;
	s0 =	simm.s32 @!p0 $0x0  }
0x12: {  	s1 =	sld [smem:$0x3F93];
	s0 =	simm.s32 @p0 $0x1  }
0x13: {  	[smem:$0x3FAE] =	sst s0;
	s0 =	simm.s32 @!p1 $0x0  }
0x14: {  	s2 =	sld [smem:$0x3F92];
	s0 =	simm.s32 @p1 $0x1  }
0x15: {  	[smem:$0x3FAF] =	sst s0;
	s0 =	simm.s32 @!p2 $0x0  }
0x16: {  	s3 =	sld [smem:$0x3FDB];
	s0 =	simm.s32 @p2 $0x1  }
0x17: {  	s4 =	simm.s32 $0x1BF5;
	[smem:$0x3FB1] =	sst s0  }
0x18: {  	s0 =	sld [smem:$0x3F94];
	_ =	swait.ge [sflag:s4], $0x0  }
0x19: {  	s7 =	sld [smem:$0x3F95]  }
0x1a: {  	s8 =	sadd.s32 $0xFFFFE003, lr  }
0x1b: {  	s9 =	sadd.s32 $0xFFFFFEF7, lr;
	s5 =	simm.s32 $0xFFFFFFFF;
	p2 =	slt.u32 s8, $0xFFFFF086  }
0x1c: {  	p1 =	slt.u32 s9, $0xF7A;
	s5 =	simm.s32 @!p2 $0x0  }
0x1d: {  	s5 =	simm.s32 @p1 $0x1;
	p0 =	seq.s32 s7, s2  }
0x1e: {  	s7 =	smul.u32 @!p0 $0xF7A, s2;
	p2 =	seq.s32 @!p0 s5, $0x0  }
0x1f: {  	s9 =	smul.u32 $0xF7A, s1;
	s8 =	simm.s32 @!p0 $0x1BF5;
	p2 =	por !p2, p0  }
0x20: {  	[sflag:s8] =	ssyncset.s32 @!p0 $0xFFFFF086;
	s6 =	sadd.s32 @!p0 s3, s7;
	s7 =	simm.s32 @!p0 $0x108  }
0x21: {  	s3 =	sadd.s32 s3, s9;
	s6 =	sadd.s32 @!p0 $0x88, s6;
	s7 =	simm.s32 @p2 $0x1082  }
0x22: {  	[simem:s7], [sflag:s8] =	dma.local @!p0 [hbm:s6], $0xF7A  }
0x23: {  	s9 =	sor.u32 $0xD0000000, s2;
	s6 =	simm.s32 $0x108;
	_ =	swait.ge @!p0 [sflag:s8], $0x0  }
0x24: {  	s3 =	sadd.s32 $0x88, s3;
	s6 =	simm.s32 @!p1 $0x1082;
	[sflag:s4] =	ssyncset.s32 $0xFFFFF086  }
0x25: {  	[simem:s6], [sflag:s4] =	dma.local [hbm:s3], $0xF7A  }
0x26: {  	[smem:$0x3F95] =	sst s1;
	(tag) =	ssettag s2;
	_ =	strace s9  }
0x27: {  	s1 =	sld [smem:$0x3FA5]  }
0x28: {  	s2 =	sld [smem:$0x3FA6]  }
0x29: {  	s4 =	sld [smem:$0x3FA8]  }
0x2a: {  	p0 =	seq.s32 s5, $0x0;
	s5 =	sld [smem:$0x3FA9]  }
0x2b: {  	s6 =	sld [smem:$0x3FAA]  }
0x2c: {  	s7 =	sld [smem:$0x3FAB]  }
0x2d: {  	s3 =	simm.s32 $0x108;
	s8 =	sld [smem:$0x3FAC]  }
0x2e: {  	s3 =	simm.s32 @!p0 $0x1082;
	s9 =	sld [smem:$0x3FAD]  }
0x2f: {  	lr =	sadd.s32 s0, s3;
	s0 =	sld [smem:$0x3FA4]  }
0x30: {  	s3 =	sld [smem:$0x3FA7]  }
0x31: {  	[smem:$0x3FB0] =	sst s10  }
0x32: {  	s10 =	sld [smem:$0x3FAE];
	_ =	sdelay $0x3  }
0x33: {  	p0 =	seq.s32 s10, $0x1;
	s10 =	sld [smem:$0x3FB0];
	_ =	sdelay $0x3  }
0x34: {  	[smem:$0x3FB0] =	sst s10  }
0x35: {  	s10 =	sld [smem:$0x3FAF];
	_ =	sdelay $0x3  }
0x36: {  	p1 =	seq.s32 s10, $0x1;
	s10 =	sld [smem:$0x3FB0];
	_ =	sdelay $0x3  }
0x37: {  	[smem:$0x3FB0] =	sst s10  }
0x38: {  	s10 =	sld [smem:$0x3FB1]  }
0x39: {  	_ = 	snop;
	(pc) =	sbr.ind lr, $3  }
0x3a: {  	_ = 	snop  }
0x3b: {  	_ = 	snop  }
0x3c: {  	p2 =	seq.s32 s10, $0x1;
	s10 =	sld [smem:$0x3FB0]  }
0x3d: {  	_ =	shalt  }
0x3e: {  	_ =	shalt  }
0x3f: {  	_ =	shalt  }
0x40: {  	_ =	shalt  }
0x41: {  	_ =	shalt  }
0x42: {  	_ =	shalt  }
0x43: {  	_ =	shalt  }
0x44: {  	_ =	shalt  }
0x45: {  	_ =	shalt  }
0x46: {  	_ =	shalt  }
0x47: {  	_ =	shalt  }
0x48: {  	_ =	shalt  }
0x49: {  	_ =	shalt  }
0x4a: {  	_ =	shalt  }
0x4b: {  	_ =	shalt  }
0x4c: {  	_ =	shalt  }
0x4d: {  	_ =	shalt  }
0x4e: {  	_ =	shalt  }
0x4f: {  	_ =	shalt  }
0x50: {  	_ =	shalt  }
0x51: {  	_ =	shalt  }
0x52: {  	_ =	shalt  }
0x53: {  	_ =	shalt  }
0x54: {  	_ =	shalt  }
0x55: {  	_ =	shalt  }
0x56: {  	_ =	shalt  }
0x57: {  	_ =	shalt  }
0x58: {  	_ =	shalt  }
0x59: {  	_ =	shalt  }
0x5a: {  	_ =	shalt  }
0x5b: {  	_ =	shalt  }
0x5c: {  	_ =	shalt  }
0x5d: {  	_ =	shalt  }
0x5e: {  	_ =	shalt  }
0x5f: {  	_ =	shalt  }
0x60: {  	_ =	shalt  }
0x61: {  	_ =	shalt  }
0x62: {  	_ =	shalt  }
0x63: {  	_ =	shalt  }
0x64: {  	_ =	shalt  }
0x65: {  	_ =	shalt  }
0x66: {  	_ =	shalt  }
0x67: {  	_ =	shalt  }
0x68: {  	_ =	shalt  }
0x69: {  	_ =	shalt  }
0x6a: {  	_ =	shalt  }
0x6b: {  	_ =	shalt  }
0x6c: {  	_ =	shalt  }
0x6d: {  	_ =	shalt  }
0x6e: {  	_ =	shalt  }
0x6f: {  	_ =	shalt  }
0x70: {  	_ =	shalt  }
0x71: {  	_ =	shalt  }
0x72: {  	_ =	shalt  }
0x73: {  	_ =	shalt  }
0x74: {  	_ =	shalt  }
0x75: {  	_ =	shalt  }
0x76: {  	_ =	shalt  }
0x77: {  	_ =	shalt  }
0x78: {  	_ =	shalt  }
0x79: {  	_ =	shalt  }
0x7a: {  	_ =	shalt  }
0x7b: {  	_ =	shalt  }
0x7c: {  	_ =	shalt  }
0x7d: {  	_ =	shalt  }
0x7e: {  	_ =	shalt  }
0x7f: {  	_ =	shalt  }
0x80: {  	_ =	shalt  }
0x81: {  	_ =	shalt  }
0x82: {  	_ =	shalt  }
0x83: {  	_ =	shalt  }
0x84: {  	_ =	shalt  }
0x85: {  	_ =	shalt  }
0x86: {  	_ =	shalt  }
0x87: {  	_ =	shalt  }
.Lfunc_end0:
.L_simem_size_0:
called_computation_lowered:
.L_overlay_start_0:
0x88: {  	s2 =	sld [smem:$0x3FD9]  }
0x89: {  	s3 =	sld [smem:$0x3FFE];
	_ =	sdelay $0x1  }
0x8a: {  	s1 =	srdreg.scid  }
0x8b: {  	s0 =	sand.u32 $0x1, s1  }
0x8c: {  	s14 =	sshll.u32 s0, $0xA;
	s2 =	sadd.s32 s3, s2  }
0x8d: {  	s2 =	sadd.s32 s2, s14  }
0x8e: {  	[smem:$0x3FBC] =	sst s2  }
0x8f: {  	_ = 	snop  }
0x90: {  	s2 =	sld [smem:$0x3FD0];
	_ =	sdelay $0x2  }
0x91: {  	s15 =	simm.s32 $0xA;
	s4 =	simm.s32 $0x10  }
0x92: {  	[smem:s4], [sflag:s15] =	dma.local [hbm:s2], $0x1  }
0x93: {  	_ =	swait.eq [sflag:s15], $0x1  }
0x94: {  	[sflag:s15] =	ssyncset.done $0x0  }
0x95: {  	s16 =	sld [smem:$0x10];
	[sflag:s15] =	ssyncadd.s32 $0xFFFFFFFF  }
0x96: {  	s17 =	sld [smem:$0x11];
	(tm) =	ssettm $0x1  }
0x97: {  	s18 =	sld [smem:$0x3FFB];
	_ =	sdelay $0x3  }
0x98: {  	_ =	strace s18  }
0x99: {  	s4 =	sld [smem:$0x3FFC];
	_ =	sdelay $0x3  }
0x9a: {  	_ =	strace s4  }
0x9b: {  	s4 =	sld [smem:$0x3FFD];
	_ =	sdelay $0x3  }
0x9c: {  	_ =	strace s4  }
0x9d: {  	_ =	strace $0x8FFFFFFF  }
0x9e: {  	s19 =	sld [smem:$0x3FDB];
	_ =	sdelay $0x1  }
0x9f: {  	s5 =	simm.s32 $_scs_section_size  }
0xa0: {  	s6 =	simm.s32 $_size__tile_overlayer_lowered;
	s7 =	simm.s32 $_tile_overlayer_lowered  }
0xa1: {  	s22 =	simm.s32 $0x1BFF;
	s21 =	sshll.u32 s7, $0x1;
	s4 =	sadd.s32 s5, s19  }
0xa2: {  	s8 =	simm.s32 $0x0;
	s20 =	sshll.u32 s6, $0x1;
	s6 =	sadd.s32 s21, s4  }
0xa3: {  	[timem:s8], [sflag:s22] =	dma.local [hbm:s6], s20  }
0xa4: {  	_ =	swait.ge [sflag:s22], s20  }
0xa5: {  	s5 =	ssub.s32 $0x0, s20;
	[sflag:s22] =	ssyncset.done $0x0  }
0xa6: {  	[sflag:s22] =	ssyncadd.s32 s5;
	_ =	sdelay $0x1  }
0xa7: {  	s23 =	simm.s32 $0x1B8B  }
0xa8: {  	_ =	swait.ge [sflag:s23], $0x1  }
0xa9: {  	[sflag:s23] =	ssyncset.done $0x0  }
0xaa: {  	s25 =	simm.s32 $0x1B8E;
	s24 =	sld [smem:$0x3FFE];
	[sflag:s23] =	ssyncadd.s32 $0xFFFFFFFF  }
0xab: {  	s26 =	simm.s32 $execute0_lowered;
	[smem:$0x3FD2] =	sst s25  }
0xac: {  	s6 =	sshll.u32 s26, $0x1;
	_ =	strace $0x80000046;
	[dreg:$0x1] =	wrdreg $0xFFFFFFFF  }
0xad: {  	s28 =	simm.s32 $_size_execute0_lowered;
	s4 =	sadd.s32 s4, s6;
	[dreg:$0x0] =	wrdreg $0x0  }
0xae: {  	s6 =	sshll.u32 s28, $0x1;
	[dreg:$0x2] =	wrdreg s4  }
0xaf: {  	[dreg:$0x3] =	wrdreg s6  }
0xb0: {  	[dreg:$0x4] =	wrdreg $0xC0  }
0xb1: {  	_ =	task [dreg:s8], $0x5FFFF  }
0xb2: {  	[dreg:$0x1] =	wrdreg $0xFFFFFFFF  }
0xb3: {  	[dreg:$0x0] =	wrdreg $0x60  }
0xb4: {  	[dreg:$0x2] =	wrdreg s24  }
0xb5: {  	[dreg:$0x3] =	wrdreg s17  }
0xb6: {  	[dreg:$0x4] =	wrdreg s16  }
0xb7: {  	[dreg:$0x5] =	wrdreg $0x53000  }
0xb8: {  	[dreg:$0x6] =	wrdreg $0x9  }
0xb9: {  	_ =	task.clear_ibuf [dreg:s8], $0x7FFFF;
	_ =	strace $0x90000046  }
0xba: {  	s29 =	simm.s32 $0x9;
	_ =	strace $0x80000048  }
0xbb: {  	_ =	swait.ge [sflag:s29], $0x1  }
0xbc: {  	[sflag:s29] =	ssyncadd.s32 $0xFFFFFFFF  }
0xbd: {  	_ =	strace $0x90000048  }
0xbe: {  	_ =	sfence  }
0xbf: {  	s30 =	sld [smem:$0x0];
	_ =	sdelay $0x2  }
0xc0: {  	s31 =	sshll.u32 s1, $0xD;
	s1 =	sshrl.u32 s1, $0x2  }
0xc1: {  	s3 =	sand.u32 $0x4000, s31;
	s1 =	sadd.s32 s1, s30  }
0xc2: {  	s0 =	sor.u32 s3, s0;
	s1 =	sshll.u32 s1, $0x11  }
0xc3: {  	s0 =	sor.u32 s1, s0  }
0xc4: {  	s0 =	sadd.s32 $0x8F2B, s0  }
0xc5: {  	[sflag:s0] =	ssyncadd.remote.s32 $0x1  }
0xc6: {  	_ =	sfence.sel $0xFFFF  }
0xc7: {  	[dreg:$0x0] =	wrdreg $0xFFFFFFFF;
	(pc) =	sbr.abs _section_cstart, $3  }
0xc8: {  	[dreg:$0x1] =	wrdreg $0xFFFFFFFF  }
0xc9: {  	_ =	task.clear_ibuf [dreg:s8], $0x2FFFF;
	_ =	strace $0x9FFFFFFF  }
0xca: {  	(tm) =	ssettm $0x7FFFFFFF  }
0xcb: {  	_ =	shalt  }
tec
execute0_lowered:
.L_overlay_start_1:
0x0: {  	(tag) =	ssettag $0x1  }
0x1: {  	s4 =	rddreg [dreg:$0x0]  }
0x2: {  	s5 =	rddreg [dreg:$0x1]  }
0x3: {  	s1 =	srdreg.scid;
	s7 =	rddreg [dreg:$0x2]  }
0x4: {  	s0 =	stileid.u32;
	s2 =	rddreg [dreg:$0x3]  }
0x5: {  	s3 =	simm.s32 $0x0;
	s12 =	simm.s32 $0x5000;
	s6 =	sand.u32 $0x1, s1  }
0x6: {  	s28 =	sshll.u32 s0, $0x1;
	s9 =	smul.u32 $0x278, s0;
	[smem:$0x7FF] =	sst s3  }
0x7: {  	s1 =	sor.u32 s6, s28;
	s10 =	ssub.s32 $0x2, s6;
	s6 =	smul.u32 $0x2780, s6  }
0x8: {  	s13 =	simm.s32 $0x0;
	s8 =	smul.u32 $0xA00, s1;
	s1 =	rddreg [dreg:$0x4]  }
0x9: {  	_ =	strace $0x80000047;
	s11 =	sshrl.u32 s10, $0x1;
	s30 =	sshrl.u32 s9, $0x3  }
0xa: {  	s29 =	ssub.s32 s10, s11;
	s6 =	sadd.s32 s9, s6;
	s5 =	sadd.s32 s5, s30  }
0xb: {  	s10 =	simm.s32 $0x5080;
	s11 =	simm.s32 $0x80;
	s4 =	sadd.s32 s8, s4  }
0xc: {  	s31 =	sshrl.u32 s6, $0x3;
	s6 =	sadd.s32 s9, s2;
	s8 =	smax.u32 s29, $0x1  }
0xd: {  	v0 =	vimm.f32 $1.000000000e+00;
	s9 =	simm.s32 $0x1;
	s4 =	sadd.s32 $0x4800, s4;
	s7 =	sadd.s32 s7, s31  }
.LBB2_1:
0xe: {  	[tilespmem:s3], [sflag:$0x1] =	stream.linear.gather [hbm4b:s4+s3], $0x5000, $0x38;
	[tilespmem:$0x5578] =	vst v63  }
0xf: {  	_ =	swait.ge [sflag:s9], $0x5000  }
0x10: {  	[sflag:s9] =	ssyncset.done $0x0  }
0x11: {  	[sflag:s9] =	ssyncadd.s32 $0xFFFFB000  }
0x12: {  	[tilespmem:s10], [sflag:$0x1] =	stream.linear.gather [hbm4b:s5+s3], $0x278, $0x38;
	[tilespmem:$0x5578] =	vst v63  }
0x13: {  	_ =	swait.ge [sflag:s9], $0x278  }
0x14: {  	[sflag:s9] =	ssyncset.done $0x0  }
0x15: {  	[sflag:s9] =	ssyncadd.s32 $0xFFFFFD88  }
0x16: {  	[spmem:s6] =	stream.linear.scatter [tilespmem:s10], [sflag:$0x1], $0x278, $0x38;
	[tilespmem:$0x5578] =	vst v63  }
0x17: {  	_ =	swait.ge [sflag:s9], $0x278  }
0x18: {  	[sflag:s9] =	ssyncset.done $0x0  }
0x19: {  	[sflag:s9] =	ssyncadd.s32 $0xFFFFFD88  }
0x1a: {  	[tilespmem:$0x5000] =	vst v0  }
0x1b: {  	[tilespmem:$0x5010] =	vst v0  }
0x1c: {  	[tilespmem:$0x5020] =	vst v0  }
0x1d: {  	[tilespmem:$0x5030] =	vst v0  }
0x1e: {  	[tilespmem:$0x5040] =	vst v0  }
0x1f: {  	[tilespmem:$0x5050] =	vst v0  }
0x20: {  	[tilespmem:$0x5060] =	vst v0  }
0x21: {  	[tilespmem:$0x5070] =	vst v0  }
0x22: {  	s14 =	simm.s32 $0x80;
	[bflag:$0x0] =	sbarrier.arrive $0xFFFF  }
0x23: {  	[spmem:s2] =	stream.indirect.scatter.add.f32 [tilespmem:s12], [sflag:$0x1], $0x1, s14, s11, $0xb8;
	[tilespmem:$0x5578] =	vst v63  }
0x24: {  	_ =	swait.ge [sflag:s9], $0x80  }
0x25: {  	s14 =	simm.s32 $0x600;
	[sflag:s9] =	ssyncset.done $0x0  }
.LBB2_2:
0x26: {  	s15 =	sshra.s32 s14, $0x2;
	[sflag:s9] =	ssyncadd.s32 $0xFFFFFF80;
	p0 =	sne.s32 s14, $0x13E00  }
0x27: {  	[spmem:s2] =	stream.indirect.scatter.add.f32 [tilespmem:s12], [sflag:$0x1], $0x1, s15, s11, $0xb8;
	[tilespmem:$0x5578] =	vst v63  }
.Ltmp0:
0x28: {  	_ = 	snop;
	(pc) =	sbr.rel @p0 .LBB2_2-.Ltmp0, $4  }
0x29: {  	_ = 	snop  }
0x2a: {  	s14 =	sadd.s32 $0x400, s14  }
0x2b: {  	_ =	swait.ge [sflag:s9], $0x80  }
0x2c: {  	[sflag:s9] =	ssyncset.done $0x0  }
0x2d: {  	[sflag:s9] =	ssyncadd.s32 $0xFFFFFF80  }
0x2e: {  	[bflag:$0x0] =	sbarrier.arrive $0xFFFF  }
0x2f: {  	[tilespmem:s10], [sflag:$0x1] =	stream.linear.gather [spmem:s6], $0x278, $0x38;
	[tilespmem:$0x5578] =	vst v63  }
0x30: {  	s13 =	sadd.s32 $0x1, s13;
	_ =	swait.ge [sflag:s9], $0x278  }
0x31: {  	p0 =	sne.s32 s13, s8;
	[sflag:s9] =	ssyncset.done $0x0  }
.Ltmp1:
0x32: {  	[sflag:s9] =	ssyncadd.s32 $0xFFFFFD88;
	(pc) =	sbr.rel @p0 .LBB2_1-.Ltmp1, $4  }
0x33: {  	[hbm4b:s7+s3] =	stream.linear.scatter [tilespmem:s10], [sflag:$0x1], $0x278, $0x38;
	[tilespmem:$0x5578] =	vst v63  }
0x34: {  	_ =	swait.ge [sflag:s9], $0x278  }
0x35: {  	[sflag:s9] =	ssyncset.done $0x0  }
0x36: {  	[sflag:s9] =	ssyncadd.s32 $0xFFFFFD88  }
0x37: {  	_ =	sfence.sel $0x180000  }
0x38: {  	[bflag:$0x0] =	sbarrier.arrive $0xFFFF  }
0x39: {  	p0 =	sne.s32 s0, $0x0;
	_ =	strace $0x90000047  }
0x3a: {  	s0 =	sadd.s32 @!p0 $0x100000, s1;
	[bflag:$0x2] =	sbarrier.arrive $0xFFFF  }
0x3b: {  	[sflag:s0] =	ssyncadd.tile.s32 @!p0 $0x1;
	_ =	shalt  }
.Lfunc_end2:
_tile_overlayer_lowered:
.L_overlay_start_2:
0x3c: {  	(tag) =	ssettag $0x2  }
0x3d: {  	s0 =	rddreg [dreg:$0x0];
	s2 =	stileid.u32  }
0x3e: {  	s1 =	rddreg [dreg:$0x1];
	p0 =	sne.s32 s2, $0x0  }
0x3f: {  	s3 =	rddreg [dreg:$0x2];
	[bflag:$0x3] =	sbarrier.arrive $0xFFFF;
	s2 =	simm.s32 @!p0 $0x1C01  }
0x40: {  	[timem:s3], [sflag:s2] =	dma.local @!p0 [hbm:s0], s1  }
0x41: {  	s0 =	simm.s32 @!p0 $0x1  }
0x42: {  	_ =	swait.ge @!p0 [sflag:s0], s1  }
0x43: {  	s1 =	ssub.s32 @!p0 $0x0, s1;
	[sflag:s0] =	ssyncset.done @!p0 $0x0  }
0x44: {  	[sflag:s0] =	ssyncadd.s32 @!p0 s1  }
0x45: {  	[bflag:$0x3] =	sbarrier.arrive $0xFFFF  }
0x46: {  	_ =	shalt  }

// kernel: kernel.13.cloned.1.call-start
scs
__scs_entry_jumppad:
0x0: {  	(pc) =	sbr.rel $0x88, $3  }
0x1: {  	(tag) =	ssettag $0x0;
	lr =	simm.s32 $0x1  }
0x2: {  	[smem:$0x3F95] =	sst lr;
	_ =	strace $0xD0000000  }
0x3: {  	_ = 	snop  }
0x4: {  	_ = 	snop  }
0x5: {  	_ = 	snop  }
0x6: {  	_ = 	snop  }
0x7: {  	_ = 	snop  }
__scs_overlays_trampoline_lowered:
0x8: {  	[smem:$0x3FA4] =	sst s0  }
0x9: {  	[smem:$0x3FA5] =	sst s1  }
0xa: {  	[smem:$0x3FA6] =	sst s2  }
0xb: {  	[smem:$0x3FA7] =	sst s3  }
0xc: {  	[smem:$0x3FA8] =	sst s4  }
0xd: {  	[smem:$0x3FA9] =	sst s5  }
0xe: {  	[smem:$0x3FAA] =	sst s6  }
0xf: {  	[smem:$0x3FAB] =	sst s7  }
0x10: {  	[smem:$0x3FAC] =	sst s8  }
0x11: {  	[smem:$0x3FAD] =	sst s9;
	s0 =	simm.s32 @!p0 $0x0  }
0x12: {  	s1 =	sld [smem:$0x3F93];
	s0 =	simm.s32 @p0 $0x1  }
0x13: {  	[smem:$0x3FAE] =	sst s0;
	s0 =	simm.s32 @!p1 $0x0  }
0x14: {  	s2 =	sld [smem:$0x3F92];
	s0 =	simm.s32 @p1 $0x1  }
0x15: {  	[smem:$0x3FAF] =	sst s0;
	s0 =	simm.s32 @!p2 $0x0  }
0x16: {  	s3 =	sld [smem:$0x3FDB];
	s0 =	simm.s32 @p2 $0x1  }
0x17: {  	s4 =	simm.s32 $0x1BF5;
	[smem:$0x3FB1] =	sst s0  }
0x18: {  	s0 =	sld [smem:$0x3F94];
	_ =	swait.ge [sflag:s4], $0x0  }
0x19: {  	s7 =	sld [smem:$0x3F95]  }
0x1a: {  	s8 =	sadd.s32 $0xFFFFE003, lr  }
0x1b: {  	s9 =	sadd.s32 $0xFFFFFEF7, lr;
	s5 =	simm.s32 $0xFFFFFFFF;
	p2 =	slt.u32 s8, $0xFFFFF086  }
0x1c: {  	p1 =	slt.u32 s9, $0xF7A;
	s5 =	simm.s32 @!p2 $0x0  }
0x1d: {  	s5 =	simm.s32 @p1 $0x1;
	p0 =	seq.s32 s7, s2  }
0x1e: {  	s7 =	smul.u32 @!p0 $0xF7A, s2;
	p2 =	seq.s32 @!p0 s5, $0x0  }
0x1f: {  	s9 =	smul.u32 $0xF7A, s1;
	s8 =	simm.s32 @!p0 $0x1BF5;
	p2 =	por !p2, p0  }
0x20: {  	[sflag:s8] =	ssyncset.s32 @!p0 $0xFFFFF086;
	s6 =	sadd.s32 @!p0 s3, s7;
	s7 =	simm.s32 @!p0 $0x108  }
0x21: {  	s3 =	sadd.s32 s3, s9;
	s6 =	sadd.s32 @!p0 $0x88, s6;
	s7 =	simm.s32 @p2 $0x1082  }
0x22: {  	[simem:s7], [sflag:s8] =	dma.local @!p0 [hbm:s6], $0xF7A  }
0x23: {  	s9 =	sor.u32 $0xD0000000, s2;
	s6 =	simm.s32 $0x108;
	_ =	swait.ge @!p0 [sflag:s8], $0x0  }
0x24: {  	s3 =	sadd.s32 $0x88, s3;
	s6 =	simm.s32 @!p1 $0x1082;
	[sflag:s4] =	ssyncset.s32 $0xFFFFF086  }
0x25: {  	[simem:s6], [sflag:s4] =	dma.local [hbm:s3], $0xF7A  }
0x26: {  	[smem:$0x3F95] =	sst s1;
	(tag) =	ssettag s2;
	_ =	strace s9  }
0x27: {  	s1 =	sld [smem:$0x3FA5]  }
0x28: {  	s2 =	sld [smem:$0x3FA6]  }
0x29: {  	s4 =	sld [smem:$0x3FA8]  }
0x2a: {  	p0 =	seq.s32 s5, $0x0;
	s5 =	sld [smem:$0x3FA9]  }
0x2b: {  	s6 =	sld [smem:$0x3FAA]  }
0x2c: {  	s7 =	sld [smem:$0x3FAB]  }
0x2d: {  	s3 =	simm.s32 $0x108;
	s8 =	sld [smem:$0x3FAC]  }
0x2e: {  	s3 =	simm.s32 @!p0 $0x1082;
	s9 =	sld [smem:$0x3FAD]  }
0x2f: {  	lr =	sadd.s32 s0, s3;
	s0 =	sld [smem:$0x3FA4]  }
0x30: {  	s3 =	sld [smem:$0x3FA7]  }
0x31: {  	[smem:$0x3FB0] =	sst s10  }
0x32: {  	s10 =	sld [smem:$0x3FAE];
	_ =	sdelay $0x3  }
0x33: {  	p0 =	seq.s32 s10, $0x1;
	s10 =	sld [smem:$0x3FB0];
	_ =	sdelay $0x3  }
0x34: {  	[smem:$0x3FB0] =	sst s10  }
0x35: {  	s10 =	sld [smem:$0x3FAF];
	_ =	sdelay $0x3  }
0x36: {  	p1 =	seq.s32 s10, $0x1;
	s10 =	sld [smem:$0x3FB0];
	_ =	sdelay $0x3  }
0x37: {  	[smem:$0x3FB0] =	sst s10  }
0x38: {  	s10 =	sld [smem:$0x3FB1]  }
0x39: {  	_ = 	snop;
	(pc) =	sbr.ind lr, $3  }
0x3a: {  	_ = 	snop  }
0x3b: {  	_ = 	snop  }
0x3c: {  	p2 =	seq.s32 s10, $0x1;
	s10 =	sld [smem:$0x3FB0]  }
0x3d: {  	_ =	shalt  }
0x3e: {  	_ =	shalt  }
0x3f: {  	_ =	shalt  }
0x40: {  	_ =	shalt  }
0x41: {  	_ =	shalt  }
0x42: {  	_ =	shalt  }
0x43: {  	_ =	shalt  }
0x44: {  	_ =	shalt  }
0x45: {  	_ =	shalt  }
0x46: {  	_ =	shalt  }
0x47: {  	_ =	shalt  }
0x48: {  	_ =	shalt  }
0x49: {  	_ =	shalt  }
0x4a: {  	_ =	shalt  }
0x4b: {  	_ =	shalt  }
0x4c: {  	_ =	shalt  }
0x4d: {  	_ =	shalt  }
0x4e: {  	_ =	shalt  }
0x4f: {  	_ =	shalt  }
0x50: {  	_ =	shalt  }
0x51: {  	_ =	shalt  }
0x52: {  	_ =	shalt  }
0x53: {  	_ =	shalt  }
0x54: {  	_ =	shalt  }
0x55: {  	_ =	shalt  }
0x56: {  	_ =	shalt  }
0x57: {  	_ =	shalt  }
0x58: {  	_ =	shalt  }
0x59: {  	_ =	shalt  }
0x5a: {  	_ =	shalt  }
0x5b: {  	_ =	shalt  }
0x5c: {  	_ =	shalt  }
0x5d: {  	_ =	shalt  }
0x5e: {  	_ =	shalt  }
0x5f: {  	_ =	shalt  }
0x60: {  	_ =	shalt  }
0x61: {  	_ =	shalt  }
0x62: {  	_ =	shalt  }
0x63: {  	_ =	shalt  }
0x64: {  	_ =	shalt  }
0x65: {  	_ =	shalt  }
0x66: {  	_ =	shalt  }
0x67: {  	_ =	shalt  }
0x68: {  	_ =	shalt  }
0x69: {  	_ =	shalt  }
0x6a: {  	_ =	shalt  }
0x6b: {  	_ =	shalt  }
0x6c: {  	_ =	shalt  }
0x6d: {  	_ =	shalt  }
0x6e: {  	_ =	shalt  }
0x6f: {  	_ =	shalt  }
0x70: {  	_ =	shalt  }
0x71: {  	_ =	shalt  }
0x72: {  	_ =	shalt  }
0x73: {  	_ =	shalt  }
0x74: {  	_ =	shalt  }
0x75: {  	_ =	shalt  }
0x76: {  	_ =	shalt  }
0x77: {  	_ =	shalt  }
0x78: {  	_ =	shalt  }
0x79: {  	_ =	shalt  }
0x7a: {  	_ =	shalt  }
0x7b: {  	_ =	shalt  }
0x7c: {  	_ =	shalt  }
0x7d: {  	_ =	shalt  }
0x7e: {  	_ =	shalt  }
0x7f: {  	_ =	shalt  }
0x80: {  	_ =	shalt  }
0x81: {  	_ =	shalt  }
0x82: {  	_ =	shalt  }
0x83: {  	_ =	shalt  }
0x84: {  	_ =	shalt  }
0x85: {  	_ =	shalt  }
0x86: {  	_ =	shalt  }
0x87: {  	_ =	shalt  }
.Lfunc_end0:
.L_simem_size_0:
called_computation.1_lowered:
.L_overlay_start_0:
0x88: {  	s2 =	sld [smem:$0x3FD9]  }
0x89: {  	s3 =	sld [smem:$0x3FFE];
	_ =	sdelay $0x1  }
0x8a: {  	s1 =	srdreg.scid  }
0x8b: {  	s0 =	sand.u32 $0x1, s1  }
0x8c: {  	s16 =	sshll.u32 s0, $0xA;
	s2 =	sadd.s32 s3, s2  }
0x8d: {  	s2 =	sadd.s32 s2, s16  }
0x8e: {  	[smem:$0x3FBC] =	sst s2  }
0x8f: {  	_ = 	snop  }
0x90: {  	(tm) =	ssettm $0x1  }
0x91: {  	s17 =	sld [smem:$0x3FFB];
	_ =	sdelay $0x3  }
0x92: {  	_ =	strace s17  }
0x93: {  	s2 =	sld [smem:$0x3FFC];
	_ =	sdelay $0x3  }
0x94: {  	_ =	strace s2  }
0x95: {  	s2 =	sld [smem:$0x3FFD];
	_ =	sdelay $0x3  }
0x96: {  	_ =	strace s2  }
0x97: {  	_ =	strace $0x8FFFFFFF  }
0x98: {  	s18 =	sld [smem:$0x3FDB];
	_ =	sdelay $0x1  }
0x99: {  	s19 =	simm.s32 $_scs_section_size  }
0x9a: {  	s4 =	simm.s32 $_size__tile_overlayer_lowered;
	s5 =	simm.s32 $_tile_overlayer_lowered  }
0x9b: {  	s22 =	simm.s32 $0x1BFF;
	s21 =	sshll.u32 s5, $0x1;
	s2 =	sadd.s32 s19, s18  }
0x9c: {  	s6 =	simm.s32 $0x0;
	s20 =	sshll.u32 s4, $0x1;
	s4 =	sadd.s32 s21, s2  }
0x9d: {  	[timem:s6], [sflag:s22] =	dma.local [hbm:s4], s20  }
0x9e: {  	_ =	swait.ge [sflag:s22], s20  }
0x9f: {  	s3 =	ssub.s32 $0x0, s20;
	[sflag:s22] =	ssyncset.done $0x0  }
0xa0: {  	[sflag:s22] =	ssyncadd.s32 s3;
	_ =	sdelay $0x1  }
0xa1: {  	s23 =	simm.s32 $0x1B8B  }
0xa2: {  	_ =	swait.ge [sflag:s23], $0x1  }
0xa3: {  	[sflag:s23] =	ssyncset.done $0x0  }
0xa4: {  	s25 =	simm.s32 $0x1B8E;
	s24 =	sld [smem:$0x3FFE];
	[sflag:s23] =	ssyncadd.s32 $0xFFFFFFFF  }
0xa5: {  	s26 =	simm.s32 $execute0_lowered;
	[smem:$0x3FD2] =	sst s25  }
0xa6: {  	s4 =	sshll.u32 s26, $0x1;
	_ =	strace $0x80000049;
	[dreg:$0x1] =	wrdreg $0xFFFFFFFF  }
0xa7: {  	s28 =	simm.s32 $_size_execute0_lowered;
	s2 =	sadd.s32 s2, s4;
	[dreg:$0x0] =	wrdreg $0x0  }
0xa8: {  	s4 =	sshll.u32 s28, $0x1;
	[dreg:$0x2] =	wrdreg s2  }
0xa9: {  	[dreg:$0x3] =	wrdreg s4  }
0xaa: {  	[dreg:$0x4] =	wrdreg $0xC0  }
0xab: {  	_ =	task [dreg:s6], $0x5FFFF  }
0xac: {  	[dreg:$0x1] =	wrdreg $0xFFFFFFFF  }
0xad: {  	[dreg:$0x0] =	wrdreg $0x60  }
0xae: {  	[dreg:$0x2] =	wrdreg s24  }
0xaf: {  	[dreg:$0x3] =	wrdreg $0xA8000  }
0xb0: {  	[dreg:$0x4] =	wrdreg $0x9  }
0xb1: {  	_ =	task.clear_ibuf [dreg:s6], $0x5FFFF;
	_ =	strace $0x90000049  }
0xb2: {  	s29 =	simm.s32 $0x9;
	_ =	strace $0x8000004B  }
0xb3: {  	_ =	swait.ge [sflag:s29], $0x1  }
0xb4: {  	[sflag:s29] =	ssyncadd.s32 $0xFFFFFFFF  }
0xb5: {  	_ =	strace $0x9000004B  }
0xb6: {  	_ =	sfence  }
0xb7: {  	s30 =	sld [smem:$0x0];
	_ =	sdelay $0x2  }
0xb8: {  	s31 =	sshll.u32 s1, $0xD;
	s1 =	sshrl.u32 s1, $0x2  }
0xb9: {  	s3 =	sand.u32 $0x4000, s31;
	s1 =	sadd.s32 s1, s30  }
0xba: {  	s0 =	sor.u32 s3, s0;
	s1 =	sshll.u32 s1, $0x11  }
0xbb: {  	s0 =	sor.u32 s1, s0  }
0xbc: {  	s0 =	sadd.s32 $0x8F2B, s0  }
0xbd: {  	[sflag:s0] =	ssyncadd.remote.s32 $0x1  }
0xbe: {  	_ =	sfence.sel $0xFFFF  }
0xbf: {  	[dreg:$0x0] =	wrdreg $0xFFFFFFFF;
	(pc) =	sbr.abs _section_cstart, $3  }
0xc0: {  	[dreg:$0x1] =	wrdreg $0xFFFFFFFF  }
0xc1: {  	_ =	task.clear_ibuf [dreg:s6], $0x2FFFF;
	_ =	strace $0x9FFFFFFF  }
0xc2: {  	(tm) =	ssettm $0x7FFFFFFF  }
0xc3: {  	_ =	shalt  }
tec
execute0_lowered:
.L_overlay_start_1:
0x0: {  	(tag) =	ssettag $0x1  }
0x1: {  	s5 =	rddreg [dreg:$0x0]  }
0x2: {  	s2 =	rddreg [dreg:$0x1]  }
0x3: {  	s0 =	rddreg [dreg:$0x2];
	s3 =	simm.s32 $0x0  }
0x4: {  	s1 =	stileid.u32;
	s4 =	srdreg.scid;
	s16 =	simm.s32 $0x6800  }
0x5: {  	s17 =	simm.s32 $0x2;
	s18 =	simm.s32 $0x2700;
	s19 =	simm.s32 $0x2680  }
0x6: {  	s20 =	simm.s32 $0x2780;
	s21 =	simm.s32 $0x0;
	[smem:$0x7FF] =	sst s3  }
0x7: {  	s6 =	smul.u32 $0x2780, s1;
	s7 =	sand.u32 $0x1, s4;
	s25 =	sshll.u32 s1, $0x1  }
0x8: {  	s4 =	sadd.s32 $0x18800, s5;
	s10 =	sadd.s32 $0x4800, s5;
	s13 =	smul.u32 $0x4F000, s1  }
0x9: {  	s31 =	sshll.u32 s1, $0x6;
	s8 =	smul.u32 $0x27800, s7;
	s9 =	sor.u32 s7, s25  }
0xa: {  	_ =	strace $0x8000004A;
	s7 =	ssub.s32 $0x2, s7;
	s11 =	smul.u32 $0xA00, s9  }
0xb: {  	s12 =	sadd.s32 s6, s5;
	s9 =	smul.u32 $0x5000, s9;
	s26 =	sshrl.u32 s7, $0x1  }
0xc: {  	s29 =	sshrl.u32 s13, $0x2;
	s6 =	sadd.s32 s6, s8;
	s15 =	ssub.s32 s7, s26  }
0xd: {  	s13 =	sadd.s32 s29, s2;
	s14 =	sadd.s32 s6, s5;
	s28 =	sshrl.u32 s9, $0x3  }
0xe: {  	s5 =	sadd.s32 s10, s11;
	s6 =	sadd.s32 $0x66C00, s12;
	s9 =	smax.u32 s15, $0x1  }
0xf: {  	s11 =	sor.u32 $0x1C03, s31;
	s12 =	sshrl.u32 s13, $0x3;
	s13 =	simm.s32 $0x80  }
0x10: {  	s15 =	simm.s32 $0x1;
	s30 =	sadd.s32 s10, s28;
	s8 =	sadd.s32 $0x8E400, s14  }
0x11: {  	s10 =	simm.s32 $0x3;
	s14 =	simm.s32 $0x2800;
	s7 =	sadd.s32 $0x500, s30  }
.LBB2_1:
0x12: {  	[tilespmem:s3], [sflag:$0x3] =	stream.linear.gather [hbm4b:s5+s3], $0x2800, $0x38;
	[tilespmem:$0x1E400] =	vst v63  }
0x13: {  	_ =	swait.ge [sflag:s10], $0x2800  }
0x14: {  	[sflag:s10] =	ssyncset.done $0x0  }
0x15: {  	[sflag:s10] =	ssyncadd.s32 $0xFFFFD800  }
0x16: {  	[spmem:s12], [sflag:s11] =	dma.local [hbm:s6], $0x2780  }
0x17: {  	_ =	swait.ge [sflag:s10], $0x2780  }
0x18: {  	[sflag:s10] =	ssyncset.done $0x0  }
0x19: {  	[sflag:s10] =	ssyncadd.s32 $0xFFFFD880  }
0x1a: {  	[bflag:$0x0] =	sbarrier.arrive $0xFFFF  }
0x1b: {  	[tilespmem:s14], [sflag:$0x1] =	stream.indirect.gather [hbm4b:s4+s13], $0x80, s3, s13, $0xb8;
	[tilespmem:$0x1E400] =	vst v63  }
0x1c: {  	_ =	swait.ge [sflag:s15], $0x4000  }
0x1d: {  	[sflag:s15] =	ssyncset.done $0x0  }
0x1e: {  	s22 =	simm.s32 $0x100;
	[sflag:s15] =	ssyncadd.s32 $0xFFFFC000  }
0x1f: {  	[tilespmem:s16], [sflag:$0x2] =	stream.indirect.gather [hbm4b:s4+s13], $0x80, s22, s13, $0xb8;
	[tilespmem:$0x1E400] =	vst v63  }
0x20: {  	s29 =	simm.s32 $0x80  }
0x21: {  	[spmem:s2] =	stream.indirect.scatter.add.f32 [tilespmem:s14], [sflag:$0x3], $0x80, s29, s13, $0xb8;
	[tilespmem:$0x1E400] =	vst v63  }
0x22: {  	_ =	swait.ge [sflag:s10], $0x4000  }
0x23: {  	[sflag:s10] =	ssyncset.done $0x0  }
0x24: {  	[sflag:s10] =	ssyncadd.s32 $0xFFFFC000  }
0x25: {  	_ =	swait.ge [sflag:s17], $0x4000  }
0x26: {  	[sflag:s17] =	ssyncset.done $0x0  }
0x27: {  	s30 =	simm.s32 $0x200;
	[sflag:s17] =	ssyncadd.s32 $0xFFFFC000  }
0x28: {  	[tilespmem:s14], [sflag:$0x1] =	stream.indirect.gather [hbm4b:s4+s13], $0x80, s30, s13, $0xb8;
	[tilespmem:$0x1E400] =	vst v63  }
0x29: {  	s31 =	simm.s32 $0x180  }
0x2a: {  	[spmem:s2] =	stream.indirect.scatter.add.f32 [tilespmem:s16], [sflag:$0x3], $0x80, s31, s13, $0xb8;
	[tilespmem:$0x1E400] =	vst v63  }
0x2b: {  	_ =	swait.ge [sflag:s10], $0x4000  }
0x2c: {  	s22 =	simm.s32 $0xFFFF7000;
	[sflag:s10] =	ssyncset.done $0x0  }
.LBB2_2:
0x2d: {  	p0 =	sne.s32 s22, $0xFFFFF800  }
0x2e: {  	[sflag:s10] =	ssyncadd.s32 $0xFFFFC000;
	s23 =	smov.u32 s22;
	s22 =	sadd.s32 $0x800, s22  }
0x2f: {  	_ = 	snop  }
0x30: {  	_ =	swait.ge [sflag:s15], $0x4000  }
0x31: {  	s23 =	sshra.s32 s23, $0x2;
	[sflag:s15] =	ssyncset.done $0x0  }
0x32: {  	s24 =	sadd.s32 $0x2700, s23;
	[sflag:s15] =	ssyncadd.s32 $0xFFFFC000  }
0x33: {  	[tilespmem:s16], [sflag:$0x2] =	stream.indirect.gather [hbm4b:s4+s13], $0x80, s24, s13, $0xb8;
	[tilespmem:$0x1E400] =	vst v63  }
0x34: {  	s24 =	sadd.s32 $0x2680, s23  }
0x35: {  	[spmem:s2] =	stream.indirect.scatter.add.f32 [tilespmem:s14], [sflag:$0x3], $0x80, s24, s13, $0xb8;
	[tilespmem:$0x1E400] =	vst v63  }
0x36: {  	_ =	swait.ge [sflag:s10], $0x4000  }
0x37: {  	[sflag:s10] =	ssyncset.done $0x0  }
0x38: {  	[sflag:s10] =	ssyncadd.s32 $0xFFFFC000  }
0x39: {  	_ =	swait.ge [sflag:s17], $0x4000  }
0x3a: {  	[sflag:s17] =	ssyncset.done $0x0  }
0x3b: {  	s24 =	sadd.s32 $0x2800, s23;
	[sflag:s17] =	ssyncadd.s32 $0xFFFFC000  }
0x3c: {  	[tilespmem:s14], [sflag:$0x1] =	stream.indirect.gather [hbm4b:s4+s13], $0x80, s24, s13, $0xb8;
	[tilespmem:$0x1E400] =	vst v63  }
.Ltmp0:
0x3d: {  	_ = 	snop;
	(pc) =	sbr.rel @p0 .LBB2_2-.Ltmp0, $4  }
0x3e: {  	s23 =	sadd.s32 $0x2780, s23  }
0x3f: {  	[spmem:s2] =	stream.indirect.scatter.add.f32 [tilespmem:s16], [sflag:$0x3], $0x80, s23, s13, $0xb8;
	[tilespmem:$0x1E400] =	vst v63  }
0x40: {  	_ =	swait.ge [sflag:s10], $0x4000  }
0x41: {  	[sflag:s10] =	ssyncset.done $0x0  }
0x42: {  	[sflag:s10] =	ssyncadd.s32 $0xFFFFC000  }
0x43: {  	_ =	swait.ge [sflag:s15], $0x4000  }
0x44: {  	[sflag:s15] =	ssyncset.done $0x0  }
0x45: {  	[sflag:s15] =	ssyncadd.s32 $0xFFFFC000  }
0x46: {  	[tilespmem:s16], [sflag:$0x2] =	stream.indirect.gather [hbm4b:s4+s13], $0x80, s18, s13, $0xb8;
	[tilespmem:$0x1E400] =	vst v63  }
0x47: {  	_ = 	snop  }
0x48: {  	[spmem:s2] =	stream.indirect.scatter.add.f32 [tilespmem:s14], [sflag:$0x3], $0x80, s19, s13, $0xb8;
	[tilespmem:$0x1E400] =	vst v63  }
0x49: {  	_ =	swait.ge [sflag:s10], $0x4000  }
0x4a: {  	[sflag:s10] =	ssyncset.done $0x0  }
0x4b: {  	[sflag:s10] =	ssyncadd.s32 $0xFFFFC000  }
0x4c: {  	_ =	swait.ge [sflag:s17], $0x4000  }
0x4d: {  	[sflag:s17] =	ssyncset.done $0x0  }
0x4e: {  	[sflag:s17] =	ssyncadd.s32 $0xFFFFC000  }
0x4f: {  	[spmem:s2] =	stream.indirect.scatter.add.f32 [tilespmem:s16], [sflag:$0x3], $0x80, s20, s13, $0xb8;
	[tilespmem:$0x1E400] =	vst v63  }
0x50: {  	_ =	swait.ge [sflag:s10], $0x4000  }
0x51: {  	[sflag:s10] =	ssyncset.done $0x0  }
0x52: {  	[sflag:s10] =	ssyncadd.s32 $0xFFFFC000  }
0x53: {  	[tilespmem:s3], [sflag:$0x3] =	stream.linear.gather [hbm4b:s7+s3], $0x2800, $0x38;
	[tilespmem:$0x1E400] =	vst v63  }
0x54: {  	_ =	swait.ge [sflag:s10], $0x2800  }
0x55: {  	[sflag:s10] =	ssyncset.done $0x0  }
0x56: {  	[sflag:s10] =	ssyncadd.s32 $0xFFFFD800  }
0x57: {  	[tilespmem:s14], [sflag:$0x1] =	stream.indirect.gather [hbm4b:s4+s13], $0x80, s3, s13, $0xb8;
	[tilespmem:$0x1E400] =	vst v63  }
0x58: {  	_ =	swait.ge [sflag:s15], $0x4000  }
0x59: {  	[sflag:s15] =	ssyncset.done $0x0  }
0x5a: {  	s22 =	simm.s32 $0x100;
	[sflag:s15] =	ssyncadd.s32 $0xFFFFC000  }
0x5b: {  	[tilespmem:s16], [sflag:$0x2] =	stream.indirect.gather [hbm4b:s4+s13], $0x80, s22, s13, $0xb8;
	[tilespmem:$0x1E400] =	vst v63  }
0x5c: {  	s29 =	simm.s32 $0x80  }
0x5d: {  	[spmem:s2] =	stream.indirect.scatter.add.f32 [tilespmem:s14], [sflag:$0x3], $0x80, s29, s13, $0xb8;
	[tilespmem:$0x1E400] =	vst v63  }
0x5e: {  	_ =	swait.ge [sflag:s10], $0x4000  }
0x5f: {  	[sflag:s10] =	ssyncset.done $0x0  }
0x60: {  	[sflag:s10] =	ssyncadd.s32 $0xFFFFC000  }
0x61: {  	_ =	swait.ge [sflag:s17], $0x4000  }
0x62: {  	[sflag:s17] =	ssyncset.done $0x0  }
0x63: {  	s30 =	simm.s32 $0x200;
	[sflag:s17] =	ssyncadd.s32 $0xFFFFC000  }
0x64: {  	[tilespmem:s14], [sflag:$0x1] =	stream.indirect.gather [hbm4b:s4+s13], $0x80, s30, s13, $0xb8;
	[tilespmem:$0x1E400] =	vst v63  }
0x65: {  	s31 =	simm.s32 $0x180  }
0x66: {  	[spmem:s2] =	stream.indirect.scatter.add.f32 [tilespmem:s16], [sflag:$0x3], $0x80, s31, s13, $0xb8;
	[tilespmem:$0x1E400] =	vst v63  }
0x67: {  	_ =	swait.ge [sflag:s10], $0x4000  }
0x68: {  	s22 =	simm.s32 $0xFFFF7000;
	[sflag:s10] =	ssyncset.done $0x0  }
.LBB2_4:
0x69: {  	p0 =	sne.s32 s22, $0xFFFFF800  }
0x6a: {  	[sflag:s10] =	ssyncadd.s32 $0xFFFFC000;
	s23 =	smov.u32 s22;
	s22 =	sadd.s32 $0x800, s22  }
0x6b: {  	_ = 	snop  }
0x6c: {  	_ =	swait.ge [sflag:s15], $0x4000  }
0x6d: {  	s23 =	sshra.s32 s23, $0x2;
	[sflag:s15] =	ssyncset.done $0x0  }
0x6e: {  	s24 =	sadd.s32 $0x2700, s23;
	[sflag:s15] =	ssyncadd.s32 $0xFFFFC000  }
0x6f: {  	[tilespmem:s16], [sflag:$0x2] =	stream.indirect.gather [hbm4b:s4+s13], $0x80, s24, s13, $0xb8;
	[tilespmem:$0x1E400] =	vst v63  }
0x70: {  	s24 =	sadd.s32 $0x2680, s23  }
0x71: {  	[spmem:s2] =	stream.indirect.scatter.add.f32 [tilespmem:s14], [sflag:$0x3], $0x80, s24, s13, $0xb8;
	[tilespmem:$0x1E400] =	vst v63  }
0x72: {  	_ =	swait.ge [sflag:s10], $0x4000  }
0x73: {  	[sflag:s10] =	ssyncset.done $0x0  }
0x74: {  	[sflag:s10] =	ssyncadd.s32 $0xFFFFC000  }
0x75: {  	_ =	swait.ge [sflag:s17], $0x4000  }
0x76: {  	[sflag:s17] =	ssyncset.done $0x0  }
0x77: {  	s24 =	sadd.s32 $0x2800, s23;
	[sflag:s17] =	ssyncadd.s32 $0xFFFFC000  }
0x78: {  	[tilespmem:s14], [sflag:$0x1] =	stream.indirect.gather [hbm4b:s4+s13], $0x80, s24, s13, $0xb8;
	[tilespmem:$0x1E400] =	vst v63  }
.Ltmp1:
0x79: {  	_ = 	snop;
	(pc) =	sbr.rel @p0 .LBB2_4-.Ltmp1, $4  }
0x7a: {  	s23 =	sadd.s32 $0x2780, s23  }
0x7b: {  	[spmem:s2] =	stream.indirect.scatter.add.f32 [tilespmem:s16], [sflag:$0x3], $0x80, s23, s13, $0xb8;
	[tilespmem:$0x1E400] =	vst v63  }
0x7c: {  	_ =	swait.ge [sflag:s10], $0x4000  }
0x7d: {  	[sflag:s10] =	ssyncset.done $0x0  }
0x7e: {  	[sflag:s10] =	ssyncadd.s32 $0xFFFFC000  }
0x7f: {  	_ =	swait.ge [sflag:s15], $0x4000  }
0x80: {  	[sflag:s15] =	ssyncset.done $0x0  }
0x81: {  	[sflag:s15] =	ssyncadd.s32 $0xFFFFC000  }
0x82: {  	[tilespmem:s16], [sflag:$0x2] =	stream.indirect.gather [hbm4b:s4+s13], $0x80, s18, s13, $0xb8;
	[tilespmem:$0x1E400] =	vst v63  }
0x83: {  	_ = 	snop  }
0x84: {  	[spmem:s2] =	stream.indirect.scatter.add.f32 [tilespmem:s14], [sflag:$0x3], $0x80, s19, s13, $0xb8;
	[tilespmem:$0x1E400] =	vst v63  }
0x85: {  	_ =	swait.ge [sflag:s10], $0x4000  }
0x86: {  	[sflag:s10] =	ssyncset.done $0x0  }
0x87: {  	[sflag:s10] =	ssyncadd.s32 $0xFFFFC000  }
0x88: {  	_ =	swait.ge [sflag:s17], $0x4000  }
0x89: {  	[sflag:s17] =	ssyncset.done $0x0  }
0x8a: {  	[sflag:s17] =	ssyncadd.s32 $0xFFFFC000  }
0x8b: {  	[spmem:s2] =	stream.indirect.scatter.add.f32 [tilespmem:s16], [sflag:$0x3], $0x80, s20, s13, $0xb8;
	[tilespmem:$0x1E400] =	vst v63  }
0x8c: {  	_ =	swait.ge [sflag:s10], $0x4000  }
0x8d: {  	s21 =	sadd.s32 $0x1, s21;
	[sflag:s10] =	ssyncset.done $0x0  }
0x8e: {  	p0 =	sne.s32 s21, s9;
	[sflag:s10] =	ssyncadd.s32 $0xFFFFC000  }
.Ltmp2:
0x8f: {  	[bflag:$0x0] =	sbarrier.arrive $0xFFFF;
	(pc) =	sbr.rel @p0 .LBB2_1-.Ltmp2, $4  }
0x90: {  	[hbm:s8], [sflag:s11] =	dma.local [spmem:s12], $0x2780  }
0x91: {  	_ =	swait.ge [sflag:s10], $0x2780  }
0x92: {  	[sflag:s10] =	ssyncset.done $0x0  }
0x93: {  	[sflag:s10] =	ssyncadd.s32 $0xFFFFD880  }
0x94: {  	_ =	sfence.sel $0x180000  }
0x95: {  	[bflag:$0x0] =	sbarrier.arrive $0xFFFF  }
0x96: {  	p0 =	sne.s32 s1, $0x0;
	_ =	strace $0x9000004A  }
0x97: {  	s0 =	sadd.s32 @!p0 $0x100000, s0;
	[bflag:$0x2] =	sbarrier.arrive $0xFFFF  }
0x98: {  	[sflag:s0] =	ssyncadd.tile.s32 @!p0 $0x1;
	_ =	shalt  }
.Lfunc_end2:
_tile_overlayer_lowered:
.L_overlay_start_2:
0x99: {  	(tag) =	ssettag $0x2  }
0x9a: {  	s0 =	rddreg [dreg:$0x0];
	s2 =	stileid.u32  }
0x9b: {  	s1 =	rddreg [dreg:$0x1];
	p0 =	sne.s32 s2, $0x0  }
0x9c: {  	s3 =	rddreg [dreg:$0x2];
	[bflag:$0x3] =	sbarrier.arrive $0xFFFF;
	s2 =	simm.s32 @!p0 $0x1C03  }
0x9d: {  	[timem:s3], [sflag:s2] =	dma.local @!p0 [hbm:s0], s1  }
0x9e: {  	s0 =	simm.s32 @!p0 $0x3  }
0x9f: {  	_ =	swait.ge @!p0 [sflag:s0], s1  }
0xa0: {  	s1 =	ssub.s32 @!p0 $0x0, s1;
	[sflag:s0] =	ssyncset.done @!p0 $0x0  }
0xa1: {  	[sflag:s0] =	ssyncadd.s32 @!p0 s1  }
0xa2: {  	[bflag:$0x3] =	sbarrier.arrive $0xFFFF  }
0xa3: {  	_ =	shalt  }

// kernel: kernel.16.cloned.1.call-start
scs
__scs_entry_jumppad:
0x0: {  	(pc) =	sbr.rel $0x88, $3  }
0x1: {  	(tag) =	ssettag $0x0;
	lr =	simm.s32 $0x1  }
0x2: {  	[smem:$0x3F95] =	sst lr;
	_ =	strace $0xD0000000  }
0x3: {  	_ = 	snop  }
0x4: {  	_ = 	snop  }
0x5: {  	_ = 	snop  }
0x6: {  	_ = 	snop  }
0x7: {  	_ = 	snop  }
__scs_overlays_trampoline_lowered:
0x8: {  	[smem:$0x3FA4] =	sst s0  }
0x9: {  	[smem:$0x3FA5] =	sst s1  }
0xa: {  	[smem:$0x3FA6] =	sst s2  }
0xb: {  	[smem:$0x3FA7] =	sst s3  }
0xc: {  	[smem:$0x3FA8] =	sst s4  }
0xd: {  	[smem:$0x3FA9] =	sst s5  }
0xe: {  	[smem:$0x3FAA] =	sst s6  }
0xf: {  	[smem:$0x3FAB] =	sst s7  }
0x10: {  	[smem:$0x3FAC] =	sst s8  }
0x11: {  	[smem:$0x3FAD] =	sst s9;
	s0 =	simm.s32 @!p0 $0x0  }
0x12: {  	s1 =	sld [smem:$0x3F93];
	s0 =	simm.s32 @p0 $0x1  }
0x13: {  	[smem:$0x3FAE] =	sst s0;
	s0 =	simm.s32 @!p1 $0x0  }
0x14: {  	s2 =	sld [smem:$0x3F92];
	s0 =	simm.s32 @p1 $0x1  }
0x15: {  	[smem:$0x3FAF] =	sst s0;
	s0 =	simm.s32 @!p2 $0x0  }
0x16: {  	s3 =	sld [smem:$0x3FDB];
	s0 =	simm.s32 @p2 $0x1  }
0x17: {  	s4 =	simm.s32 $0x1BF5;
	[smem:$0x3FB1] =	sst s0  }
0x18: {  	s0 =	sld [smem:$0x3F94];
	_ =	swait.ge [sflag:s4], $0x0  }
0x19: {  	s7 =	sld [smem:$0x3F95]  }
0x1a: {  	s8 =	sadd.s32 $0xFFFFE003, lr  }
0x1b: {  	s9 =	sadd.s32 $0xFFFFFEF7, lr;
	s5 =	simm.s32 $0xFFFFFFFF;
	p2 =	slt.u32 s8, $0xFFFFF086  }
0x1c: {  	p1 =	slt.u32 s9, $0xF7A;
	s5 =	simm.s32 @!p2 $0x0  }
0x1d: {  	s5 =	simm.s32 @p1 $0x1;
	p0 =	seq.s32 s7, s2  }
0x1e: {  	s7 =	smul.u32 @!p0 $0xF7A, s2;
	p2 =	seq.s32 @!p0 s5, $0x0  }
0x1f: {  	s9 =	smul.u32 $0xF7A, s1;
	s8 =	simm.s32 @!p0 $0x1BF5;
	p2 =	por !p2, p0  }
0x20: {  	[sflag:s8] =	ssyncset.s32 @!p0 $0xFFFFF086;
	s6 =	sadd.s32 @!p0 s3, s7;
	s7 =	simm.s32 @!p0 $0x108  }
0x21: {  	s3 =	sadd.s32 s3, s9;
	s6 =	sadd.s32 @!p0 $0x88, s6;
	s7 =	simm.s32 @p2 $0x1082  }
0x22: {  	[simem:s7], [sflag:s8] =	dma.local @!p0 [hbm:s6], $0xF7A  }
0x23: {  	s9 =	sor.u32 $0xD0000000, s2;
	s6 =	simm.s32 $0x108;
	_ =	swait.ge @!p0 [sflag:s8], $0x0  }
0x24: {  	s3 =	sadd.s32 $0x88, s3;
	s6 =	simm.s32 @!p1 $0x1082;
	[sflag:s4] =	ssyncset.s32 $0xFFFFF086  }
0x25: {  	[simem:s6], [sflag:s4] =	dma.local [hbm:s3], $0xF7A  }
0x26: {  	[smem:$0x3F95] =	sst s1;
	(tag) =	ssettag s2;
	_ =	strace s9  }
0x27: {  	s1 =	sld [smem:$0x3FA5]  }
0x28: {  	s2 =	sld [smem:$0x3FA6]  }
0x29: {  	s4 =	sld [smem:$0x3FA8]  }
0x2a: {  	p0 =	seq.s32 s5, $0x0;
	s5 =	sld [smem:$0x3FA9]  }
0x2b: {  	s6 =	sld [smem:$0x3FAA]  }
0x2c: {  	s7 =	sld [smem:$0x3FAB]  }
0x2d: {  	s3 =	simm.s32 $0x108;
	s8 =	sld [smem:$0x3FAC]  }
0x2e: {  	s3 =	simm.s32 @!p0 $0x1082;
	s9 =	sld [smem:$0x3FAD]  }
0x2f: {  	lr =	sadd.s32 s0, s3;
	s0 =	sld [smem:$0x3FA4]  }
0x30: {  	s3 =	sld [smem:$0x3FA7]  }
0x31: {  	[smem:$0x3FB0] =	sst s10  }
0x32: {  	s10 =	sld [smem:$0x3FAE];
	_ =	sdelay $0x3  }
0x33: {  	p0 =	seq.s32 s10, $0x1;
	s10 =	sld [smem:$0x3FB0];
	_ =	sdelay $0x3  }
0x34: {  	[smem:$0x3FB0] =	sst s10  }
0x35: {  	s10 =	sld [smem:$0x3FAF];
	_ =	sdelay $0x3  }
0x36: {  	p1 =	seq.s32 s10, $0x1;
	s10 =	sld [smem:$0x3FB0];
	_ =	sdelay $0x3  }
0x37: {  	[smem:$0x3FB0] =	sst s10  }
0x38: {  	s10 =	sld [smem:$0x3FB1]  }
0x39: {  	_ = 	snop;
	(pc) =	sbr.ind lr, $3  }
0x3a: {  	_ = 	snop  }
0x3b: {  	_ = 	snop  }
0x3c: {  	p2 =	seq.s32 s10, $0x1;
	s10 =	sld [smem:$0x3FB0]  }
0x3d: {  	_ =	shalt  }
0x3e: {  	_ =	shalt  }
0x3f: {  	_ =	shalt  }
0x40: {  	_ =	shalt  }
0x41: {  	_ =	shalt  }
0x42: {  	_ =	shalt  }
0x43: {  	_ =	shalt  }
0x44: {  	_ =	shalt  }
0x45: {  	_ =	shalt  }
0x46: {  	_ =	shalt  }
0x47: {  	_ =	shalt  }
0x48: {  	_ =	shalt  }
0x49: {  	_ =	shalt  }
0x4a: {  	_ =	shalt  }
0x4b: {  	_ =	shalt  }
0x4c: {  	_ =	shalt  }
0x4d: {  	_ =	shalt  }
0x4e: {  	_ =	shalt  }
0x4f: {  	_ =	shalt  }
0x50: {  	_ =	shalt  }
0x51: {  	_ =	shalt  }
0x52: {  	_ =	shalt  }
0x53: {  	_ =	shalt  }
0x54: {  	_ =	shalt  }
0x55: {  	_ =	shalt  }
0x56: {  	_ =	shalt  }
0x57: {  	_ =	shalt  }
0x58: {  	_ =	shalt  }
0x59: {  	_ =	shalt  }
0x5a: {  	_ =	shalt  }
0x5b: {  	_ =	shalt  }
0x5c: {  	_ =	shalt  }
0x5d: {  	_ =	shalt  }
0x5e: {  	_ =	shalt  }
0x5f: {  	_ =	shalt  }
0x60: {  	_ =	shalt  }
0x61: {  	_ =	shalt  }
0x62: {  	_ =	shalt  }
0x63: {  	_ =	shalt  }
0x64: {  	_ =	shalt  }
0x65: {  	_ =	shalt  }
0x66: {  	_ =	shalt  }
0x67: {  	_ =	shalt  }
0x68: {  	_ =	shalt  }
0x69: {  	_ =	shalt  }
0x6a: {  	_ =	shalt  }
0x6b: {  	_ =	shalt  }
0x6c: {  	_ =	shalt  }
0x6d: {  	_ =	shalt  }
0x6e: {  	_ =	shalt  }
0x6f: {  	_ =	shalt  }
0x70: {  	_ =	shalt  }
0x71: {  	_ =	shalt  }
0x72: {  	_ =	shalt  }
0x73: {  	_ =	shalt  }
0x74: {  	_ =	shalt  }
0x75: {  	_ =	shalt  }
0x76: {  	_ =	shalt  }
0x77: {  	_ =	shalt  }
0x78: {  	_ =	shalt  }
0x79: {  	_ =	shalt  }
0x7a: {  	_ =	shalt  }
0x7b: {  	_ =	shalt  }
0x7c: {  	_ =	shalt  }
0x7d: {  	_ =	shalt  }
0x7e: {  	_ =	shalt  }
0x7f: {  	_ =	shalt  }
0x80: {  	_ =	shalt  }
0x81: {  	_ =	shalt  }
0x82: {  	_ =	shalt  }
0x83: {  	_ =	shalt  }
0x84: {  	_ =	shalt  }
0x85: {  	_ =	shalt  }
0x86: {  	_ =	shalt  }
0x87: {  	_ =	shalt  }
.Lfunc_end0:
.L_simem_size_0:
called_computation.2_lowered:
.L_overlay_start_0:
0x88: {  	s2 =	sld [smem:$0x3FD9]  }
0x89: {  	s3 =	sld [smem:$0x3FFE];
	_ =	sdelay $0x1  }
0x8a: {  	s1 =	srdreg.scid  }
0x8b: {  	s0 =	sand.u32 $0x1, s1  }
0x8c: {  	s16 =	sshll.u32 s0, $0xA;
	s2 =	sadd.s32 s3, s2  }
0x8d: {  	s2 =	sadd.s32 s2, s16  }
0x8e: {  	[smem:$0x3FBC] =	sst s2  }
0x8f: {  	_ = 	snop  }
0x90: {  	(tm) =	ssettm $0x1  }
0x91: {  	s17 =	sld [smem:$0x3FFB];
	_ =	sdelay $0x3  }
0x92: {  	_ =	strace s17  }
0x93: {  	s2 =	sld [smem:$0x3FFC];
	_ =	sdelay $0x3  }
0x94: {  	_ =	strace s2  }
0x95: {  	s2 =	sld [smem:$0x3FFD];
	_ =	sdelay $0x3  }
0x96: {  	_ =	strace s2  }
0x97: {  	_ =	strace $0x8FFFFFFF  }
0x98: {  	s18 =	sld [smem:$0x3FDB];
	_ =	sdelay $0x1  }
0x99: {  	s19 =	simm.s32 $_scs_section_size  }
0x9a: {  	s4 =	simm.s32 $_size__tile_overlayer_lowered;
	s5 =	simm.s32 $_tile_overlayer_lowered  }
0x9b: {  	s22 =	simm.s32 $0x1BFF;
	s21 =	sshll.u32 s5, $0x1;
	s2 =	sadd.s32 s19, s18  }
0x9c: {  	s6 =	simm.s32 $0x0;
	s20 =	sshll.u32 s4, $0x1;
	s4 =	sadd.s32 s21, s2  }
0x9d: {  	[timem:s6], [sflag:s22] =	dma.local [hbm:s4], s20  }
0x9e: {  	_ =	swait.ge [sflag:s22], s20  }
0x9f: {  	s3 =	ssub.s32 $0x0, s20;
	[sflag:s22] =	ssyncset.done $0x0  }
0xa0: {  	[sflag:s22] =	ssyncadd.s32 s3;
	_ =	sdelay $0x1  }
0xa1: {  	s23 =	simm.s32 $0x1B8B  }
0xa2: {  	_ =	swait.ge [sflag:s23], $0x1  }
0xa3: {  	[sflag:s23] =	ssyncset.done $0x0  }
0xa4: {  	s25 =	simm.s32 $0x1B8E;
	s24 =	sld [smem:$0x3FFE];
	[sflag:s23] =	ssyncadd.s32 $0xFFFFFFFF  }
0xa5: {  	s26 =	simm.s32 $execute0_lowered;
	[smem:$0x3FD2] =	sst s25  }
0xa6: {  	s4 =	sshll.u32 s26, $0x1;
	_ =	strace $0x8000004C;
	[dreg:$0x1] =	wrdreg $0xFFFFFFFF  }
0xa7: {  	s28 =	simm.s32 $_size_execute0_lowered;
	s2 =	sadd.s32 s2, s4;
	[dreg:$0x0] =	wrdreg $0x0  }
0xa8: {  	s4 =	sshll.u32 s28, $0x1;
	[dreg:$0x2] =	wrdreg s2  }
0xa9: {  	[dreg:$0x3] =	wrdreg s4  }
0xaa: {  	[dreg:$0x4] =	wrdreg $0xC0  }
0xab: {  	_ =	task [dreg:s6], $0x5FFFF  }
0xac: {  	[dreg:$0x1] =	wrdreg $0xFFFFFFFF  }
0xad: {  	[dreg:$0x0] =	wrdreg $0x60  }
0xae: {  	[dreg:$0x2] =	wrdreg s24  }
0xaf: {  	[dreg:$0x3] =	wrdreg $0xA8000  }
0xb0: {  	[dreg:$0x4] =	wrdreg $0x9  }
0xb1: {  	_ =	task.clear_ibuf [dreg:s6], $0x5FFFF;
	_ =	strace $0x9000004C  }
0xb2: {  	s29 =	simm.s32 $0x9;
	_ =	strace $0x8000004E  }
0xb3: {  	_ =	swait.ge [sflag:s29], $0x1  }
0xb4: {  	[sflag:s29] =	ssyncadd.s32 $0xFFFFFFFF  }
0xb5: {  	_ =	strace $0x9000004E  }
0xb6: {  	_ =	sfence  }
0xb7: {  	s30 =	sld [smem:$0x0];
	_ =	sdelay $0x2  }
0xb8: {  	s31 =	sshll.u32 s1, $0xD;
	s1 =	sshrl.u32 s1, $0x2  }
0xb9: {  	s3 =	sand.u32 $0x4000, s31;
	s1 =	sadd.s32 s1, s30  }
0xba: {  	s0 =	sor.u32 s3, s0;
	s1 =	sshll.u32 s1, $0x11  }
0xbb: {  	s0 =	sor.u32 s1, s0  }
0xbc: {  	s0 =	sadd.s32 $0x8F2B, s0  }
0xbd: {  	[sflag:s0] =	ssyncadd.remote.s32 $0x1  }
0xbe: {  	_ =	sfence.sel $0xFFFF  }
0xbf: {  	[dreg:$0x0] =	wrdreg $0xFFFFFFFF;
	(pc) =	sbr.abs _section_cstart, $3  }
0xc0: {  	[dreg:$0x1] =	wrdreg $0xFFFFFFFF  }
0xc1: {  	_ =	task.clear_ibuf [dreg:s6], $0x2FFFF;
	_ =	strace $0x9FFFFFFF  }
0xc2: {  	(tm) =	ssettm $0x7FFFFFFF  }
0xc3: {  	_ =	shalt  }
tec
execute0_lowered:
.L_overlay_start_1:
0x0: {  	(tag) =	ssettag $0x1  }
0x1: {  	s5 =	rddreg [dreg:$0x0]  }
0x2: {  	s2 =	rddreg [dreg:$0x1]  }
0x3: {  	s0 =	rddreg [dreg:$0x2];
	s3 =	simm.s32 $0x0  }
0x4: {  	s1 =	stileid.u32;
	s4 =	srdreg.scid;
	s16 =	simm.s32 $0x6800  }
0x5: {  	s17 =	simm.s32 $0x2;
	s18 =	simm.s32 $0x2700;
	s19 =	simm.s32 $0x2680  }
0x6: {  	s20 =	simm.s32 $0x2780;
	s21 =	simm.s32 $0x0;
	[smem:$0x7FF] =	sst s3  }
0x7: {  	s6 =	smul.u32 $0x2780, s1;
	s7 =	sand.u32 $0x1, s4;
	s25 =	sshll.u32 s1, $0x1  }
0x8: {  	s4 =	sadd.s32 $0x18800, s5;
	s10 =	sadd.s32 $0x4800, s5;
	s13 =	smul.u32 $0x4F000, s1  }
0x9: {  	s31 =	sshll.u32 s1, $0x6;
	s8 =	smul.u32 $0x27800, s7;
	s9 =	sor.u32 s7, s25  }
0xa: {  	_ =	strace $0x8000004D;
	s7 =	ssub.s32 $0x2, s7;
	s11 =	smul.u32 $0xA00, s9  }
0xb: {  	s12 =	sadd.s32 s6, s5;
	s9 =	smul.u32 $0x5000, s9;
	s26 =	sshrl.u32 s7, $0x1  }
0xc: {  	s29 =	sshrl.u32 s13, $0x2;
	s6 =	sadd.s32 s6, s8;
	s15 =	ssub.s32 s7, s26  }
0xd: {  	s13 =	sadd.s32 s29, s2;
	s14 =	sadd.s32 s6, s5;
	s28 =	sshrl.u32 s9, $0x3  }
0xe: {  	s5 =	sadd.s32 s10, s11;
	s6 =	sadd.s32 $0x66C00, s12;
	s9 =	smax.u32 s15, $0x1  }
0xf: {  	s11 =	sor.u32 $0x1C03, s31;
	s12 =	sshrl.u32 s13, $0x3;
	s13 =	simm.s32 $0x80  }
0x10: {  	s15 =	simm.s32 $0x1;
	s30 =	sadd.s32 s10, s28;
	s8 =	sadd.s32 $0xDC800, s14  }
0x11: {  	s10 =	simm.s32 $0x3;
	s14 =	simm.s32 $0x2800;
	s7 =	sadd.s32 $0x500, s30  }
.LBB2_1:
0x12: {  	[tilespmem:s3], [sflag:$0x3] =	stream.linear.gather [hbm4b:s5+s3], $0x2800, $0x38;
	[tilespmem:$0x1E400] =	vst v63  }
0x13: {  	_ =	swait.ge [sflag:s10], $0x2800  }
0x14: {  	[sflag:s10] =	ssyncset.done $0x0  }
0x15: {  	[sflag:s10] =	ssyncadd.s32 $0xFFFFD800  }
0x16: {  	[spmem:s12], [sflag:s11] =	dma.local [hbm:s6], $0x2780  }
0x17: {  	_ =	swait.ge [sflag:s10], $0x2780  }
0x18: {  	[sflag:s10] =	ssyncset.done $0x0  }
0x19: {  	[sflag:s10] =	ssyncadd.s32 $0xFFFFD880  }
0x1a: {  	[bflag:$0x0] =	sbarrier.arrive $0xFFFF  }
0x1b: {  	[tilespmem:s14], [sflag:$0x1] =	stream.indirect.gather [hbm4b:s4+s13], $0x80, s3, s13, $0xb8;
	[tilespmem:$0x1E400] =	vst v63  }
0x1c: {  	_ =	swait.ge [sflag:s15], $0x4000  }
0x1d: {  	[sflag:s15] =	ssyncset.done $0x0  }
0x1e: {  	s22 =	simm.s32 $0x100;
	[sflag:s15] =	ssyncadd.s32 $0xFFFFC000  }
0x1f: {  	[tilespmem:s16], [sflag:$0x2] =	stream.indirect.gather [hbm4b:s4+s13], $0x80, s22, s13, $0xb8;
	[tilespmem:$0x1E400] =	vst v63  }
0x20: {  	s29 =	simm.s32 $0x80  }
0x21: {  	[spmem:s2] =	stream.indirect.scatter.add.f32 [tilespmem:s14], [sflag:$0x3], $0x80, s29, s13, $0xb8;
	[tilespmem:$0x1E400] =	vst v63  }
0x22: {  	_ =	swait.ge [sflag:s10], $0x4000  }
0x23: {  	[sflag:s10] =	ssyncset.done $0x0  }
0x24: {  	[sflag:s10] =	ssyncadd.s32 $0xFFFFC000  }
0x25: {  	_ =	swait.ge [sflag:s17], $0x4000  }
0x26: {  	[sflag:s17] =	ssyncset.done $0x0  }
0x27: {  	s30 =	simm.s32 $0x200;
	[sflag:s17] =	ssyncadd.s32 $0xFFFFC000  }
0x28: {  	[tilespmem:s14], [sflag:$0x1] =	stream.indirect.gather [hbm4b:s4+s13], $0x80, s30, s13, $0xb8;
	[tilespmem:$0x1E400] =	vst v63  }
0x29: {  	s31 =	simm.s32 $0x180  }
0x2a: {  	[spmem:s2] =	stream.indirect.scatter.add.f32 [tilespmem:s16], [sflag:$0x3], $0x80, s31, s13, $0xb8;
	[tilespmem:$0x1E400] =	vst v63  }
0x2b: {  	_ =	swait.ge [sflag:s10], $0x4000  }
0x2c: {  	s22 =	simm.s32 $0xFFFF7000;
	[sflag:s10] =	ssyncset.done $0x0  }
.LBB2_2:
0x2d: {  	p0 =	sne.s32 s22, $0xFFFFF800  }
0x2e: {  	[sflag:s10] =	ssyncadd.s32 $0xFFFFC000;
	s23 =	smov.u32 s22;
	s22 =	sadd.s32 $0x800, s22  }
0x2f: {  	_ = 	snop  }
0x30: {  	_ =	swait.ge [sflag:s15], $0x4000  }
0x31: {  	s23 =	sshra.s32 s23, $0x2;
	[sflag:s15] =	ssyncset.done $0x0  }
0x32: {  	s24 =	sadd.s32 $0x2700, s23;
	[sflag:s15] =	ssyncadd.s32 $0xFFFFC000  }
0x33: {  	[tilespmem:s16], [sflag:$0x2] =	stream.indirect.gather [hbm4b:s4+s13], $0x80, s24, s13, $0xb8;
	[tilespmem:$0x1E400] =	vst v63  }
0x34: {  	s24 =	sadd.s32 $0x2680, s23  }
0x35: {  	[spmem:s2] =	stream.indirect.scatter.add.f32 [tilespmem:s14], [sflag:$0x3], $0x80, s24, s13, $0xb8;
	[tilespmem:$0x1E400] =	vst v63  }
0x36: {  	_ =	swait.ge [sflag:s10], $0x4000  }
0x37: {  	[sflag:s10] =	ssyncset.done $0x0  }
0x38: {  	[sflag:s10] =	ssyncadd.s32 $0xFFFFC000  }
0x39: {  	_ =	swait.ge [sflag:s17], $0x4000  }
0x3a: {  	[sflag:s17] =	ssyncset.done $0x0  }
0x3b: {  	s24 =	sadd.s32 $0x2800, s23;
	[sflag:s17] =	ssyncadd.s32 $0xFFFFC000  }
0x3c: {  	[tilespmem:s14], [sflag:$0x1] =	stream.indirect.gather [hbm4b:s4+s13], $0x80, s24, s13, $0xb8;
	[tilespmem:$0x1E400] =	vst v63  }
.Ltmp0:
0x3d: {  	_ = 	snop;
	(pc) =	sbr.rel @p0 .LBB2_2-.Ltmp0, $4  }
0x3e: {  	s23 =	sadd.s32 $0x2780, s23  }
0x3f: {  	[spmem:s2] =	stream.indirect.scatter.add.f32 [tilespmem:s16], [sflag:$0x3], $0x80, s23, s13, $0xb8;
	[tilespmem:$0x1E400] =	vst v63  }
0x40: {  	_ =	swait.ge [sflag:s10], $0x4000  }
0x41: {  	[sflag:s10] =	ssyncset.done $0x0  }
0x42: {  	[sflag:s10] =	ssyncadd.s32 $0xFFFFC000  }
0x43: {  	_ =	swait.ge [sflag:s15], $0x4000  }
0x44: {  	[sflag:s15] =	ssyncset.done $0x0  }
0x45: {  	[sflag:s15] =	ssyncadd.s32 $0xFFFFC000  }
0x46: {  	[tilespmem:s16], [sflag:$0x2] =	stream.indirect.gather [hbm4b:s4+s13], $0x80, s18, s13, $0xb8;
	[tilespmem:$0x1E400] =	vst v63  }
0x47: {  	_ = 	snop  }
0x48: {  	[spmem:s2] =	stream.indirect.scatter.add.f32 [tilespmem:s14], [sflag:$0x3], $0x80, s19, s13, $0xb8;
	[tilespmem:$0x1E400] =	vst v63  }
0x49: {  	_ =	swait.ge [sflag:s10], $0x4000  }
0x4a: {  	[sflag:s10] =	ssyncset.done $0x0  }
0x4b: {  	[sflag:s10] =	ssyncadd.s32 $0xFFFFC000  }
0x4c: {  	_ =	swait.ge [sflag:s17], $0x4000  }
0x4d: {  	[sflag:s17] =	ssyncset.done $0x0  }
0x4e: {  	[sflag:s17] =	ssyncadd.s32 $0xFFFFC000  }
0x4f: {  	[spmem:s2] =	stream.indirect.scatter.add.f32 [tilespmem:s16], [sflag:$0x3], $0x80, s20, s13, $0xb8;
	[tilespmem:$0x1E400] =	vst v63  }
0x50: {  	_ =	swait.ge [sflag:s10], $0x4000  }
0x51: {  	[sflag:s10] =	ssyncset.done $0x0  }
0x52: {  	[sflag:s10] =	ssyncadd.s32 $0xFFFFC000  }
0x53: {  	[tilespmem:s3], [sflag:$0x3] =	stream.linear.gather [hbm4b:s7+s3], $0x2800, $0x38;
	[tilespmem:$0x1E400] =	vst v63  }
0x54: {  	_ =	swait.ge [sflag:s10], $0x2800  }
0x55: {  	[sflag:s10] =	ssyncset.done $0x0  }
0x56: {  	[sflag:s10] =	ssyncadd.s32 $0xFFFFD800  }
0x57: {  	[tilespmem:s14], [sflag:$0x1] =	stream.indirect.gather [hbm4b:s4+s13], $0x80, s3, s13, $0xb8;
	[tilespmem:$0x1E400] =	vst v63  }
0x58: {  	_ =	swait.ge [sflag:s15], $0x4000  }
0x59: {  	[sflag:s15] =	ssyncset.done $0x0  }
0x5a: {  	s22 =	simm.s32 $0x100;
	[sflag:s15] =	ssyncadd.s32 $0xFFFFC000  }
0x5b: {  	[tilespmem:s16], [sflag:$0x2] =	stream.indirect.gather [hbm4b:s4+s13], $0x80, s22, s13, $0xb8;
	[tilespmem:$0x1E400] =	vst v63  }
0x5c: {  	s29 =	simm.s32 $0x80  }
0x5d: {  	[spmem:s2] =	stream.indirect.scatter.add.f32 [tilespmem:s14], [sflag:$0x3], $0x80, s29, s13, $0xb8;
	[tilespmem:$0x1E400] =	vst v63  }
0x5e: {  	_ =	swait.ge [sflag:s10], $0x4000  }
0x5f: {  	[sflag:s10] =	ssyncset.done $0x0  }
0x60: {  	[sflag:s10] =	ssyncadd.s32 $0xFFFFC000  }
0x61: {  	_ =	swait.ge [sflag:s17], $0x4000  }
0x62: {  	[sflag:s17] =	ssyncset.done $0x0  }
0x63: {  	s30 =	simm.s32 $0x200;
	[sflag:s17] =	ssyncadd.s32 $0xFFFFC000  }
0x64: {  	[tilespmem:s14], [sflag:$0x1] =	stream.indirect.gather [hbm4b:s4+s13], $0x80, s30, s13, $0xb8;
	[tilespmem:$0x1E400] =	vst v63  }
0x65: {  	s31 =	simm.s32 $0x180  }
0x66: {  	[spmem:s2] =	stream.indirect.scatter.add.f32 [tilespmem:s16], [sflag:$0x3], $0x80, s31, s13, $0xb8;
	[tilespmem:$0x1E400] =	vst v63  }
0x67: {  	_ =	swait.ge [sflag:s10], $0x4000  }
0x68: {  	s22 =	simm.s32 $0xFFFF7000;
	[sflag:s10] =	ssyncset.done $0x0  }
.LBB2_4:
0x69: {  	p0 =	sne.s32 s22, $0xFFFFF800  }
0x6a: {  	[sflag:s10] =	ssyncadd.s32 $0xFFFFC000;
	s23 =	smov.u32 s22;
	s22 =	sadd.s32 $0x800, s22  }
0x6b: {  	_ = 	snop  }
0x6c: {  	_ =	swait.ge [sflag:s15], $0x4000  }
0x6d: {  	s23 =	sshra.s32 s23, $0x2;
	[sflag:s15] =	ssyncset.done $0x0  }
0x6e: {  	s24 =	sadd.s32 $0x2700, s23;
	[sflag:s15] =	ssyncadd.s32 $0xFFFFC000  }
0x6f: {  	[tilespmem:s16], [sflag:$0x2] =	stream.indirect.gather [hbm4b:s4+s13], $0x80, s24, s13, $0xb8;
	[tilespmem:$0x1E400] =	vst v63  }
0x70: {  	s24 =	sadd.s32 $0x2680, s23  }
0x71: {  	[spmem:s2] =	stream.indirect.scatter.add.f32 [tilespmem:s14], [sflag:$0x3], $0x80, s24, s13, $0xb8;
	[tilespmem:$0x1E400] =	vst v63  }
0x72: {  	_ =	swait.ge [sflag:s10], $0x4000  }
0x73: {  	[sflag:s10] =	ssyncset.done $0x0  }
0x74: {  	[sflag:s10] =	ssyncadd.s32 $0xFFFFC000  }
0x75: {  	_ =	swait.ge [sflag:s17], $0x4000  }
0x76: {  	[sflag:s17] =	ssyncset.done $0x0  }
0x77: {  	s24 =	sadd.s32 $0x2800, s23;
	[sflag:s17] =	ssyncadd.s32 $0xFFFFC000  }
0x78: {  	[tilespmem:s14], [sflag:$0x1] =	stream.indirect.gather [hbm4b:s4+s13], $0x80, s24, s13, $0xb8;
	[tilespmem:$0x1E400] =	vst v63  }
.Ltmp1:
0x79: {  	_ = 	snop;
	(pc) =	sbr.rel @p0 .LBB2_4-.Ltmp1, $4  }
0x7a: {  	s23 =	sadd.s32 $0x2780, s23  }
0x7b: {  	[spmem:s2] =	stream.indirect.scatter.add.f32 [tilespmem:s16], [sflag:$0x3], $0x80, s23, s13, $0xb8;
	[tilespmem:$0x1E400] =	vst v63  }
0x7c: {  	_ =	swait.ge [sflag:s10], $0x4000  }
0x7d: {  	[sflag:s10] =	ssyncset.done $0x0  }
0x7e: {  	[sflag:s10] =	ssyncadd.s32 $0xFFFFC000  }
0x7f: {  	_ =	swait.ge [sflag:s15], $0x4000  }
0x80: {  	[sflag:s15] =	ssyncset.done $0x0  }
0x81: {  	[sflag:s15] =	ssyncadd.s32 $0xFFFFC000  }
0x82: {  	[tilespmem:s16], [sflag:$0x2] =	stream.indirect.gather [hbm4b:s4+s13], $0x80, s18, s13, $0xb8;
	[tilespmem:$0x1E400] =	vst v63  }
0x83: {  	_ = 	snop  }
0x84: {  	[spmem:s2] =	stream.indirect.scatter.add.f32 [tilespmem:s14], [sflag:$0x3], $0x80, s19, s13, $0xb8;
	[tilespmem:$0x1E400] =	vst v63  }
0x85: {  	_ =	swait.ge [sflag:s10], $0x4000  }
0x86: {  	[sflag:s10] =	ssyncset.done $0x0  }
0x87: {  	[sflag:s10] =	ssyncadd.s32 $0xFFFFC000  }
0x88: {  	_ =	swait.ge [sflag:s17], $0x4000  }
0x89: {  	[sflag:s17] =	ssyncset.done $0x0  }
0x8a: {  	[sflag:s17] =	ssyncadd.s32 $0xFFFFC000  }
0x8b: {  	[spmem:s2] =	stream.indirect.scatter.add.f32 [tilespmem:s16], [sflag:$0x3], $0x80, s20, s13, $0xb8;
	[tilespmem:$0x1E400] =	vst v63  }
0x8c: {  	_ =	swait.ge [sflag:s10], $0x4000  }
0x8d: {  	s21 =	sadd.s32 $0x1, s21;
	[sflag:s10] =	ssyncset.done $0x0  }
0x8e: {  	p0 =	sne.s32 s21, s9;
	[sflag:s10] =	ssyncadd.s32 $0xFFFFC000  }
.Ltmp2:
0x8f: {  	[bflag:$0x0] =	sbarrier.arrive $0xFFFF;
	(pc) =	sbr.rel @p0 .LBB2_1-.Ltmp2, $4  }
0x90: {  	[hbm:s8], [sflag:s11] =	dma.local [spmem:s12], $0x2780  }
0x91: {  	_ =	swait.ge [sflag:s10], $0x2780  }
0x92: {  	[sflag:s10] =	ssyncset.done $0x0  }
0x93: {  	[sflag:s10] =	ssyncadd.s32 $0xFFFFD880  }
0x94: {  	_ =	sfence.sel $0x180000  }
0x95: {  	[bflag:$0x0] =	sbarrier.arrive $0xFFFF  }
0x96: {  	p0 =	sne.s32 s1, $0x0;
	_ =	strace $0x9000004D  }
0x97: {  	s0 =	sadd.s32 @!p0 $0x100000, s0;
	[bflag:$0x2] =	sbarrier.arrive $0xFFFF  }
0x98: {  	[sflag:s0] =	ssyncadd.tile.s32 @!p0 $0x1;
	_ =	shalt  }
.Lfunc_end2:
_tile_overlayer_lowered:
.L_overlay_start_2:
0x99: {  	(tag) =	ssettag $0x2  }
0x9a: {  	s0 =	rddreg [dreg:$0x0];
	s2 =	stileid.u32  }
0x9b: {  	s1 =	rddreg [dreg:$0x1];
	p0 =	sne.s32 s2, $0x0  }
0x9c: {  	s3 =	rddreg [dreg:$0x2];
	[bflag:$0x3] =	sbarrier.arrive $0xFFFF;
	s2 =	simm.s32 @!p0 $0x1C03  }
0x9d: {  	[timem:s3], [sflag:s2] =	dma.local @!p0 [hbm:s0], s1  }
0x9e: {  	s0 =	simm.s32 @!p0 $0x3  }
0x9f: {  	_ =	swait.ge @!p0 [sflag:s0], s1  }
0xa0: {  	s1 =	ssub.s32 @!p0 $0x0, s1;
	[sflag:s0] =	ssyncset.done @!p0 $0x0  }
0xa1: {  	[sflag:s0] =	ssyncadd.s32 @!p0 s1  }
0xa2: {  	[bflag:$0x3] =	sbarrier.arrive $0xFFFF  }
0xa3: {  	_ =	shalt  }

// kernel: kernel.19.cloned.1.call-start
scs
__scs_entry_jumppad:
0x0: {  	(pc) =	sbr.rel $0x88, $3  }
0x1: {  	(tag) =	ssettag $0x0;
	lr =	simm.s32 $0x1  }
0x2: {  	[smem:$0x3F95] =	sst lr;
	_ =	strace $0xD0000000  }
0x3: {  	_ = 	snop  }
0x4: {  	_ = 	snop  }
0x5: {  	_ = 	snop  }
0x6: {  	_ = 	snop  }
0x7: {  	_ = 	snop  }
__scs_overlays_trampoline_lowered:
0x8: {  	[smem:$0x3FA4] =	sst s0  }
0x9: {  	[smem:$0x3FA5] =	sst s1  }
0xa: {  	[smem:$0x3FA6] =	sst s2  }
0xb: {  	[smem:$0x3FA7] =	sst s3  }
0xc: {  	[smem:$0x3FA8] =	sst s4  }
0xd: {  	[smem:$0x3FA9] =	sst s5  }
0xe: {  	[smem:$0x3FAA] =	sst s6  }
0xf: {  	[smem:$0x3FAB] =	sst s7  }
0x10: {  	[smem:$0x3FAC] =	sst s8  }
0x11: {  	[smem:$0x3FAD] =	sst s9;
	s0 =	simm.s32 @!p0 $0x0  }
0x12: {  	s1 =	sld [smem:$0x3F93];
	s0 =	simm.s32 @p0 $0x1  }
0x13: {  	[smem:$0x3FAE] =	sst s0;
	s0 =	simm.s32 @!p1 $0x0  }
0x14: {  	s2 =	sld [smem:$0x3F92];
	s0 =	simm.s32 @p1 $0x1  }
0x15: {  	[smem:$0x3FAF] =	sst s0;
	s0 =	simm.s32 @!p2 $0x0  }
0x16: {  	s3 =	sld [smem:$0x3FDB];
	s0 =	simm.s32 @p2 $0x1  }
0x17: {  	s4 =	simm.s32 $0x1BF5;
	[smem:$0x3FB1] =	sst s0  }
0x18: {  	s0 =	sld [smem:$0x3F94];
	_ =	swait.ge [sflag:s4], $0x0  }
0x19: {  	s7 =	sld [smem:$0x3F95]  }
0x1a: {  	s8 =	sadd.s32 $0xFFFFE003, lr  }
0x1b: {  	s9 =	sadd.s32 $0xFFFFFEF7, lr;
	s5 =	simm.s32 $0xFFFFFFFF;
	p2 =	slt.u32 s8, $0xFFFFF086  }
0x1c: {  	p1 =	slt.u32 s9, $0xF7A;
	s5 =	simm.s32 @!p2 $0x0  }
0x1d: {  	s5 =	simm.s32 @p1 $0x1;
	p0 =	seq.s32 s7, s2  }
0x1e: {  	s7 =	smul.u32 @!p0 $0xF7A, s2;
	p2 =	seq.s32 @!p0 s5, $0x0  }
0x1f: {  	s9 =	smul.u32 $0xF7A, s1;
	s8 =	simm.s32 @!p0 $0x1BF5;
	p2 =	por !p2, p0  }
0x20: {  	[sflag:s8] =	ssyncset.s32 @!p0 $0xFFFFF086;
	s6 =	sadd.s32 @!p0 s3, s7;
	s7 =	simm.s32 @!p0 $0x108  }
0x21: {  	s3 =	sadd.s32 s3, s9;
	s6 =	sadd.s32 @!p0 $0x88, s6;
	s7 =	simm.s32 @p2 $0x1082  }
0x22: {  	[simem:s7], [sflag:s8] =	dma.local @!p0 [hbm:s6], $0xF7A  }
0x23: {  	s9 =	sor.u32 $0xD0000000, s2;
	s6 =	simm.s32 $0x108;
	_ =	swait.ge @!p0 [sflag:s8], $0x0  }
0x24: {  	s3 =	sadd.s32 $0x88, s3;
	s6 =	simm.s32 @!p1 $0x1082;
	[sflag:s4] =	ssyncset.s32 $0xFFFFF086  }
0x25: {  	[simem:s6], [sflag:s4] =	dma.local [hbm:s3], $0xF7A  }
0x26: {  	[smem:$0x3F95] =	sst s1;
	(tag) =	ssettag s2;
	_ =	strace s9  }
0x27: {  	s1 =	sld [smem:$0x3FA5]  }
0x28: {  	s2 =	sld [smem:$0x3FA6]  }
0x29: {  	s4 =	sld [smem:$0x3FA8]  }
0x2a: {  	p0 =	seq.s32 s5, $0x0;
	s5 =	sld [smem:$0x3FA9]  }
0x2b: {  	s6 =	sld [smem:$0x3FAA]  }
0x2c: {  	s7 =	sld [smem:$0x3FAB]  }
0x2d: {  	s3 =	simm.s32 $0x108;
	s8 =	sld [smem:$0x3FAC]  }
0x2e: {  	s3 =	simm.s32 @!p0 $0x1082;
	s9 =	sld [smem:$0x3FAD]  }
0x2f: {  	lr =	sadd.s32 s0, s3;
	s0 =	sld [smem:$0x3FA4]  }
0x30: {  	s3 =	sld [smem:$0x3FA7]  }
0x31: {  	[smem:$0x3FB0] =	sst s10  }
0x32: {  	s10 =	sld [smem:$0x3FAE];
	_ =	sdelay $0x3  }
0x33: {  	p0 =	seq.s32 s10, $0x1;
	s10 =	sld [smem:$0x3FB0];
	_ =	sdelay $0x3  }
0x34: {  	[smem:$0x3FB0] =	sst s10  }
0x35: {  	s10 =	sld [smem:$0x3FAF];
	_ =	sdelay $0x3  }
0x36: {  	p1 =	seq.s32 s10, $0x1;
	s10 =	sld [smem:$0x3FB0];
	_ =	sdelay $0x3  }
0x37: {  	[smem:$0x3FB0] =	sst s10  }
0x38: {  	s10 =	sld [smem:$0x3FB1]  }
0x39: {  	_ = 	snop;
	(pc) =	sbr.ind lr, $3  }
0x3a: {  	_ = 	snop  }
0x3b: {  	_ = 	snop  }
0x3c: {  	p2 =	seq.s32 s10, $0x1;
	s10 =	sld [smem:$0x3FB0]  }
0x3d: {  	_ =	shalt  }
0x3e: {  	_ =	shalt  }
0x3f: {  	_ =	shalt  }
0x40: {  	_ =	shalt  }
0x41: {  	_ =	shalt  }
0x42: {  	_ =	shalt  }
0x43: {  	_ =	shalt  }
0x44: {  	_ =	shalt  }
0x45: {  	_ =	shalt  }
0x46: {  	_ =	shalt  }
0x47: {  	_ =	shalt  }
0x48: {  	_ =	shalt  }
0x49: {  	_ =	shalt  }
0x4a: {  	_ =	shalt  }
0x4b: {  	_ =	shalt  }
0x4c: {  	_ =	shalt  }
0x4d: {  	_ =	shalt  }
0x4e: {  	_ =	shalt  }
0x4f: {  	_ =	shalt  }
0x50: {  	_ =	shalt  }
0x51: {  	_ =	shalt  }
0x52: {  	_ =	shalt  }
0x53: {  	_ =	shalt  }
0x54: {  	_ =	shalt  }
0x55: {  	_ =	shalt  }
0x56: {  	_ =	shalt  }
0x57: {  	_ =	shalt  }
0x58: {  	_ =	shalt  }
0x59: {  	_ =	shalt  }
0x5a: {  	_ =	shalt  }
0x5b: {  	_ =	shalt  }
0x5c: {  	_ =	shalt  }
0x5d: {  	_ =	shalt  }
0x5e: {  	_ =	shalt  }
0x5f: {  	_ =	shalt  }
0x60: {  	_ =	shalt  }
0x61: {  	_ =	shalt  }
0x62: {  	_ =	shalt  }
0x63: {  	_ =	shalt  }
0x64: {  	_ =	shalt  }
0x65: {  	_ =	shalt  }
0x66: {  	_ =	shalt  }
0x67: {  	_ =	shalt  }
0x68: {  	_ =	shalt  }
0x69: {  	_ =	shalt  }
0x6a: {  	_ =	shalt  }
0x6b: {  	_ =	shalt  }
0x6c: {  	_ =	shalt  }
0x6d: {  	_ =	shalt  }
0x6e: {  	_ =	shalt  }
0x6f: {  	_ =	shalt  }
0x70: {  	_ =	shalt  }
0x71: {  	_ =	shalt  }
0x72: {  	_ =	shalt  }
0x73: {  	_ =	shalt  }
0x74: {  	_ =	shalt  }
0x75: {  	_ =	shalt  }
0x76: {  	_ =	shalt  }
0x77: {  	_ =	shalt  }
0x78: {  	_ =	shalt  }
0x79: {  	_ =	shalt  }
0x7a: {  	_ =	shalt  }
0x7b: {  	_ =	shalt  }
0x7c: {  	_ =	shalt  }
0x7d: {  	_ =	shalt  }
0x7e: {  	_ =	shalt  }
0x7f: {  	_ =	shalt  }
0x80: {  	_ =	shalt  }
0x81: {  	_ =	shalt  }
0x82: {  	_ =	shalt  }
0x83: {  	_ =	shalt  }
0x84: {  	_ =	shalt  }
0x85: {  	_ =	shalt  }
0x86: {  	_ =	shalt  }
0x87: {  	_ =	shalt  }
.Lfunc_end0:
.L_simem_size_0:
called_computation.3_lowered:
.L_overlay_start_0:
0x88: {  	s2 =	sld [smem:$0x3FD9]  }
0x89: {  	s3 =	sld [smem:$0x3FFE];
	_ =	sdelay $0x1  }
0x8a: {  	s1 =	srdreg.scid  }
0x8b: {  	s0 =	sand.u32 $0x1, s1  }
0x8c: {  	s16 =	sshll.u32 s0, $0xA;
	s2 =	sadd.s32 s3, s2  }
0x8d: {  	s2 =	sadd.s32 s2, s16  }
0x8e: {  	[smem:$0x3FBC] =	sst s2  }
0x8f: {  	_ = 	snop  }
0x90: {  	(tm) =	ssettm $0x1  }
0x91: {  	s17 =	sld [smem:$0x3FFB];
	_ =	sdelay $0x3  }
0x92: {  	_ =	strace s17  }
0x93: {  	s2 =	sld [smem:$0x3FFC];
	_ =	sdelay $0x3  }
0x94: {  	_ =	strace s2  }
0x95: {  	s2 =	sld [smem:$0x3FFD];
	_ =	sdelay $0x3  }
0x96: {  	_ =	strace s2  }
0x97: {  	_ =	strace $0x8FFFFFFF  }
0x98: {  	s18 =	sld [smem:$0x3FDB];
	_ =	sdelay $0x1  }
0x99: {  	s19 =	simm.s32 $_scs_section_size  }
0x9a: {  	s4 =	simm.s32 $_size__tile_overlayer_lowered;
	s5 =	simm.s32 $_tile_overlayer_lowered  }
0x9b: {  	s22 =	simm.s32 $0x1BFF;
	s21 =	sshll.u32 s5, $0x1;
	s2 =	sadd.s32 s19, s18  }
0x9c: {  	s6 =	simm.s32 $0x0;
	s20 =	sshll.u32 s4, $0x1;
	s4 =	sadd.s32 s21, s2  }
0x9d: {  	[timem:s6], [sflag:s22] =	dma.local [hbm:s4], s20  }
0x9e: {  	_ =	swait.ge [sflag:s22], s20  }
0x9f: {  	s3 =	ssub.s32 $0x0, s20;
	[sflag:s22] =	ssyncset.done $0x0  }
0xa0: {  	[sflag:s22] =	ssyncadd.s32 s3;
	_ =	sdelay $0x1  }
0xa1: {  	s23 =	simm.s32 $0x1B8B  }
0xa2: {  	_ =	swait.ge [sflag:s23], $0x1  }
0xa3: {  	[sflag:s23] =	ssyncset.done $0x0  }
0xa4: {  	s25 =	simm.s32 $0x1B8E;
	s24 =	sld [smem:$0x3FFE];
	[sflag:s23] =	ssyncadd.s32 $0xFFFFFFFF  }
0xa5: {  	s26 =	simm.s32 $execute0_lowered;
	[smem:$0x3FD2] =	sst s25  }
0xa6: {  	s4 =	sshll.u32 s26, $0x1;
	_ =	strace $0x8000004F;
	[dreg:$0x1] =	wrdreg $0xFFFFFFFF  }
0xa7: {  	s28 =	simm.s32 $_size_execute0_lowered;
	s2 =	sadd.s32 s2, s4;
	[dreg:$0x0] =	wrdreg $0x0  }
0xa8: {  	s4 =	sshll.u32 s28, $0x1;
	[dreg:$0x2] =	wrdreg s2  }
0xa9: {  	[dreg:$0x3] =	wrdreg s4  }
0xaa: {  	[dreg:$0x4] =	wrdreg $0xC0  }
0xab: {  	_ =	task [dreg:s6], $0x5FFFF  }
0xac: {  	[dreg:$0x1] =	wrdreg $0xFFFFFFFF  }
0xad: {  	[dreg:$0x0] =	wrdreg $0x60  }
0xae: {  	[dreg:$0x2] =	wrdreg s24  }
0xaf: {  	[dreg:$0x3] =	wrdreg $0xA8000  }
0xb0: {  	[dreg:$0x4] =	wrdreg $0x9  }
0xb1: {  	_ =	task.clear_ibuf [dreg:s6], $0x5FFFF;
	_ =	strace $0x9000004F  }
0xb2: {  	s29 =	simm.s32 $0x9;
	_ =	strace $0x80000051  }
0xb3: {  	_ =	swait.ge [sflag:s29], $0x1  }
0xb4: {  	[sflag:s29] =	ssyncadd.s32 $0xFFFFFFFF  }
0xb5: {  	_ =	strace $0x90000051  }
0xb6: {  	_ =	sfence  }
0xb7: {  	s30 =	sld [smem:$0x0];
	_ =	sdelay $0x2  }
0xb8: {  	s31 =	sshll.u32 s1, $0xD;
	s1 =	sshrl.u32 s1, $0x2  }
0xb9: {  	s3 =	sand.u32 $0x4000, s31;
	s1 =	sadd.s32 s1, s30  }
0xba: {  	s0 =	sor.u32 s3, s0;
	s1 =	sshll.u32 s1, $0x11  }
0xbb: {  	s0 =	sor.u32 s1, s0  }
0xbc: {  	s0 =	sadd.s32 $0x8F2B, s0  }
0xbd: {  	[sflag:s0] =	ssyncadd.remote.s32 $0x1  }
0xbe: {  	_ =	sfence.sel $0xFFFF  }
0xbf: {  	[dreg:$0x0] =	wrdreg $0xFFFFFFFF;
	(pc) =	sbr.abs _section_cstart, $3  }
0xc0: {  	[dreg:$0x1] =	wrdreg $0xFFFFFFFF  }
0xc1: {  	_ =	task.clear_ibuf [dreg:s6], $0x2FFFF;
	_ =	strace $0x9FFFFFFF  }
0xc2: {  	(tm) =	ssettm $0x7FFFFFFF  }
0xc3: {  	_ =	shalt  }
tec
execute0_lowered:
.L_overlay_start_1:
0x0: {  	(tag) =	ssettag $0x1  }
0x1: {  	s5 =	rddreg [dreg:$0x0]  }
0x2: {  	s2 =	rddreg [dreg:$0x1]  }
0x3: {  	s0 =	rddreg [dreg:$0x2];
	s3 =	simm.s32 $0x0  }
0x4: {  	s1 =	stileid.u32;
	s4 =	srdreg.scid;
	s16 =	simm.s32 $0x6800  }
0x5: {  	s17 =	simm.s32 $0x2;
	s18 =	simm.s32 $0x2700;
	s19 =	simm.s32 $0x2680  }
0x6: {  	s20 =	simm.s32 $0x2780;
	s21 =	simm.s32 $0x0;
	[smem:$0x7FF] =	sst s3  }
0x7: {  	s6 =	smul.u32 $0x2780, s1;
	s7 =	sand.u32 $0x1, s4;
	s25 =	sshll.u32 s1, $0x1  }
0x8: {  	s4 =	sadd.s32 $0x18800, s5;
	s10 =	sadd.s32 $0x4800, s5;
	s13 =	smul.u32 $0x4F000, s1  }
0x9: {  	s31 =	sshll.u32 s1, $0x6;
	s8 =	smul.u32 $0x27800, s7;
	s9 =	sor.u32 s7, s25  }
0xa: {  	_ =	strace $0x80000050;
	s7 =	ssub.s32 $0x2, s7;
	s11 =	smul.u32 $0xA00, s9  }
0xb: {  	s12 =	sadd.s32 s6, s5;
	s9 =	smul.u32 $0x5000, s9;
	s26 =	sshrl.u32 s7, $0x1  }
0xc: {  	s29 =	sshrl.u32 s13, $0x2;
	s6 =	sadd.s32 s6, s8;
	s15 =	ssub.s32 s7, s26  }
0xd: {  	s13 =	sadd.s32 s29, s2;
	s14 =	sadd.s32 s6, s5;
	s28 =	sshrl.u32 s9, $0x3  }
0xe: {  	s5 =	sadd.s32 s10, s11;
	s6 =	sadd.s32 $0x66C00, s12;
	s9 =	smax.u32 s15, $0x1  }
0xf: {  	s11 =	sor.u32 $0x1C03, s31;
	s12 =	sshrl.u32 s13, $0x3;
	s13 =	simm.s32 $0x80  }
0x10: {  	s15 =	simm.s32 $0x1;
	s30 =	sadd.s32 s10, s28;
	s8 =	sadd.s32 $0xDC800, s14  }
0x11: {  	s10 =	simm.s32 $0x3;
	s14 =	simm.s32 $0x2800;
	s7 =	sadd.s32 $0x500, s30  }
.LBB2_1:
0x12: {  	[tilespmem:s3], [sflag:$0x3] =	stream.linear.gather [hbm4b:s5+s3], $0x2800, $0x38;
	[tilespmem:$0x1E400] =	vst v63  }
0x13: {  	_ =	swait.ge [sflag:s10], $0x2800  }
0x14: {  	[sflag:s10] =	ssyncset.done $0x0  }
0x15: {  	[sflag:s10] =	ssyncadd.s32 $0xFFFFD800  }
0x16: {  	[spmem:s12], [sflag:s11] =	dma.local [hbm:s6], $0x2780  }
0x17: {  	_ =	swait.ge [sflag:s10], $0x2780  }
0x18: {  	[sflag:s10] =	ssyncset.done $0x0  }
0x19: {  	[sflag:s10] =	ssyncadd.s32 $0xFFFFD880  }
0x1a: {  	[bflag:$0x0] =	sbarrier.arrive $0xFFFF  }
0x1b: {  	[tilespmem:s14], [sflag:$0x1] =	stream.indirect.gather [hbm4b:s4+s13], $0x80, s3, s13, $0xb8;
	[tilespmem:$0x1E400] =	vst v63  }
0x1c: {  	_ =	swait.ge [sflag:s15], $0x4000  }
0x1d: {  	[sflag:s15] =	ssyncset.done $0x0  }
0x1e: {  	s22 =	simm.s32 $0x100;
	[sflag:s15] =	ssyncadd.s32 $0xFFFFC000  }
0x1f: {  	[tilespmem:s16], [sflag:$0x2] =	stream.indirect.gather [hbm4b:s4+s13], $0x80, s22, s13, $0xb8;
	[tilespmem:$0x1E400] =	vst v63  }
0x20: {  	s29 =	simm.s32 $0x80  }
0x21: {  	[spmem:s2] =	stream.indirect.scatter.add.f32 [tilespmem:s14], [sflag:$0x3], $0x80, s29, s13, $0xb8;
	[tilespmem:$0x1E400] =	vst v63  }
0x22: {  	_ =	swait.ge [sflag:s10], $0x4000  }
0x23: {  	[sflag:s10] =	ssyncset.done $0x0  }
0x24: {  	[sflag:s10] =	ssyncadd.s32 $0xFFFFC000  }
0x25: {  	_ =	swait.ge [sflag:s17], $0x4000  }
0x26: {  	[sflag:s17] =	ssyncset.done $0x0  }
0x27: {  	s30 =	simm.s32 $0x200;
	[sflag:s17] =	ssyncadd.s32 $0xFFFFC000  }
0x28: {  	[tilespmem:s14], [sflag:$0x1] =	stream.indirect.gather [hbm4b:s4+s13], $0x80, s30, s13, $0xb8;
	[tilespmem:$0x1E400] =	vst v63  }
0x29: {  	s31 =	simm.s32 $0x180  }
0x2a: {  	[spmem:s2] =	stream.indirect.scatter.add.f32 [tilespmem:s16], [sflag:$0x3], $0x80, s31, s13, $0xb8;
	[tilespmem:$0x1E400] =	vst v63  }
0x2b: {  	_ =	swait.ge [sflag:s10], $0x4000  }
0x2c: {  	s22 =	simm.s32 $0xFFFF7000;
	[sflag:s10] =	ssyncset.done $0x0  }
.LBB2_2:
0x2d: {  	p0 =	sne.s32 s22, $0xFFFFF800  }
0x2e: {  	[sflag:s10] =	ssyncadd.s32 $0xFFFFC000;
	s23 =	smov.u32 s22;
	s22 =	sadd.s32 $0x800, s22  }
0x2f: {  	_ = 	snop  }
0x30: {  	_ =	swait.ge [sflag:s15], $0x4000  }
0x31: {  	s23 =	sshra.s32 s23, $0x2;
	[sflag:s15] =	ssyncset.done $0x0  }
0x32: {  	s24 =	sadd.s32 $0x2700, s23;
	[sflag:s15] =	ssyncadd.s32 $0xFFFFC000  }
0x33: {  	[tilespmem:s16], [sflag:$0x2] =	stream.indirect.gather [hbm4b:s4+s13], $0x80, s24, s13, $0xb8;
	[tilespmem:$0x1E400] =	vst v63  }
0x34: {  	s24 =	sadd.s32 $0x2680, s23  }
0x35: {  	[spmem:s2] =	stream.indirect.scatter.add.f32 [tilespmem:s14], [sflag:$0x3], $0x80, s24, s13, $0xb8;
	[tilespmem:$0x1E400] =	vst v63  }
0x36: {  	_ =	swait.ge [sflag:s10], $0x4000  }
0x37: {  	[sflag:s10] =	ssyncset.done $0x0  }
0x38: {  	[sflag:s10] =	ssyncadd.s32 $0xFFFFC000  }
0x39: {  	_ =	swait.ge [sflag:s17], $0x4000  }
0x3a: {  	[sflag:s17] =	ssyncset.done $0x0  }
0x3b: {  	s24 =	sadd.s32 $0x2800, s23;
	[sflag:s17] =	ssyncadd.s32 $0xFFFFC000  }
0x3c: {  	[tilespmem:s14], [sflag:$0x1] =	stream.indirect.gather [hbm4b:s4+s13], $0x80, s24, s13, $0xb8;
	[tilespmem:$0x1E400] =	vst v63  }
.Ltmp0:
0x3d: {  	_ = 	snop;
	(pc) =	sbr.rel @p0 .LBB2_2-.Ltmp0, $4  }
0x3e: {  	s23 =	sadd.s32 $0x2780, s23  }
0x3f: {  	[spmem:s2] =	stream.indirect.scatter.add.f32 [tilespmem:s16], [sflag:$0x3], $0x80, s23, s13, $0xb8;
	[tilespmem:$0x1E400] =	vst v63  }
0x40: {  	_ =	swait.ge [sflag:s10], $0x4000  }
0x41: {  	[sflag:s10] =	ssyncset.done $0x0  }
0x42: {  	[sflag:s10] =	ssyncadd.s32 $0xFFFFC000  }
0x43: {  	_ =	swait.ge [sflag:s15], $0x4000  }
0x44: {  	[sflag:s15] =	ssyncset.done $0x0  }
0x45: {  	[sflag:s15] =	ssyncadd.s32 $0xFFFFC000  }
0x46: {  	[tilespmem:s16], [sflag:$0x2] =	stream.indirect.gather [hbm4b:s4+s13], $0x80, s18, s13, $0xb8;
	[tilespmem:$0x1E400] =	vst v63  }
0x47: {  	_ = 	snop  }
0x48: {  	[spmem:s2] =	stream.indirect.scatter.add.f32 [tilespmem:s14], [sflag:$0x3], $0x80, s19, s13, $0xb8;
	[tilespmem:$0x1E400] =	vst v63  }
0x49: {  	_ =	swait.ge [sflag:s10], $0x4000  }
0x4a: {  	[sflag:s10] =	ssyncset.done $0x0  }
0x4b: {  	[sflag:s10] =	ssyncadd.s32 $0xFFFFC000  }
0x4c: {  	_ =	swait.ge [sflag:s17], $0x4000  }
0x4d: {  	[sflag:s17] =	ssyncset.done $0x0  }
0x4e: {  	[sflag:s17] =	ssyncadd.s32 $0xFFFFC000  }
0x4f: {  	[spmem:s2] =	stream.indirect.scatter.add.f32 [tilespmem:s16], [sflag:$0x3], $0x80, s20, s13, $0xb8;
	[tilespmem:$0x1E400] =	vst v63  }
0x50: {  	_ =	swait.ge [sflag:s10], $0x4000  }
0x51: {  	[sflag:s10] =	ssyncset.done $0x0  }
0x52: {  	[sflag:s10] =	ssyncadd.s32 $0xFFFFC000  }
0x53: {  	[tilespmem:s3], [sflag:$0x3] =	stream.linear.gather [hbm4b:s7+s3], $0x2800, $0x38;
	[tilespmem:$0x1E400] =	vst v63  }
0x54: {  	_ =	swait.ge [sflag:s10], $0x2800  }
0x55: {  	[sflag:s10] =	ssyncset.done $0x0  }
0x56: {  	[sflag:s10] =	ssyncadd.s32 $0xFFFFD800  }
0x57: {  	[tilespmem:s14], [sflag:$0x1] =	stream.indirect.gather [hbm4b:s4+s13], $0x80, s3, s13, $0xb8;
	[tilespmem:$0x1E400] =	vst v63  }
0x58: {  	_ =	swait.ge [sflag:s15], $0x4000  }
0x59: {  	[sflag:s15] =	ssyncset.done $0x0  }
0x5a: {  	s22 =	simm.s32 $0x100;
	[sflag:s15] =	ssyncadd.s32 $0xFFFFC000  }
0x5b: {  	[tilespmem:s16], [sflag:$0x2] =	stream.indirect.gather [hbm4b:s4+s13], $0x80, s22, s13, $0xb8;
	[tilespmem:$0x1E400] =	vst v63  }
0x5c: {  	s29 =	simm.s32 $0x80  }
0x5d: {  	[spmem:s2] =	stream.indirect.scatter.add.f32 [tilespmem:s14], [sflag:$0x3], $0x80, s29, s13, $0xb8;
	[tilespmem:$0x1E400] =	vst v63  }
0x5e: {  	_ =	swait.ge [sflag:s10], $0x4000  }
0x5f: {  	[sflag:s10] =	ssyncset.done $0x0  }
0x60: {  	[sflag:s10] =	ssyncadd.s32 $0xFFFFC000  }
0x61: {  	_ =	swait.ge [sflag:s17], $0x4000  }
0x62: {  	[sflag:s17] =	ssyncset.done $0x0  }
0x63: {  	s30 =	simm.s32 $0x200;
	[sflag:s17] =	ssyncadd.s32 $0xFFFFC000  }
0x64: {  	[tilespmem:s14], [sflag:$0x1] =	stream.indirect.gather [hbm4b:s4+s13], $0x80, s30, s13, $0xb8;
	[tilespmem:$0x1E400] =	vst v63  }
0x65: {  	s31 =	simm.s32 $0x180  }
0x66: {  	[spmem:s2] =	stream.indirect.scatter.add.f32 [tilespmem:s16], [sflag:$0x3], $0x80, s31, s13, $0xb8;
	[tilespmem:$0x1E400] =	vst v63  }
0x67: {  	_ =	swait.ge [sflag:s10], $0x4000  }
0x68: {  	s22 =	simm.s32 $0xFFFF7000;
	[sflag:s10] =	ssyncset.done $0x0  }
.LBB2_4:
0x69: {  	p0 =	sne.s32 s22, $0xFFFFF800  }
0x6a: {  	[sflag:s10] =	ssyncadd.s32 $0xFFFFC000;
	s23 =	smov.u32 s22;
	s22 =	sadd.s32 $0x800, s22  }
0x6b: {  	_ = 	snop  }
0x6c: {  	_ =	swait.ge [sflag:s15], $0x4000  }
0x6d: {  	s23 =	sshra.s32 s23, $0x2;
	[sflag:s15] =	ssyncset.done $0x0  }
0x6e: {  	s24 =	sadd.s32 $0x2700, s23;
	[sflag:s15] =	ssyncadd.s32 $0xFFFFC000  }
0x6f: {  	[tilespmem:s16], [sflag:$0x2] =	stream.indirect.gather [hbm4b:s4+s13], $0x80, s24, s13, $0xb8;
	[tilespmem:$0x1E400] =	vst v63  }
0x70: {  	s24 =	sadd.s32 $0x2680, s23  }
0x71: {  	[spmem:s2] =	stream.indirect.scatter.add.f32 [tilespmem:s14], [sflag:$0x3], $0x80, s24, s13, $0xb8;
	[tilespmem:$0x1E400] =	vst v63  }
0x72: {  	_ =	swait.ge [sflag:s10], $0x4000  }
0x73: {  	[sflag:s10] =	ssyncset.done $0x0  }
0x74: {  	[sflag:s10] =	ssyncadd.s32 $0xFFFFC000  }
0x75: {  	_ =	swait.ge [sflag:s17], $0x4000  }
0x76: {  	[sflag:s17] =	ssyncset.done $0x0  }
0x77: {  	s24 =	sadd.s32 $0x2800, s23;
	[sflag:s17] =	ssyncadd.s32 $0xFFFFC000  }
0x78: {  	[tilespmem:s14], [sflag:$0x1] =	stream.indirect.gather [hbm4b:s4+s13], $0x80, s24, s13, $0xb8;
	[tilespmem:$0x1E400] =	vst v63  }
.Ltmp1:
0x79: {  	_ = 	snop;
	(pc) =	sbr.rel @p0 .LBB2_4-.Ltmp1, $4  }
0x7a: {  	s23 =	sadd.s32 $0x2780, s23  }
0x7b: {  	[spmem:s2] =	stream.indirect.scatter.add.f32 [tilespmem:s16], [sflag:$0x3], $0x80, s23, s13, $0xb8;
	[tilespmem:$0x1E400] =	vst v63  }
0x7c: {  	_ =	swait.ge [sflag:s10], $0x4000  }
0x7d: {  	[sflag:s10] =	ssyncset.done $0x0  }
0x7e: {  	[sflag:s10] =	ssyncadd.s32 $0xFFFFC000  }
0x7f: {  	_ =	swait.ge [sflag:s15], $0x4000  }
0x80: {  	[sflag:s15] =	ssyncset.done $0x0  }
0x81: {  	[sflag:s15] =	ssyncadd.s32 $0xFFFFC000  }
0x82: {  	[tilespmem:s16], [sflag:$0x2] =	stream.indirect.gather [hbm4b:s4+s13], $0x80, s18, s13, $0xb8;
	[tilespmem:$0x1E400] =	vst v63  }
0x83: {  	_ = 	snop  }
0x84: {  	[spmem:s2] =	stream.indirect.scatter.add.f32 [tilespmem:s14], [sflag:$0x3], $0x80, s19, s13, $0xb8;
	[tilespmem:$0x1E400] =	vst v63  }
0x85: {  	_ =	swait.ge [sflag:s10], $0x4000  }
0x86: {  	[sflag:s10] =	ssyncset.done $0x0  }
0x87: {  	[sflag:s10] =	ssyncadd.s32 $0xFFFFC000  }
0x88: {  	_ =	swait.ge [sflag:s17], $0x4000  }
0x89: {  	[sflag:s17] =	ssyncset.done $0x0  }
0x8a: {  	[sflag:s17] =	ssyncadd.s32 $0xFFFFC000  }
0x8b: {  	[spmem:s2] =	stream.indirect.scatter.add.f32 [tilespmem:s16], [sflag:$0x3], $0x80, s20, s13, $0xb8;
	[tilespmem:$0x1E400] =	vst v63  }
0x8c: {  	_ =	swait.ge [sflag:s10], $0x4000  }
0x8d: {  	s21 =	sadd.s32 $0x1, s21;
	[sflag:s10] =	ssyncset.done $0x0  }
0x8e: {  	p0 =	sne.s32 s21, s9;
	[sflag:s10] =	ssyncadd.s32 $0xFFFFC000  }
.Ltmp2:
0x8f: {  	[bflag:$0x0] =	sbarrier.arrive $0xFFFF;
	(pc) =	sbr.rel @p0 .LBB2_1-.Ltmp2, $4  }
0x90: {  	[hbm:s8], [sflag:s11] =	dma.local [spmem:s12], $0x2780  }
0x91: {  	_ =	swait.ge [sflag:s10], $0x2780  }
0x92: {  	[sflag:s10] =	ssyncset.done $0x0  }
0x93: {  	[sflag:s10] =	ssyncadd.s32 $0xFFFFD880  }
0x94: {  	_ =	sfence.sel $0x180000  }
0x95: {  	[bflag:$0x0] =	sbarrier.arrive $0xFFFF  }
0x96: {  	p0 =	sne.s32 s1, $0x0;
	_ =	strace $0x90000050  }
0x97: {  	s0 =	sadd.s32 @!p0 $0x100000, s0;
	[bflag:$0x2] =	sbarrier.arrive $0xFFFF  }
0x98: {  	[sflag:s0] =	ssyncadd.tile.s32 @!p0 $0x1;
	_ =	shalt  }
.Lfunc_end2:
_tile_overlayer_lowered:
.L_overlay_start_2:
0x99: {  	(tag) =	ssettag $0x2  }
0x9a: {  	s0 =	rddreg [dreg:$0x0];
	s2 =	stileid.u32  }
0x9b: {  	s1 =	rddreg [dreg:$0x1];
	p0 =	sne.s32 s2, $0x0  }
0x9c: {  	s3 =	rddreg [dreg:$0x2];
	[bflag:$0x3] =	sbarrier.arrive $0xFFFF;
	s2 =	simm.s32 @!p0 $0x1C03  }
0x9d: {  	[timem:s3], [sflag:s2] =	dma.local @!p0 [hbm:s0], s1  }
0x9e: {  	s0 =	simm.s32 @!p0 $0x3  }
0x9f: {  	_ =	swait.ge @!p0 [sflag:s0], s1  }
0xa0: {  	s1 =	ssub.s32 @!p0 $0x0, s1;
	[sflag:s0] =	ssyncset.done @!p0 $0x0  }
0xa1: {  	[sflag:s0] =	ssyncadd.s32 @!p0 s1  }
0xa2: {  	[bflag:$0x3] =	sbarrier.arrive $0xFFFF  }
0xa3: {  	_ =	shalt  }

</sc_bundles>
